<compile_context>
chip_gen: v7x
topology: tpu7x:2x2x1
jax: 0.10.2.dev20260603
libtpu: 0.0.44.dev20260713+nightly
codegen_flags: <defaults>
</compile_context>

<pallas_src>
import functools

import jax
import jax.numpy as jnp
from jax import lax
from jax.experimental import pallas as pl
from jax.experimental.pallas import tpu as pltpu
from jax.experimental.pallas import tpu_sc as plsc

N = 10000
E = 150000
NC = 2
NS = 16
CH = 64
R = 75
EPAD = NC * NS * R * CH
NPAD = 10240
RPT = NPAD // NS

def _get_mesh():
    return plsc.VectorSubcoreMesh(
        core_axis_name="c", subcore_axis_name="s",
        num_cores=NC, num_subcores=NS)


def _make_deg_kernel():

    @functools.partial(
        pl.kernel,
        out_type=jax.ShapeDtypeStruct((NC * NPAD,), jnp.float32),
        mesh=_get_mesh(),
        scratch_types=[
            pltpu.VMEM((R, CH), jnp.int32),
            pltpu.VMEM((CH,), jnp.float32),
            pltpu.VMEM((CH,), jnp.float32),
            pltpu.VMEM_SHARED((NPAD,), jnp.float32),
        ],
    )
    def deg_kernel(dst2, out, idx_d, ones_v, zbuf, acc):
        c = lax.axis_index("c")
        s = lax.axis_index("s")
        tid = c * NS + s
        for k in range(CH // 16):
            ones_v[pl.ds(16 * k, 16)] = jnp.ones((16,), jnp.float32)
            zbuf[pl.ds(16 * k, 16)] = jnp.zeros((16,), jnp.float32)

        def zcopy(t, carry):
            pltpu.sync_copy(zbuf, acc.at[pl.ds(s * RPT + t * CH, CH)])
            return carry

        lax.fori_loop(0, RPT // CH, zcopy, 0)
        pltpu.sync_copy(dst2.at[tid], idx_d)
        plsc.subcore_barrier()

        def body(j, carry):
            pltpu.sync_copy(ones_v, acc.at[idx_d.at[j]], add=True)
            return carry

        lax.fori_loop(0, R, body, 0)
        plsc.subcore_barrier()
        pltpu.sync_copy(acc.at[pl.ds(s * RPT, RPT)],
                        out.at[pl.ds(c * NPAD + s * RPT, RPT)])

    return deg_kernel


def _make_agg_kernel(F):

    @functools.partial(
        pl.kernel,
        out_type=jax.ShapeDtypeStruct((NC * NPAD, F), jnp.float32),
        mesh=_get_mesh(),
        scratch_types=[
            pltpu.VMEM((R, CH), jnp.int32),
            pltpu.VMEM((R, CH), jnp.int32),
            pltpu.VMEM((CH, F), jnp.float32),
            pltpu.VMEM((CH, F), jnp.float32),
            pltpu.VMEM((CH, F), jnp.float32),
            pltpu.VMEM_SHARED((NPAD, F), jnp.float32),
        ] + [pltpu.SemaphoreType.DMA] * 3,
    )
    def agg_kernel(hs, src2, dst2, out, idx_s, idx_d, rows0, rows1,
                   rows2, acc, sem_a, sem_b, sem_c):
        c = lax.axis_index("c")
        s = lax.axis_index("s")
        tid = c * NS + s

        zero16 = jnp.zeros((16,), jnp.float32)

        def zrow(r, carry):
            for k in range(F // 16):
                rows0[r, pl.ds(16 * k, 16)] = zero16
            return carry

        lax.fori_loop(0, CH, zrow, 0)

        def zcopy(t, carry):
            pltpu.sync_copy(rows0, acc.at[pl.ds(s * RPT + t * CH, CH)])
            return carry

        lax.fori_loop(0, RPT // CH, zcopy, 0)
        pltpu.sync_copy(src2.at[tid], idx_s)
        pltpu.sync_copy(dst2.at[tid], idx_d)
        plsc.subcore_barrier()

        bufs = (rows0, rows1, rows2)
        sems = (sem_a, sem_b, sem_c)
        pltpu.async_copy(hs.at[idx_s.at[0]], rows0, sem_a)
        pltpu.async_copy(hs.at[idx_s.at[1]], rows1, sem_b)
        nit = R // 3

        def outer(k, carry):
            j0 = 3 * k
            for b in range(3):
                j = j0 + b
                pltpu.async_copy(hs.at[idx_s.at[j + 2]], bufs[(b + 2) % 3],
                                 sems[(b + 2) % 3])
                pltpu.make_async_copy(hs.at[idx_s.at[j]], bufs[b],
                                      sems[b]).wait()
                pltpu.sync_copy(bufs[b], acc.at[idx_d.at[j]], add=True)
            return carry

        lax.fori_loop(0, nit - 1, outer, 0)
        j0 = R - 3
        pltpu.async_copy(hs.at[idx_s.at[j0 + 2]], bufs[(j0 + 2) % 3],
                         sems[(j0 + 2) % 3])
        for b in range(3):
            j = j0 + b
            pltpu.make_async_copy(hs.at[idx_s.at[j]], bufs[(j) % 3],
                                  sems[(j) % 3]).wait()
            pltpu.sync_copy(bufs[(j) % 3], acc.at[idx_d.at[j]], add=True)
        plsc.subcore_barrier()
        pltpu.sync_copy(acc.at[pl.ds(s * RPT, RPT)],
                        out.at[pl.ds(c * NPAD + s * RPT, RPT)])

    return agg_kernel


_sc_cache = {}


def _deg_call(*args):
    if "deg" not in _sc_cache:
        _sc_cache["deg"] = _make_deg_kernel()
    return _sc_cache["deg"](*args)


def _agg_call(F, *args):
    if F not in _sc_cache:
        _sc_cache[F] = _make_agg_kernel(F)
    return _sc_cache[F](*args)

_BLK = 1000
_GRID = N // _BLK


def _mm1_body(degp_ref, x_ref, w_ref, hs_ref, dis_ref):
    dis = lax.rsqrt(degp_ref[0] + degp_ref[1] + 1.0)
    hs_ref[...] = dis * jnp.dot(x_ref[...], w_ref[...],
                                preferred_element_type=jnp.float32)
    dis_ref[...] = dis


def _mm1(degp, x, w1):
    return pl.pallas_call(
        _mm1_body,
        grid=(_GRID,),
        in_specs=[
            pl.BlockSpec((2, _BLK, 1), lambda i: (0, i, 0)),
            pl.BlockSpec((_BLK, 512), lambda i: (i, 0)),
            pl.BlockSpec((512, 128), lambda i: (0, 0)),
        ],
        out_specs=[
            pl.BlockSpec((_BLK, 128), lambda i: (i, 0)),
            pl.BlockSpec((_BLK, 1), lambda i: (i, 0)),
        ],
        out_shape=[
            jax.ShapeDtypeStruct((NPAD, 128), jnp.float32),
            jax.ShapeDtypeStruct((NPAD, 1), jnp.float32),
        ],
    )(degp, x, w1)


def _mid_body(dis_ref, agg_ref, hs_ref, w_ref, b_ref, o_ref):
    dis = dis_ref[...]
    h = jnp.maximum(dis * (agg_ref[0] + agg_ref[1] + hs_ref[...]) + b_ref[...],
                    0.0)
    o_ref[...] = dis * jnp.dot(h, w_ref[...],
                               preferred_element_type=jnp.float32)


def _mid(dis, agg, hs, w, b, fin, fout):
    return pl.pallas_call(
        _mid_body,
        grid=(_GRID,),
        in_specs=[
            pl.BlockSpec((_BLK, 1), lambda i: (i, 0)),
            pl.BlockSpec((2, _BLK, fin), lambda i: (0, i, 0)),
            pl.BlockSpec((_BLK, fin), lambda i: (i, 0)),
            pl.BlockSpec((fin, fout), lambda i: (0, 0)),
            pl.BlockSpec((1, fin), lambda i: (0, 0)),
        ],
        out_specs=pl.BlockSpec((_BLK, fout), lambda i: (i, 0)),
        out_shape=jax.ShapeDtypeStruct((NPAD, fout), jnp.float32),
    )(dis, agg, hs, w, b)


def _fin_body(dis_ref, agg_ref, p_ref, b_ref, batch_ref, o_ref, g_ref, c_ref):
    i = pl.program_id(0)
    out3 = (dis_ref[...] * (agg_ref[0] + agg_ref[1] + p_ref[...])
            + b_ref[...])[:, 0:2]
    seg = (batch_ref[...] == lax.broadcasted_iota(jnp.int32, (1, 64), 1)
           ).astype(jnp.float32)
    g_blk = lax.dot_general(seg, out3, (((0,), (0,)), ((), ())),
                            preferred_element_type=jnp.float32)
    c_blk = lax.dot_general(seg, jnp.ones_like(out3), (((0,), (0,)), ((), ())),
                            preferred_element_type=jnp.float32)

    @pl.when(i == 0)
    def _():
        g_ref[...] = jnp.zeros_like(g_ref)
        c_ref[...] = jnp.zeros_like(c_ref)

    g_ref[...] += g_blk
    c_ref[...] += c_blk

    @pl.when(i == _GRID - 1)
    def _():
        lg = g_ref[...] / jnp.maximum(c_ref[...], 1.0)
        m = jnp.max(lg, axis=1, keepdims=True)
        ls = lg - m - jnp.log(jnp.sum(jnp.exp(lg - m), axis=1, keepdims=True))
        o_ref[...] = jnp.concatenate(
            [ls, jnp.zeros((64, 14), jnp.float32)], axis=1)


def _final(dis, agg, p, b4p, batch2d):
    return pl.pallas_call(
        _fin_body,
        grid=(_GRID,),
        in_specs=[
            pl.BlockSpec((_BLK, 1), lambda i: (i, 0)),
            pl.BlockSpec((2, _BLK, 128), lambda i: (0, i, 0)),
            pl.BlockSpec((_BLK, 128), lambda i: (i, 0)),
            pl.BlockSpec((1, 128), lambda i: (0, 0)),
            pl.BlockSpec((_BLK, 1), lambda i: (i, 0)),
        ],
        out_specs=pl.BlockSpec((64, 16), lambda i: (0, 0)),
        out_shape=jax.ShapeDtypeStruct((64, 16), jnp.float32),
        scratch_shapes=[
            pltpu.VMEM((64, 2), jnp.float32),
            pltpu.VMEM((64, 2), jnp.float32),
        ],
    )(dis, agg, p, b4p, batch2d)


def kernel(x, edge_index, batch, W1, b1, W3, b3, W4, b4):
    ei = edge_index.astype(jnp.int32)
    pad_iota = jnp.arange(EPAD - E, dtype=jnp.int32)
    pad_src = pad_iota % N
    pad_dst = N + pad_iota % (NPAD - N)
    src2 = jnp.concatenate([ei[0], pad_src]).reshape(NC * NS, R, CH)
    dst2 = jnp.concatenate([ei[1], pad_dst]).reshape(NC * NS, R, CH)
    batch2d = batch.astype(jnp.int32).reshape(N, 1)

    degp = _deg_call(dst2).reshape(NC, NPAD, 1)
    hs1, dis = _mm1(degp, x, W1)

    agg1 = _agg_call(128, hs1, src2, dst2).reshape(NC, NPAD, 128)
    w3p = jnp.pad(W3, ((0, 0), (0, 96)))
    hs2 = _mid(dis, agg1, hs1, w3p, b1.reshape(1, 128), 128, 128)

    agg2 = _agg_call(128, hs2, src2, dst2).reshape(NC, NPAD, 128)
    w4p = jnp.pad(W4, ((0, 96), (0, 126)))
    b3p = jnp.pad(b3, (0, 96)).reshape(1, 128)
    p = _mid(dis, agg2, hs2, w4p, b3p, 128, 128)

    agg3 = _agg_call(128, p, src2, dst2).reshape(NC, NPAD, 128)
    b4p = jnp.pad(b4, (0, 126)).reshape(1, 128)
    out = _final(dis, agg3, p, b4p, batch2d)
    return out[:, :2]

# --- scband reference (transcript-rebuilt; emitter-appended) ---
"""Pipeline reference for scband-gcn-11338713662017 (READ-ONLY COPY).

The authoritative reference and input builder live on the scoring server;
editing this copy changes nothing except your own understanding.
"""

import jax, jax.numpy as jnp
import numpy as np

N_NODES = 10000
N_EDGES = 150000
FEATURES_NUM = 512
NUM_GRAPHS = 64


def _glorot(key, shape):
    fan_in, fan_out = shape
    limit = jnp.sqrt(6.0 / (fan_in + fan_out))
    return jax.random.uniform(key, shape, minval=-limit, maxval=limit, dtype=jnp.float32)


def setup_inputs(seed: int = 0) -> dict:
    key = jax.random.key(seed)
    ks = jax.random.split(key, 10)
    x = jax.random.normal(ks[0], (N_NODES, FEATURES_NUM), dtype=jnp.float32)
    edge_index = jax.random.randint(ks[1], (2, N_EDGES), 0, N_NODES, dtype=jnp.int64)
    batch = jnp.sort(jax.random.randint(ks[2], (N_NODES,), 0, NUM_GRAPHS, dtype=jnp.int64))
    W1 = _glorot(ks[3], (FEATURES_NUM, 128)); b1 = jnp.zeros((128,), dtype=jnp.float32)
    W3 = _glorot(ks[4], (128, 32)); b3 = jnp.zeros((32,), dtype=jnp.float32)
    W4 = _glorot(ks[5], (32, 2)); b4 = jnp.zeros((2,), dtype=jnp.float32)
    return {"x": x, "edge_index": edge_index, "batch": batch,
            "W1": W1, "b1": b1, "W3": W3, "b3": b3, "W4": W4, "b4": b4}


def gcn_conv(x, edge_index, W, b):
    # PyG GCNConv: add self-loops, symmetric deg normalization, linear, scatter-add
    n = x.shape[0]
    loop = jnp.arange(n, dtype=edge_index.dtype)
    src = jnp.concatenate([edge_index[0], loop])
    dst = jnp.concatenate([edge_index[1], loop])
    deg = jnp.zeros((n,), dtype=jnp.float32).at[dst].add(1.0)
    dis = jnp.where(deg > 0, jax.lax.rsqrt(jnp.maximum(deg, 1e-12)), 0.0)
    norm = dis[src] * dis[dst]
    h = x @ W
    msg = h[src] * norm[:, None]
    out = jnp.zeros((n, W.shape[1]), dtype=jnp.float32).at[dst].add(msg)
    return out + b


def global_mean_pool(x, batch, num_graphs):
    s = jax.ops.segment_sum(x, batch, num_segments=num_graphs)
    cnt = jax.ops.segment_sum(jnp.ones((batch.shape[0],), dtype=jnp.float32), batch, num_segments=num_graphs)
    return s / jnp.maximum(cnt, 1.0)[:, None]


def reference(x, edge_index, batch, W1, b1, W3, b3, W4, b4):
    h = gcn_conv(x, edge_index, W1, b1)
    h = jax.nn.relu(h)
    # dropout p=0.3 is identity in eval mode
    h = gcn_conv(h, edge_index, W3, b3)
    h = jax.nn.relu(h)
    h = gcn_conv(h, edge_index, W4, b4)
    g = global_mean_pool(h, batch, NUM_GRAPHS)
    return jax.nn.log_softmax(g, axis=1)

if __name__ == "__main__":
    import jax
    _d = setup_inputs()
    print(jax.jit(kernel)(*tuple(_d.values())))

</pallas_src>

<mosaic_0001>
#map = affine_map<(d0, d1) -> (0, 0)>
#map1 = affine_map<(d0, d1) -> (0, 0, 0)>
module attributes {stable_mosaic.version = 14 : i64} {
  func.func @agg_kernel(%arg0: i32, %arg1: i32, %arg2: memref<10240x128xf32, #tpu.memory_space<hbm>>, %arg3: memref<32x75x64xi32, #tpu.memory_space<hbm>>, %arg4: memref<32x75x64xi32, #tpu.memory_space<hbm>>, %arg5: memref<20480x128xf32, #tpu.memory_space<hbm>>, %arg6: memref<75x64xi32, #tpu.memory_space<vmem>>, %arg7: memref<75x64xi32, #tpu.memory_space<vmem>>, %arg8: memref<64x128xf32, #tpu.memory_space<vmem>>, %arg9: memref<64x128xf32, #tpu.memory_space<vmem>>, %arg10: memref<64x128xf32, #tpu.memory_space<vmem>>, %arg11: memref<10240x128xf32, #tpu.memory_space<vmem_shared>>, %arg12: memref<!tpu.dma_semaphore, #tpu.memory_space<semaphore_mem>>, %arg13: memref<!tpu.dma_semaphore, #tpu.memory_space<semaphore_mem>>, %arg14: memref<!tpu.dma_semaphore, #tpu.memory_space<semaphore_mem>>) attributes {dimension_semantics = [#tpu.dimension_semantics<core_parallel>, #tpu.dimension_semantics<subcore_parallel>], iteration_bounds = array<i64: 2, 16>, scalar_prefetch = 0 : i64, scratch_operands = 9 : i64, tpu.core_type = #tpu.core_type<sc_vector_subcore>, window_params = [{transform_indices = #map}, {transform_indices = #map1}, {transform_indices = #map1}, {transform_indices = #map}]} {
    %mul3A = arith.constant 16 : i32
    %mul3A_0 = arith.muli %arg0, %mul3A : i32
    %add3A = arith.addi %mul3A_0, %arg1 : i32
    %broadcast_in_dim3A = arith.constant 0.000000e+00 : f32
    %broadcast_in_dim3A_1 = vector.broadcast %broadcast_in_dim3A : f32 to vector<16xf32>
    %scan3A = arith.constant 0 : i32
    %scan3A_2 = arith.constant 0 : i32
    %scan3A_3 = arith.constant 64 : i32
    %scan3A_4 = arith.addi %scan3A_2, %scan3A_3 : i32
    %scan3A_5 = arith.constant 1 : i32
    scf.for %scan3A_69 = %scan3A_2 to %scan3A_4 step %scan3A_5  : i32 {
      %swap3A = arith.index_cast %scan3A_69 : i32 to index
      %swap3A_70 = arith.constant 0 : index
      %swap3A_71 = tpu.vector_load %arg8[%swap3A, %swap3A_70] {strides = array<i32>} : memref<64x128xf32, #tpu.memory_space<vmem>>, vector<1x16xf32>,
      %swap3A_72 = vector.shape_cast %swap3A_71 : vector<1x16xf32> to vector<16xf32>
      %swap3A_73 = vector.shape_cast %broadcast_in_dim3A_1 : vector<16xf32> to vector<1x16xf32>
      tpu.vector_store %arg8[%swap3A, %swap3A_70], %swap3A_73 {strides = array<i32>} : memref<64x128xf32, #tpu.memory_space<vmem>>, vector<1x16xf32>,
      %swap3A_74 = arith.index_cast %scan3A_69 : i32 to index
      %swap3A_75 = arith.constant 16 : index
      %swap3A_76 = tpu.vector_load %arg8[%swap3A_74, %swap3A_75] {strides = array<i32>} : memref<64x128xf32, #tpu.memory_space<vmem>>, vector<1x16xf32>,
      %swap3A_77 = vector.shape_cast %swap3A_76 : vector<1x16xf32> to vector<16xf32>
      %swap3A_78 = vector.shape_cast %broadcast_in_dim3A_1 : vector<16xf32> to vector<1x16xf32>
      tpu.vector_store %arg8[%swap3A_74, %swap3A_75], %swap3A_78 {strides = array<i32>} : memref<64x128xf32, #tpu.memory_space<vmem>>, vector<1x16xf32>,
      %swap3A_79 = arith.index_cast %scan3A_69 : i32 to index
      %swap3A_80 = arith.constant 32 : index
      %swap3A_81 = tpu.vector_load %arg8[%swap3A_79, %swap3A_80] {strides = array<i32>} : memref<64x128xf32, #tpu.memory_space<vmem>>, vector<1x16xf32>,
      %swap3A_82 = vector.shape_cast %swap3A_81 : vector<1x16xf32> to vector<16xf32>
      %swap3A_83 = vector.shape_cast %broadcast_in_dim3A_1 : vector<16xf32> to vector<1x16xf32>
      tpu.vector_store %arg8[%swap3A_79, %swap3A_80], %swap3A_83 {strides = array<i32>} : memref<64x128xf32, #tpu.memory_space<vmem>>, vector<1x16xf32>,
      %swap3A_84 = arith.index_cast %scan3A_69 : i32 to index
      %swap3A_85 = arith.constant 48 : index
      %swap3A_86 = tpu.vector_load %arg8[%swap3A_84, %swap3A_85] {strides = array<i32>} : memref<64x128xf32, #tpu.memory_space<vmem>>, vector<1x16xf32>,
      %swap3A_87 = vector.shape_cast %swap3A_86 : vector<1x16xf32> to vector<16xf32>
      %swap3A_88 = vector.shape_cast %broadcast_in_dim3A_1 : vector<16xf32> to vector<1x16xf32>
      tpu.vector_store %arg8[%swap3A_84, %swap3A_85], %swap3A_88 {strides = array<i32>} : memref<64x128xf32, #tpu.memory_space<vmem>>, vector<1x16xf32>,
      %swap3A_89 = arith.index_cast %scan3A_69 : i32 to index
      %swap3A_90 = arith.constant 64 : index
      %swap3A_91 = tpu.vector_load %arg8[%swap3A_89, %swap3A_90] {strides = array<i32>} : memref<64x128xf32, #tpu.memory_space<vmem>>, vector<1x16xf32>,
      %swap3A_92 = vector.shape_cast %swap3A_91 : vector<1x16xf32> to vector<16xf32>
      %swap3A_93 = vector.shape_cast %broadcast_in_dim3A_1 : vector<16xf32> to vector<1x16xf32>
      tpu.vector_store %arg8[%swap3A_89, %swap3A_90], %swap3A_93 {strides = array<i32>} : memref<64x128xf32, #tpu.memory_space<vmem>>, vector<1x16xf32>,
      %swap3A_94 = arith.index_cast %scan3A_69 : i32 to index
      %swap3A_95 = arith.constant 80 : index
      %swap3A_96 = tpu.vector_load %arg8[%swap3A_94, %swap3A_95] {strides = array<i32>} : memref<64x128xf32, #tpu.memory_space<vmem>>, vector<1x16xf32>,
      %swap3A_97 = vector.shape_cast %swap3A_96 : vector<1x16xf32> to vector<16xf32>
      %swap3A_98 = vector.shape_cast %broadcast_in_dim3A_1 : vector<16xf32> to vector<1x16xf32>
      tpu.vector_store %arg8[%swap3A_94, %swap3A_95], %swap3A_98 {strides = array<i32>} : memref<64x128xf32, #tpu.memory_space<vmem>>, vector<1x16xf32>,
      %swap3A_99 = arith.index_cast %scan3A_69 : i32 to index
      %swap3A_100 = arith.constant 96 : index
      %swap3A_101 = tpu.vector_load %arg8[%swap3A_99, %swap3A_100] {strides = array<i32>} : memref<64x128xf32, #tpu.memory_space<vmem>>, vector<1x16xf32>,
      %swap3A_102 = vector.shape_cast %swap3A_101 : vector<1x16xf32> to vector<16xf32>
      %swap3A_103 = vector.shape_cast %broadcast_in_dim3A_1 : vector<16xf32> to vector<1x16xf32>
      tpu.vector_store %arg8[%swap3A_99, %swap3A_100], %swap3A_103 {strides = array<i32>} : memref<64x128xf32, #tpu.memory_space<vmem>>, vector<1x16xf32>,
      %swap3A_104 = arith.index_cast %scan3A_69 : i32 to index
      %swap3A_105 = arith.constant 112 : index
      %swap3A_106 = tpu.vector_load %arg8[%swap3A_104, %swap3A_105] {strides = array<i32>} : memref<64x128xf32, #tpu.memory_space<vmem>>, vector<1x16xf32>,
      %swap3A_107 = vector.shape_cast %swap3A_106 : vector<1x16xf32> to vector<16xf32>
      %swap3A_108 = vector.shape_cast %broadcast_in_dim3A_1 : vector<16xf32> to vector<1x16xf32>
      tpu.vector_store %arg8[%swap3A_104, %swap3A_105], %swap3A_108 {strides = array<i32>} : memref<64x128xf32, #tpu.memory_space<vmem>>, vector<1x16xf32>,
    }
    %scan3A_6 = arith.constant 64 : i32
    %scan3A_7 = arith.constant 0 : i32
    %scan3A_8 = arith.constant 0 : i32
    %scan3A_9 = arith.constant 10 : i32
    %scan3A_10 = arith.addi %scan3A_8, %scan3A_9 : i32
    %scan3A_11 = arith.constant 1 : i32
    scf.for %scan3A_69 = %scan3A_8 to %scan3A_10 step %scan3A_11  : i32 {
      %mul3A_70 = arith.constant 640 : i32
      %mul3A_71 = arith.muli %arg1, %mul3A_70 : i32
      %mul3A_72 = arith.constant 64 : i32
      %mul3A_73 = arith.muli %scan3A_69, %mul3A_72 : i32
      %add3A_74 = arith.addi %mul3A_71, %mul3A_73 : i32
      "tpu.region"() ({
        %run_scoped3A_75 = tpu.sem_alloc : memref<!tpu.dma_semaphore, #tpu.memory_space<semaphore_mem>>
        %dma_start3A_76 = arith.constant 0 : i32
        %dma_start3A_77 = tpu.memref_slice %arg11[%add3A_74, %dma_start3A_76] : memref<10240x128xf32, #tpu.memory_space<vmem_shared>> -> memref<64x128xf32, #tpu.memory_space<vmem_shared>>
        %dma_start3A_78 = arith.constant 0 : i32
        %dma_start3A_79 = tpu.memref_slice %arg11[%add3A_74, %dma_start3A_78] : memref<10240x128xf32, #tpu.memory_space<vmem_shared>> -> memref<64x128xf32, #tpu.memory_space<vmem_shared>>
        tpu.enqueue_dma source(%arg8 : memref<64x128xf32, #tpu.memory_space<vmem>>) target(%dma_start3A_79 : memref<64x128xf32, #tpu.memory_space<vmem_shared>>) target_semaphore(%run_scoped3A_75 : memref<!tpu.dma_semaphore, #tpu.memory_space<semaphore_mem>>)
        %dma_wait3A_80 = arith.constant 0 : i32
        %dma_wait3A_81 = tpu.memref_slice %arg11[%add3A_74, %dma_wait3A_80] : memref<10240x128xf32, #tpu.memory_space<vmem_shared>> -> memref<64x128xf32, #tpu.memory_space<vmem_shared>>
        %dma_wait3A_82 = arith.constant 0 : i32
        %dma_wait3A_83 = tpu.memref_slice %arg11[%add3A_74, %dma_wait3A_82] : memref<10240x128xf32, #tpu.memory_space<vmem_shared>> -> memref<64x128xf32, #tpu.memory_space<vmem_shared>>
        tpu.wait_dma2 semaphore(%run_scoped3A_75 : memref<!tpu.dma_semaphore, #tpu.memory_space<semaphore_mem>>) src(%arg8 : memref<64x128xf32, #tpu.memory_space<vmem>>) dst(%dma_wait3A_83 : memref<64x128xf32, #tpu.memory_space<vmem_shared>>)
        tpu.yield
      }) : () -> ()
    }
    %scan3A_12 = arith.constant 10 : i32
    "tpu.region"() ({
      %run_scoped3A_69 = tpu.sem_alloc : memref<!tpu.dma_semaphore, #tpu.memory_space<semaphore_mem>>
      %dma_start3A_70 = arith.constant 0 : i32
      %dma_start3A_71 = arith.constant 0 : i32
      %dma_start3A_72 = tpu.memref_slice %arg3[%add3A, %dma_start3A_70, %dma_start3A_71] : memref<32x75x64xi32, #tpu.memory_space<hbm>> -> memref<1x75x64xi32, #tpu.memory_space<hbm>>
      %dma_start3A_73 = tpu.memref_squeeze %dma_start3A_72 : memref<1x75x64xi32, #tpu.memory_space<hbm>> -> memref<75x64xi32, #tpu.memory_space<hbm>>
      %dma_start3A_74 = arith.constant 0 : i32
      %dma_start3A_75 = arith.constant 0 : i32
      %dma_start3A_76 = tpu.memref_slice %arg3[%add3A, %dma_start3A_74, %dma_start3A_75] : memref<32x75x64xi32, #tpu.memory_space<hbm>> -> memref<1x75x64xi32, #tpu.memory_space<hbm>>
      %dma_start3A_77 = tpu.memref_squeeze %dma_start3A_76 : memref<1x75x64xi32, #tpu.memory_space<hbm>> -> memref<75x64xi32, #tpu.memory_space<hbm>>
      tpu.enqueue_dma source(%dma_start3A_77 : memref<75x64xi32, #tpu.memory_space<hbm>>) target(%arg6 : memref<75x64xi32, #tpu.memory_space<vmem>>) target_semaphore(%run_scoped3A_69 : memref<!tpu.dma_semaphore, #tpu.memory_space<semaphore_mem>>)
      %dma_wait3A_78 = arith.constant 0 : i32
      %dma_wait3A_79 = arith.constant 0 : i32
      %dma_wait3A_80 = tpu.memref_slice %arg3[%add3A, %dma_wait3A_78, %dma_wait3A_79] : memref<32x75x64xi32, #tpu.memory_space<hbm>> -> memref<1x75x64xi32, #tpu.memory_space<hbm>>
      %dma_wait3A_81 = tpu.memref_squeeze %dma_wait3A_80 : memref<1x75x64xi32, #tpu.memory_space<hbm>> -> memref<75x64xi32, #tpu.memory_space<hbm>>
      %dma_wait3A_82 = arith.constant 0 : i32
      %dma_wait3A_83 = arith.constant 0 : i32
      %dma_wait3A_84 = tpu.memref_slice %arg3[%add3A, %dma_wait3A_82, %dma_wait3A_83] : memref<32x75x64xi32, #tpu.memory_space<hbm>> -> memref<1x75x64xi32, #tpu.memory_space<hbm>>
      %dma_wait3A_85 = tpu.memref_squeeze %dma_wait3A_84 : memref<1x75x64xi32, #tpu.memory_space<hbm>> -> memref<75x64xi32, #tpu.memory_space<hbm>>
      tpu.wait_dma2 semaphore(%run_scoped3A_69 : memref<!tpu.dma_semaphore, #tpu.memory_space<semaphore_mem>>) src(%dma_wait3A_85 : memref<75x64xi32, #tpu.memory_space<hbm>>) dst(%arg6 : memref<75x64xi32, #tpu.memory_space<vmem>>)
      tpu.yield
    }) : () -> ()
    "tpu.region"() ({
      %run_scoped3A_69 = tpu.sem_alloc : memref<!tpu.dma_semaphore, #tpu.memory_space<semaphore_mem>>
      %dma_start3A_70 = arith.constant 0 : i32
      %dma_start3A_71 = arith.constant 0 : i32
      %dma_start3A_72 = tpu.memref_slice %arg4[%add3A, %dma_start3A_70, %dma_start3A_71] : memref<32x75x64xi32, #tpu.memory_space<hbm>> -> memref<1x75x64xi32, #tpu.memory_space<hbm>>
      %dma_start3A_73 = tpu.memref_squeeze %dma_start3A_72 : memref<1x75x64xi32, #tpu.memory_space<hbm>> -> memref<75x64xi32, #tpu.memory_space<hbm>>
      %dma_start3A_74 = arith.constant 0 : i32
      %dma_start3A_75 = arith.constant 0 : i32
      %dma_start3A_76 = tpu.memref_slice %arg4[%add3A, %dma_start3A_74, %dma_start3A_75] : memref<32x75x64xi32, #tpu.memory_space<hbm>> -> memref<1x75x64xi32, #tpu.memory_space<hbm>>
      %dma_start3A_77 = tpu.memref_squeeze %dma_start3A_76 : memref<1x75x64xi32, #tpu.memory_space<hbm>> -> memref<75x64xi32, #tpu.memory_space<hbm>>
      tpu.enqueue_dma source(%dma_start3A_77 : memref<75x64xi32, #tpu.memory_space<hbm>>) target(%arg7 : memref<75x64xi32, #tpu.memory_space<vmem>>) target_semaphore(%run_scoped3A_69 : memref<!tpu.dma_semaphore, #tpu.memory_space<semaphore_mem>>)
      %dma_wait3A_78 = arith.constant 0 : i32
      %dma_wait3A_79 = arith.constant 0 : i32
      %dma_wait3A_80 = tpu.memref_slice %arg4[%add3A, %dma_wait3A_78, %dma_wait3A_79] : memref<32x75x64xi32, #tpu.memory_space<hbm>> -> memref<1x75x64xi32, #tpu.memory_space<hbm>>
      %dma_wait3A_81 = tpu.memref_squeeze %dma_wait3A_80 : memref<1x75x64xi32, #tpu.memory_space<hbm>> -> memref<75x64xi32, #tpu.memory_space<hbm>>
      %dma_wait3A_82 = arith.constant 0 : i32
      %dma_wait3A_83 = arith.constant 0 : i32
      %dma_wait3A_84 = tpu.memref_slice %arg4[%add3A, %dma_wait3A_82, %dma_wait3A_83] : memref<32x75x64xi32, #tpu.memory_space<hbm>> -> memref<1x75x64xi32, #tpu.memory_space<hbm>>
      %dma_wait3A_85 = tpu.memref_squeeze %dma_wait3A_84 : memref<1x75x64xi32, #tpu.memory_space<hbm>> -> memref<75x64xi32, #tpu.memory_space<hbm>>
      tpu.wait_dma2 semaphore(%run_scoped3A_69 : memref<!tpu.dma_semaphore, #tpu.memory_space<semaphore_mem>>) src(%dma_wait3A_85 : memref<75x64xi32, #tpu.memory_space<hbm>>) dst(%arg7 : memref<75x64xi32, #tpu.memory_space<vmem>>)
      tpu.yield
    }) : () -> ()
    %barrier3A = arith.constant 0 : index
    tpu.barrier barrier_id(%barrier3A)
    %dma_start3A = arith.constant 0 : i32
    %dma_start3A_13 = arith.constant 0 : i32
    %dma_start3A_14 = tpu.memref_slice %arg6[%dma_start3A, %dma_start3A_13] : memref<75x64xi32, #tpu.memory_space<vmem>> -> memref<1x64xi32, #tpu.memory_space<vmem>>
    %dma_start3A_15 = tpu.memref_squeeze %dma_start3A_14 : memref<1x64xi32, #tpu.memory_space<vmem>> -> memref<64xi32, #tpu.memory_space<vmem>>
    %dma_start3A_16 = arith.constant 0 : i32
    %dma_start3A_17 = arith.constant 0 : i32
    %dma_start3A_18 = tpu.memref_slice %arg2[%dma_start3A_16, %dma_start3A_17] : memref<10240x128xf32, #tpu.memory_space<hbm>> -> memref<10240x128xf32, #tpu.memory_space<hbm>>
    tpu.enqueue_indirect_dma source(%dma_start3A_18 : memref<10240x128xf32, #tpu.memory_space<hbm>>) target(%arg8 : memref<64x128xf32, #tpu.memory_space<vmem>>) offsets(%dma_start3A_15 : memref<64xi32, #tpu.memory_space<vmem>>) semaphore(%arg12 : memref<!tpu.dma_semaphore, #tpu.memory_space<semaphore_mem>>)
    %dma_start3A_19 = arith.constant 1 : i32
    %dma_start3A_20 = arith.constant 0 : i32
    %dma_start3A_21 = tpu.memref_slice %arg6[%dma_start3A_19, %dma_start3A_20] : memref<75x64xi32, #tpu.memory_space<vmem>> -> memref<1x64xi32, #tpu.memory_space<vmem>>
    %dma_start3A_22 = tpu.memref_squeeze %dma_start3A_21 : memref<1x64xi32, #tpu.memory_space<vmem>> -> memref<64xi32, #tpu.memory_space<vmem>>
    %dma_start3A_23 = arith.constant 0 : i32
    %dma_start3A_24 = arith.constant 0 : i32
    %dma_start3A_25 = tpu.memref_slice %arg2[%dma_start3A_23, %dma_start3A_24] : memref<10240x128xf32, #tpu.memory_space<hbm>> -> memref<10240x128xf32, #tpu.memory_space<hbm>>
    tpu.enqueue_indirect_dma source(%dma_start3A_25 : memref<10240x128xf32, #tpu.memory_space<hbm>>) target(%arg9 : memref<64x128xf32, #tpu.memory_space<vmem>>) offsets(%dma_start3A_22 : memref<64xi32, #tpu.memory_space<vmem>>) semaphore(%arg13 : memref<!tpu.dma_semaphore, #tpu.memory_space<semaphore_mem>>)
    %scan3A_26 = arith.constant 0 : i32
    %scan3A_27 = arith.constant 0 : i32
    %scan3A_28 = arith.constant 24 : i32
    %scan3A_29 = arith.addi %scan3A_27, %scan3A_28 : i32
    %scan3A_30 = arith.constant 1 : i32
    scf.for %scan3A_69 = %scan3A_27 to %scan3A_29 step %scan3A_30  : i32 {
      %mul3A_70 = arith.constant 3 : i32
      %mul3A_71 = arith.muli %mul3A_70, %scan3A_69 : i32
      %add3A_72 = arith.constant 0 : i32
      %add3A_73 = arith.addi %mul3A_71, %add3A_72 : i32
      %add3A_74 = arith.constant 2 : i32
      %add3A_75 = arith.addi %add3A_73, %add3A_74 : i32
      %dma_start3A_76 = arith.constant 0 : i32
      %dma_start3A_77 = tpu.memref_slice %arg6[%add3A_75, %dma_start3A_76] : memref<75x64xi32, #tpu.memory_space<vmem>> -> memref<1x64xi32, #tpu.memory_space<vmem>>
      %dma_start3A_78 = tpu.memref_squeeze %dma_start3A_77 : memref<1x64xi32, #tpu.memory_space<vmem>> -> memref<64xi32, #tpu.memory_space<vmem>>
      %dma_start3A_79 = arith.constant 0 : i32
      %dma_start3A_80 = arith.constant 0 : i32
      %dma_start3A_81 = tpu.memref_slice %arg2[%dma_start3A_79, %dma_start3A_80] : memref<10240x128xf32, #tpu.memory_space<hbm>> -> memref<10240x128xf32, #tpu.memory_space<hbm>>
      tpu.enqueue_indirect_dma source(%dma_start3A_81 : memref<10240x128xf32, #tpu.memory_space<hbm>>) target(%arg10 : memref<64x128xf32, #tpu.memory_space<vmem>>) offsets(%dma_start3A_78 : memref<64xi32, #tpu.memory_space<vmem>>) semaphore(%arg14 : memref<!tpu.dma_semaphore, #tpu.memory_space<semaphore_mem>>)
      %dma_wait3A_82 = arith.constant 0 : i32
      %dma_wait3A_83 = tpu.memref_slice %arg6[%add3A_73, %dma_wait3A_82] : memref<75x64xi32, #tpu.memory_space<vmem>> -> memref<1x64xi32, #tpu.memory_space<vmem>>
      %dma_wait3A_84 = tpu.memref_squeeze %dma_wait3A_83 : memref<1x64xi32, #tpu.memory_space<vmem>> -> memref<64xi32, #tpu.memory_space<vmem>>
      %dma_wait3A_85 = arith.constant 0 : i32
      %dma_wait3A_86 = arith.constant 0 : i32
      %dma_wait3A_87 = tpu.memref_slice %arg2[%dma_wait3A_85, %dma_wait3A_86] : memref<10240x128xf32, #tpu.memory_space<hbm>> -> memref<10240x128xf32, #tpu.memory_space<hbm>>
      tpu.wait_indirect_dma semaphore(%arg12 : memref<!tpu.dma_semaphore, #tpu.memory_space<semaphore_mem>>) src(%dma_wait3A_87 : memref<10240x128xf32, #tpu.memory_space<hbm>>) dst(%arg8 : memref<64x128xf32, #tpu.memory_space<vmem>>)
      "tpu.region"() ({
        %run_scoped3A_120 = tpu.sem_alloc : memref<!tpu.dma_semaphore, #tpu.memory_space<semaphore_mem>>
        %dma_start3A_121 = arith.constant 0 : i32
        %dma_start3A_122 = tpu.memref_slice %arg7[%add3A_73, %dma_start3A_121] : memref<75x64xi32, #tpu.memory_space<vmem>> -> memref<1x64xi32, #tpu.memory_space<vmem>>
        %dma_start3A_123 = tpu.memref_squeeze %dma_start3A_122 : memref<1x64xi32, #tpu.memory_space<vmem>> -> memref<64xi32, #tpu.memory_space<vmem>>
        %dma_start3A_124 = arith.constant 0 : i32
        %dma_start3A_125 = arith.constant 0 : i32
        %dma_start3A_126 = tpu.memref_slice %arg11[%dma_start3A_124, %dma_start3A_125] : memref<10240x128xf32, #tpu.memory_space<vmem_shared>> -> memref<10240x128xf32, #tpu.memory_space<vmem_shared>>
        tpu.enqueue_indirect_dma source(%arg8 : memref<64x128xf32, #tpu.memory_space<vmem>>) target(%dma_start3A_126 : memref<10240x128xf32, #tpu.memory_space<vmem_shared>>) offsets(%dma_start3A_123 : memref<64xi32, #tpu.memory_space<vmem>>) semaphore(%run_scoped3A_120 : memref<!tpu.dma_semaphore, #tpu.memory_space<semaphore_mem>>) {add = true}
        %dma_wait3A_127 = arith.constant 0 : i32
        %dma_wait3A_128 = tpu.memref_slice %arg7[%add3A_73, %dma_wait3A_127] : memref<75x64xi32, #tpu.memory_space<vmem>> -> memref<1x64xi32, #tpu.memory_space<vmem>>
        %dma_wait3A_129 = tpu.memref_squeeze %dma_wait3A_128 : memref<1x64xi32, #tpu.memory_space<vmem>> -> memref<64xi32, #tpu.memory_space<vmem>>
        %dma_wait3A_130 = arith.constant 0 : i32
        %dma_wait3A_131 = arith.constant 0 : i32
        %dma_wait3A_132 = tpu.memref_slice %arg11[%dma_wait3A_130, %dma_wait3A_131] : memref<10240x128xf32, #tpu.memory_space<vmem_shared>> -> memref<10240x128xf32, #tpu.memory_space<vmem_shared>>
        tpu.wait_indirect_dma semaphore(%run_scoped3A_120 : memref<!tpu.dma_semaphore, #tpu.memory_space<semaphore_mem>>) src(%arg8 : memref<64x128xf32, #tpu.memory_space<vmem>>) dst(%dma_wait3A_132 : memref<10240x128xf32, #tpu.memory_space<vmem_shared>>)
        tpu.yield
      }) : () -> ()
      %add3A_88 = arith.constant 1 : i32
      %add3A_89 = arith.addi %mul3A_71, %add3A_88 : i32
      %add3A_90 = arith.constant 2 : i32
      %add3A_91 = arith.addi %add3A_89, %add3A_90 : i32
      %dma_start3A_92 = arith.constant 0 : i32
      %dma_start3A_93 = tpu.memref_slice %arg6[%add3A_91, %dma_start3A_92] : memref<75x64xi32, #tpu.memory_space<vmem>> -> memref<1x64xi32, #tpu.memory_space<vmem>>
      %dma_start3A_94 = tpu.memref_squeeze %dma_start3A_93 : memref<1x64xi32, #tpu.memory_space<vmem>> -> memref<64xi32, #tpu.memory_space<vmem>>
      %dma_start3A_95 = arith.constant 0 : i32
      %dma_start3A_96 = arith.constant 0 : i32
      %dma_start3A_97 = tpu.memref_slice %arg2[%dma_start3A_95, %dma_start3A_96] : memref<10240x128xf32, #tpu.memory_space<hbm>> -> memref<10240x128xf32, #tpu.memory_space<hbm>>
      tpu.enqueue_indirect_dma source(%dma_start3A_97 : memref<10240x128xf32, #tpu.memory_space<hbm>>) target(%arg8 : memref<64x128xf32, #tpu.memory_space<vmem>>) offsets(%dma_start3A_94 : memref<64xi32, #tpu.memory_space<vmem>>) semaphore(%arg12 : memref<!tpu.dma_semaphore, #tpu.memory_space<semaphore_mem>>)
      %dma_wait3A_98 = arith.constant 0 : i32
      %dma_wait3A_99 = tpu.memref_slice %arg6[%add3A_89, %dma_wait3A_98] : memref<75x64xi32, #tpu.memory_space<vmem>> -> memref<1x64xi32, #tpu.memory_space<vmem>>
      %dma_wait3A_100 = tpu.memref_squeeze %dma_wait3A_99 : memref<1x64xi32, #tpu.memory_space<vmem>> -> memref<64xi32, #tpu.memory_space<vmem>>
      %dma_wait3A_101 = arith.constant 0 : i32
      %dma_wait3A_102 = arith.constant 0 : i32
      %dma_wait3A_103 = tpu.memref_slice %arg2[%dma_wait3A_101, %dma_wait3A_102] : memref<10240x128xf32, #tpu.memory_space<hbm>> -> memref<10240x128xf32, #tpu.memory_space<hbm>>
      tpu.wait_indirect_dma semaphore(%arg13 : memref<!tpu.dma_semaphore, #tpu.memory_space<semaphore_mem>>) src(%dma_wait3A_103 : memref<10240x128xf32, #tpu.memory_space<hbm>>) dst(%arg9 : memref<64x128xf32, #tpu.memory_space<vmem>>)
      "tpu.region"() ({
        %run_scoped3A_120 = tpu.sem_alloc : memref<!tpu.dma_semaphore, #tpu.memory_space<semaphore_mem>>
        %dma_start3A_121 = arith.constant 0 : i32
        %dma_start3A_122 = tpu.memref_slice %arg7[%add3A_89, %dma_start3A_121] : memref<75x64xi32, #tpu.memory_space<vmem>> -> memref<1x64xi32, #tpu.memory_space<vmem>>
        %dma_start3A_123 = tpu.memref_squeeze %dma_start3A_122 : memref<1x64xi32, #tpu.memory_space<vmem>> -> memref<64xi32, #tpu.memory_space<vmem>>
        %dma_start3A_124 = arith.constant 0 : i32
        %dma_start3A_125 = arith.constant 0 : i32
        %dma_start3A_126 = tpu.memref_slice %arg11[%dma_start3A_124, %dma_start3A_125] : memref<10240x128xf32, #tpu.memory_space<vmem_shared>> -> memref<10240x128xf32, #tpu.memory_space<vmem_shared>>
        tpu.enqueue_indirect_dma source(%arg9 : memref<64x128xf32, #tpu.memory_space<vmem>>) target(%dma_start3A_126 : memref<10240x128xf32, #tpu.memory_space<vmem_shared>>) offsets(%dma_start3A_123 : memref<64xi32, #tpu.memory_space<vmem>>) semaphore(%run_scoped3A_120 : memref<!tpu.dma_semaphore, #tpu.memory_space<semaphore_mem>>) {add = true}
        %dma_wait3A_127 = arith.constant 0 : i32
        %dma_wait3A_128 = tpu.memref_slice %arg7[%add3A_89, %dma_wait3A_127] : memref<75x64xi32, #tpu.memory_space<vmem>> -> memref<1x64xi32, #tpu.memory_space<vmem>>
        %dma_wait3A_129 = tpu.memref_squeeze %dma_wait3A_128 : memref<1x64xi32, #tpu.memory_space<vmem>> -> memref<64xi32, #tpu.memory_space<vmem>>
        %dma_wait3A_130 = arith.constant 0 : i32
        %dma_wait3A_131 = arith.constant 0 : i32
        %dma_wait3A_132 = tpu.memref_slice %arg11[%dma_wait3A_130, %dma_wait3A_131] : memref<10240x128xf32, #tpu.memory_space<vmem_shared>> -> memref<10240x128xf32, #tpu.memory_space<vmem_shared>>
        tpu.wait_indirect_dma semaphore(%run_scoped3A_120 : memref<!tpu.dma_semaphore, #tpu.memory_space<semaphore_mem>>) src(%arg9 : memref<64x128xf32, #tpu.memory_space<vmem>>) dst(%dma_wait3A_132 : memref<10240x128xf32, #tpu.memory_space<vmem_shared>>)
        tpu.yield
      }) : () -> ()
      %add3A_104 = arith.constant 2 : i32
      %add3A_105 = arith.addi %mul3A_71, %add3A_104 : i32
      %add3A_106 = arith.constant 2 : i32
      %add3A_107 = arith.addi %add3A_105, %add3A_106 : i32
      %dma_start3A_108 = arith.constant 0 : i32
      %dma_start3A_109 = tpu.memref_slice %arg6[%add3A_107, %dma_start3A_108] : memref<75x64xi32, #tpu.memory_space<vmem>> -> memref<1x64xi32, #tpu.memory_space<vmem>>
      %dma_start3A_110 = tpu.memref_squeeze %dma_start3A_109 : memref<1x64xi32, #tpu.memory_space<vmem>> -> memref<64xi32, #tpu.memory_space<vmem>>
      %dma_start3A_111 = arith.constant 0 : i32
      %dma_start3A_112 = arith.constant 0 : i32
      %dma_start3A_113 = tpu.memref_slice %arg2[%dma_start3A_111, %dma_start3A_112] : memref<10240x128xf32, #tpu.memory_space<hbm>> -> memref<10240x128xf32, #tpu.memory_space<hbm>>
      tpu.enqueue_indirect_dma source(%dma_start3A_113 : memref<10240x128xf32, #tpu.memory_space<hbm>>) target(%arg9 : memref<64x128xf32, #tpu.memory_space<vmem>>) offsets(%dma_start3A_110 : memref<64xi32, #tpu.memory_space<vmem>>) semaphore(%arg13 : memref<!tpu.dma_semaphore, #tpu.memory_space<semaphore_mem>>)
      %dma_wait3A_114 = arith.constant 0 : i32
      %dma_wait3A_115 = tpu.memref_slice %arg6[%add3A_105, %dma_wait3A_114] : memref<75x64xi32, #tpu.memory_space<vmem>> -> memref<1x64xi32, #tpu.memory_space<vmem>>
      %dma_wait3A_116 = tpu.memref_squeeze %dma_wait3A_115 : memref<1x64xi32, #tpu.memory_space<vmem>> -> memref<64xi32, #tpu.memory_space<vmem>>
      %dma_wait3A_117 = arith.constant 0 : i32
      %dma_wait3A_118 = arith.constant 0 : i32
      %dma_wait3A_119 = tpu.memref_slice %arg2[%dma_wait3A_117, %dma_wait3A_118] : memref<10240x128xf32, #tpu.memory_space<hbm>> -> memref<10240x128xf32, #tpu.memory_space<hbm>>
      tpu.wait_indirect_dma semaphore(%arg14 : memref<!tpu.dma_semaphore, #tpu.memory_space<semaphore_mem>>) src(%dma_wait3A_119 : memref<10240x128xf32, #tpu.memory_space<hbm>>) dst(%arg10 : memref<64x128xf32, #tpu.memory_space<vmem>>)
      "tpu.region"() ({
        %run_scoped3A_120 = tpu.sem_alloc : memref<!tpu.dma_semaphore, #tpu.memory_space<semaphore_mem>>
        %dma_start3A_121 = arith.constant 0 : i32
        %dma_start3A_122 = tpu.memref_slice %arg7[%add3A_105, %dma_start3A_121] : memref<75x64xi32, #tpu.memory_space<vmem>> -> memref<1x64xi32, #tpu.memory_space<vmem>>
        %dma_start3A_123 = tpu.memref_squeeze %dma_start3A_122 : memref<1x64xi32, #tpu.memory_space<vmem>> -> memref<64xi32, #tpu.memory_space<vmem>>
        %dma_start3A_124 = arith.constant 0 : i32
        %dma_start3A_125 = arith.constant 0 : i32
        %dma_start3A_126 = tpu.memref_slice %arg11[%dma_start3A_124, %dma_start3A_125] : memref<10240x128xf32, #tpu.memory_space<vmem_shared>> -> memref<10240x128xf32, #tpu.memory_space<vmem_shared>>
        tpu.enqueue_indirect_dma source(%arg10 : memref<64x128xf32, #tpu.memory_space<vmem>>) target(%dma_start3A_126 : memref<10240x128xf32, #tpu.memory_space<vmem_shared>>) offsets(%dma_start3A_123 : memref<64xi32, #tpu.memory_space<vmem>>) semaphore(%run_scoped3A_120 : memref<!tpu.dma_semaphore, #tpu.memory_space<semaphore_mem>>) {add = true}
        %dma_wait3A_127 = arith.constant 0 : i32
        %dma_wait3A_128 = tpu.memref_slice %arg7[%add3A_105, %dma_wait3A_127] : memref<75x64xi32, #tpu.memory_space<vmem>> -> memref<1x64xi32, #tpu.memory_space<vmem>>
        %dma_wait3A_129 = tpu.memref_squeeze %dma_wait3A_128 : memref<1x64xi32, #tpu.memory_space<vmem>> -> memref<64xi32, #tpu.memory_space<vmem>>
        %dma_wait3A_130 = arith.constant 0 : i32
        %dma_wait3A_131 = arith.constant 0 : i32
        %dma_wait3A_132 = tpu.memref_slice %arg11[%dma_wait3A_130, %dma_wait3A_131] : memref<10240x128xf32, #tpu.memory_space<vmem_shared>> -> memref<10240x128xf32, #tpu.memory_space<vmem_shared>>
        tpu.wait_indirect_dma semaphore(%run_scoped3A_120 : memref<!tpu.dma_semaphore, #tpu.memory_space<semaphore_mem>>) src(%arg10 : memref<64x128xf32, #tpu.memory_space<vmem>>) dst(%dma_wait3A_132 : memref<10240x128xf32, #tpu.memory_space<vmem_shared>>)
        tpu.yield
      }) : () -> ()
    }
    %scan3A_31 = arith.constant 24 : i32
    %dma_start3A_32 = arith.constant 74 : i32
    %dma_start3A_33 = arith.constant 0 : i32
    %dma_start3A_34 = tpu.memref_slice %arg6[%dma_start3A_32, %dma_start3A_33] : memref<75x64xi32, #tpu.memory_space<vmem>> -> memref<1x64xi32, #tpu.memory_space<vmem>>
    %dma_start3A_35 = tpu.memref_squeeze %dma_start3A_34 : memref<1x64xi32, #tpu.memory_space<vmem>> -> memref<64xi32, #tpu.memory_space<vmem>>
    %dma_start3A_36 = arith.constant 0 : i32
    %dma_start3A_37 = arith.constant 0 : i32
    %dma_start3A_38 = tpu.memref_slice %arg2[%dma_start3A_36, %dma_start3A_37] : memref<10240x128xf32, #tpu.memory_space<hbm>> -> memref<10240x128xf32, #tpu.memory_space<hbm>>
    tpu.enqueue_indirect_dma source(%dma_start3A_38 : memref<10240x128xf32, #tpu.memory_space<hbm>>) target(%arg10 : memref<64x128xf32, #tpu.memory_space<vmem>>) offsets(%dma_start3A_35 : memref<64xi32, #tpu.memory_space<vmem>>) semaphore(%arg14 : memref<!tpu.dma_semaphore, #tpu.memory_space<semaphore_mem>>)
    %dma_wait3A = arith.constant 72 : i32
    %dma_wait3A_39 = arith.constant 0 : i32
    %dma_wait3A_40 = tpu.memref_slice %arg6[%dma_wait3A, %dma_wait3A_39] : memref<75x64xi32, #tpu.memory_space<vmem>> -> memref<1x64xi32, #tpu.memory_space<vmem>>
    %dma_wait3A_41 = tpu.memref_squeeze %dma_wait3A_40 : memref<1x64xi32, #tpu.memory_space<vmem>> -> memref<64xi32, #tpu.memory_space<vmem>>
    %dma_wait3A_42 = arith.constant 0 : i32
    %dma_wait3A_43 = arith.constant 0 : i32
    %dma_wait3A_44 = tpu.memref_slice %arg2[%dma_wait3A_42, %dma_wait3A_43] : memref<10240x128xf32, #tpu.memory_space<hbm>> -> memref<10240x128xf32, #tpu.memory_space<hbm>>
    tpu.wait_indirect_dma semaphore(%arg12 : memref<!tpu.dma_semaphore, #tpu.memory_space<semaphore_mem>>) src(%dma_wait3A_44 : memref<10240x128xf32, #tpu.memory_space<hbm>>) dst(%arg8 : memref<64x128xf32, #tpu.memory_space<vmem>>)
    %run_scoped3A = arith.constant 72 : i32
    "tpu.region"() ({
      %run_scoped3A_69 = tpu.sem_alloc : memref<!tpu.dma_semaphore, #tpu.memory_space<semaphore_mem>>
      %dma_start3A_70 = arith.constant 0 : i32
      %dma_start3A_71 = tpu.memref_slice %arg7[%run_scoped3A, %dma_start3A_70] : memref<75x64xi32, #tpu.memory_space<vmem>> -> memref<1x64xi32, #tpu.memory_space<vmem>>
      %dma_start3A_72 = tpu.memref_squeeze %dma_start3A_71 : memref<1x64xi32, #tpu.memory_space<vmem>> -> memref<64xi32, #tpu.memory_space<vmem>>
      %dma_start3A_73 = arith.constant 0 : i32
      %dma_start3A_74 = arith.constant 0 : i32
      %dma_start3A_75 = tpu.memref_slice %arg11[%dma_start3A_73, %dma_start3A_74] : memref<10240x128xf32, #tpu.memory_space<vmem_shared>> -> memref<10240x128xf32, #tpu.memory_space<vmem_shared>>
      tpu.enqueue_indirect_dma source(%arg8 : memref<64x128xf32, #tpu.memory_space<vmem>>) target(%dma_start3A_75 : memref<10240x128xf32, #tpu.memory_space<vmem_shared>>) offsets(%dma_start3A_72 : memref<64xi32, #tpu.memory_space<vmem>>) semaphore(%run_scoped3A_69 : memref<!tpu.dma_semaphore, #tpu.memory_space<semaphore_mem>>) {add = true}
      %dma_wait3A_76 = arith.constant 0 : i32
      %dma_wait3A_77 = tpu.memref_slice %arg7[%run_scoped3A, %dma_wait3A_76] : memref<75x64xi32, #tpu.memory_space<vmem>> -> memref<1x64xi32, #tpu.memory_space<vmem>>
      %dma_wait3A_78 = tpu.memref_squeeze %dma_wait3A_77 : memref<1x64xi32, #tpu.memory_space<vmem>> -> memref<64xi32, #tpu.memory_space<vmem>>
      %dma_wait3A_79 = arith.constant 0 : i32
      %dma_wait3A_80 = arith.constant 0 : i32
      %dma_wait3A_81 = tpu.memref_slice %arg11[%dma_wait3A_79, %dma_wait3A_80] : memref<10240x128xf32, #tpu.memory_space<vmem_shared>> -> memref<10240x128xf32, #tpu.memory_space<vmem_shared>>
      tpu.wait_indirect_dma semaphore(%run_scoped3A_69 : memref<!tpu.dma_semaphore, #tpu.memory_space<semaphore_mem>>) src(%arg8 : memref<64x128xf32, #tpu.memory_space<vmem>>) dst(%dma_wait3A_81 : memref<10240x128xf32, #tpu.memory_space<vmem_shared>>)
      tpu.yield
    }) : () -> ()
    %dma_wait3A_45 = arith.constant 73 : i32
    %dma_wait3A_46 = arith.constant 0 : i32
    %dma_wait3A_47 = tpu.memref_slice %arg6[%dma_wait3A_45, %dma_wait3A_46] : memref<75x64xi32, #tpu.memory_space<vmem>> -> memref<1x64xi32, #tpu.memory_space<vmem>>
    %dma_wait3A_48 = tpu.memref_squeeze %dma_wait3A_47 : memref<1x64xi32, #tpu.memory_space<vmem>> -> memref<64xi32, #tpu.memory_space<vmem>>
    %dma_wait3A_49 = arith.constant 0 : i32
    %dma_wait3A_50 = arith.constant 0 : i32
    %dma_wait3A_51 = tpu.memref_slice %arg2[%dma_wait3A_49, %dma_wait3A_50] : memref<10240x128xf32, #tpu.memory_space<hbm>> -> memref<10240x128xf32, #tpu.memory_space<hbm>>
    tpu.wait_indirect_dma semaphore(%arg13 : memref<!tpu.dma_semaphore, #tpu.memory_space<semaphore_mem>>) src(%dma_wait3A_51 : memref<10240x128xf32, #tpu.memory_space<hbm>>) dst(%arg9 : memref<64x128xf32, #tpu.memory_space<vmem>>)
    %run_scoped3A_52 = arith.constant 73 : i32
    "tpu.region"() ({
      %run_scoped3A_69 = tpu.sem_alloc : memref<!tpu.dma_semaphore, #tpu.memory_space<semaphore_mem>>
      %dma_start3A_70 = arith.constant 0 : i32
      %dma_start3A_71 = tpu.memref_slice %arg7[%run_scoped3A_52, %dma_start3A_70] : memref<75x64xi32, #tpu.memory_space<vmem>> -> memref<1x64xi32, #tpu.memory_space<vmem>>
      %dma_start3A_72 = tpu.memref_squeeze %dma_start3A_71 : memref<1x64xi32, #tpu.memory_space<vmem>> -> memref<64xi32, #tpu.memory_space<vmem>>
      %dma_start3A_73 = arith.constant 0 : i32
      %dma_start3A_74 = arith.constant 0 : i32
      %dma_start3A_75 = tpu.memref_slice %arg11[%dma_start3A_73, %dma_start3A_74] : memref<10240x128xf32, #tpu.memory_space<vmem_shared>> -> memref<10240x128xf32, #tpu.memory_space<vmem_shared>>
      tpu.enqueue_indirect_dma source(%arg9 : memref<64x128xf32, #tpu.memory_space<vmem>>) target(%dma_start3A_75 : memref<10240x128xf32, #tpu.memory_space<vmem_shared>>) offsets(%dma_start3A_72 : memref<64xi32, #tpu.memory_space<vmem>>) semaphore(%run_scoped3A_69 : memref<!tpu.dma_semaphore, #tpu.memory_space<semaphore_mem>>) {add = true}
      %dma_wait3A_76 = arith.constant 0 : i32
      %dma_wait3A_77 = tpu.memref_slice %arg7[%run_scoped3A_52, %dma_wait3A_76] : memref<75x64xi32, #tpu.memory_space<vmem>> -> memref<1x64xi32, #tpu.memory_space<vmem>>
      %dma_wait3A_78 = tpu.memref_squeeze %dma_wait3A_77 : memref<1x64xi32, #tpu.memory_space<vmem>> -> memref<64xi32, #tpu.memory_space<vmem>>
      %dma_wait3A_79 = arith.constant 0 : i32
      %dma_wait3A_80 = arith.constant 0 : i32
      %dma_wait3A_81 = tpu.memref_slice %arg11[%dma_wait3A_79, %dma_wait3A_80] : memref<10240x128xf32, #tpu.memory_space<vmem_shared>> -> memref<10240x128xf32, #tpu.memory_space<vmem_shared>>
      tpu.wait_indirect_dma semaphore(%run_scoped3A_69 : memref<!tpu.dma_semaphore, #tpu.memory_space<semaphore_mem>>) src(%arg9 : memref<64x128xf32, #tpu.memory_space<vmem>>) dst(%dma_wait3A_81 : memref<10240x128xf32, #tpu.memory_space<vmem_shared>>)
      tpu.yield
    }) : () -> ()
    %dma_wait3A_53 = arith.constant 74 : i32
    %dma_wait3A_54 = arith.constant 0 : i32
    %dma_wait3A_55 = tpu.memref_slice %arg6[%dma_wait3A_53, %dma_wait3A_54] : memref<75x64xi32, #tpu.memory_space<vmem>> -> memref<1x64xi32, #tpu.memory_space<vmem>>
    %dma_wait3A_56 = tpu.memref_squeeze %dma_wait3A_55 : memref<1x64xi32, #tpu.memory_space<vmem>> -> memref<64xi32, #tpu.memory_space<vmem>>
    %dma_wait3A_57 = arith.constant 0 : i32
    %dma_wait3A_58 = arith.constant 0 : i32
    %dma_wait3A_59 = tpu.memref_slice %arg2[%dma_wait3A_57, %dma_wait3A_58] : memref<10240x128xf32, #tpu.memory_space<hbm>> -> memref<10240x128xf32, #tpu.memory_space<hbm>>
    tpu.wait_indirect_dma semaphore(%arg14 : memref<!tpu.dma_semaphore, #tpu.memory_space<semaphore_mem>>) src(%dma_wait3A_59 : memref<10240x128xf32, #tpu.memory_space<hbm>>) dst(%arg10 : memref<64x128xf32, #tpu.memory_space<vmem>>)
    %run_scoped3A_60 = arith.constant 74 : i32
    "tpu.region"() ({
      %run_scoped3A_69 = tpu.sem_alloc : memref<!tpu.dma_semaphore, #tpu.memory_space<semaphore_mem>>
      %dma_start3A_70 = arith.constant 0 : i32
      %dma_start3A_71 = tpu.memref_slice %arg7[%run_scoped3A_60, %dma_start3A_70] : memref<75x64xi32, #tpu.memory_space<vmem>> -> memref<1x64xi32, #tpu.memory_space<vmem>>
      %dma_start3A_72 = tpu.memref_squeeze %dma_start3A_71 : memref<1x64xi32, #tpu.memory_space<vmem>> -> memref<64xi32, #tpu.memory_space<vmem>>
      %dma_start3A_73 = arith.constant 0 : i32
      %dma_start3A_74 = arith.constant 0 : i32
      %dma_start3A_75 = tpu.memref_slice %arg11[%dma_start3A_73, %dma_start3A_74] : memref<10240x128xf32, #tpu.memory_space<vmem_shared>> -> memref<10240x128xf32, #tpu.memory_space<vmem_shared>>
      tpu.enqueue_indirect_dma source(%arg10 : memref<64x128xf32, #tpu.memory_space<vmem>>) target(%dma_start3A_75 : memref<10240x128xf32, #tpu.memory_space<vmem_shared>>) offsets(%dma_start3A_72 : memref<64xi32, #tpu.memory_space<vmem>>) semaphore(%run_scoped3A_69 : memref<!tpu.dma_semaphore, #tpu.memory_space<semaphore_mem>>) {add = true}
      %dma_wait3A_76 = arith.constant 0 : i32
      %dma_wait3A_77 = tpu.memref_slice %arg7[%run_scoped3A_60, %dma_wait3A_76] : memref<75x64xi32, #tpu.memory_space<vmem>> -> memref<1x64xi32, #tpu.memory_space<vmem>>
      %dma_wait3A_78 = tpu.memref_squeeze %dma_wait3A_77 : memref<1x64xi32, #tpu.memory_space<vmem>> -> memref<64xi32, #tpu.memory_space<vmem>>
      %dma_wait3A_79 = arith.constant 0 : i32
      %dma_wait3A_80 = arith.constant 0 : i32
      %dma_wait3A_81 = tpu.memref_slice %arg11[%dma_wait3A_79, %dma_wait3A_80] : memref<10240x128xf32, #tpu.memory_space<vmem_shared>> -> memref<10240x128xf32, #tpu.memory_space<vmem_shared>>
      tpu.wait_indirect_dma semaphore(%run_scoped3A_69 : memref<!tpu.dma_semaphore, #tpu.memory_space<semaphore_mem>>) src(%arg10 : memref<64x128xf32, #tpu.memory_space<vmem>>) dst(%dma_wait3A_81 : memref<10240x128xf32, #tpu.memory_space<vmem_shared>>)
      tpu.yield
    }) : () -> ()
    %barrier3A_61 = arith.constant 0 : index
    tpu.barrier barrier_id(%barrier3A_61)
    %mul3A_62 = arith.constant 640 : i32
    %mul3A_63 = arith.muli %arg1, %mul3A_62 : i32
    %mul3A_64 = arith.constant 10240 : i32
    %mul3A_65 = arith.muli %arg0, %mul3A_64 : i32
    %mul3A_66 = arith.constant 640 : i32
    %mul3A_67 = arith.muli %arg1, %mul3A_66 : i32
    %add3A_68 = arith.addi %mul3A_65, %mul3A_67 : i32
    "tpu.region"() ({
      %run_scoped3A_69 = tpu.sem_alloc : memref<!tpu.dma_semaphore, #tpu.memory_space<semaphore_mem>>
      %dma_start3A_70 = arith.constant 0 : i32
      %dma_start3A_71 = tpu.memref_slice %arg5[%add3A_68, %dma_start3A_70] : memref<20480x128xf32, #tpu.memory_space<hbm>> -> memref<640x128xf32, #tpu.memory_space<hbm>>
      %dma_start3A_72 = arith.constant 0 : i32
      %dma_start3A_73 = tpu.memref_slice %arg11[%mul3A_63, %dma_start3A_72] : memref<10240x128xf32, #tpu.memory_space<vmem_shared>> -> memref<640x128xf32, #tpu.memory_space<vmem_shared>>
      tpu.enqueue_dma source(%dma_start3A_73 : memref<640x128xf32, #tpu.memory_space<vmem_shared>>) target(%dma_start3A_71 : memref<640x128xf32, #tpu.memory_space<hbm>>) target_semaphore(%run_scoped3A_69 : memref<!tpu.dma_semaphore, #tpu.memory_space<semaphore_mem>>)
      %dma_wait3A_74 = arith.constant 0 : i32
      %dma_wait3A_75 = tpu.memref_slice %arg5[%add3A_68, %dma_wait3A_74] : memref<20480x128xf32, #tpu.memory_space<hbm>> -> memref<640x128xf32, #tpu.memory_space<hbm>>
      %dma_wait3A_76 = arith.constant 0 : i32
      %dma_wait3A_77 = tpu.memref_slice %arg11[%mul3A_63, %dma_wait3A_76] : memref<10240x128xf32, #tpu.memory_space<vmem_shared>> -> memref<640x128xf32, #tpu.memory_space<vmem_shared>>
      tpu.wait_dma2 semaphore(%run_scoped3A_69 : memref<!tpu.dma_semaphore, #tpu.memory_space<semaphore_mem>>) src(%dma_wait3A_77 : memref<640x128xf32, #tpu.memory_space<vmem_shared>>) dst(%dma_wait3A_75 : memref<640x128xf32, #tpu.memory_space<hbm>>)
      tpu.yield
    }) : () -> ()
    return
  }
}

#map = affine_map<(d0, d1) -> (0, 0)>
#map1 = affine_map<(d0, d1) -> (0, 0, 0)>
module attributes {stable_mosaic.version = 14 : i64} {
  func.func @agg_kernel(%arg0: i32, %arg1: i32, %arg2: memref<10240x128xf32, #tpu.memory_space<hbm>>, %arg3: memref<32x75x64xi32, #tpu.memory_space<hbm>>, %arg4: memref<32x75x64xi32, #tpu.memory_space<hbm>>, %arg5: memref<20480x128xf32, #tpu.memory_space<hbm>>, %arg6: memref<75x64xi32, #tpu.memory_space<vmem>>, %arg7: memref<75x64xi32, #tpu.memory_space<vmem>>, %arg8: memref<64x128xf32, #tpu.memory_space<vmem>>, %arg9: memref<64x128xf32, #tpu.memory_space<vmem>>, %arg10: memref<64x128xf32, #tpu.memory_space<vmem>>, %arg11: memref<10240x128xf32, #tpu.memory_space<vmem_shared>>, %arg12: memref<!tpu.dma_semaphore, #tpu.memory_space<semaphore_mem>>, %arg13: memref<!tpu.dma_semaphore, #tpu.memory_space<semaphore_mem>>, %arg14: memref<!tpu.dma_semaphore, #tpu.memory_space<semaphore_mem>>) attributes {dimension_semantics = [#tpu.dimension_semantics<core_parallel>, #tpu.dimension_semantics<subcore_parallel>], iteration_bounds = array<i64: 2, 16>, scalar_prefetch = 0 : i64, scratch_operands = 9 : i64, tpu.core_type = #tpu.core_type<sc_vector_subcore>, window_params = [{transform_indices = #map}, {transform_indices = #map1}, {transform_indices = #map1}, {transform_indices = #map}]} {
    %mul3A = arith.constant 16 : i32
    %mul3A_0 = arith.muli %arg0, %mul3A : i32
    %add3A = arith.addi %mul3A_0, %arg1 : i32
    %broadcast_in_dim3A = arith.constant 0.000000e+00 : f32
    %broadcast_in_dim3A_1 = vector.broadcast %broadcast_in_dim3A : f32 to vector<16xf32>
    %scan3A = arith.constant 0 : i32
    %scan3A_2 = arith.constant 0 : i32
    %scan3A_3 = arith.constant 64 : i32
    %scan3A_4 = arith.addi %scan3A_2, %scan3A_3 : i32
    %scan3A_5 = arith.constant 1 : i32
    scf.for %scan3A_69 = %scan3A_2 to %scan3A_4 step %scan3A_5  : i32 {
      %swap3A = arith.index_cast %scan3A_69 : i32 to index
      %swap3A_70 = arith.constant 0 : index
      %swap3A_71 = tpu.vector_load %arg8[%swap3A, %swap3A_70] {strides = array<i32>} : memref<64x128xf32, #tpu.memory_space<vmem>>, vector<1x16xf32>,
      %swap3A_72 = vector.shape_cast %swap3A_71 : vector<1x16xf32> to vector<16xf32>
      %swap3A_73 = vector.shape_cast %broadcast_in_dim3A_1 : vector<16xf32> to vector<1x16xf32>
      tpu.vector_store %arg8[%swap3A, %swap3A_70], %swap3A_73 {strides = array<i32>} : memref<64x128xf32, #tpu.memory_space<vmem>>, vector<1x16xf32>,
      %swap3A_74 = arith.index_cast %scan3A_69 : i32 to index
      %swap3A_75 = arith.constant 16 : index
      %swap3A_76 = tpu.vector_load %arg8[%swap3A_74, %swap3A_75] {strides = array<i32>} : memref<64x128xf32, #tpu.memory_space<vmem>>, vector<1x16xf32>,
      %swap3A_77 = vector.shape_cast %swap3A_76 : vector<1x16xf32> to vector<16xf32>
      %swap3A_78 = vector.shape_cast %broadcast_in_dim3A_1 : vector<16xf32> to vector<1x16xf32>
      tpu.vector_store %arg8[%swap3A_74, %swap3A_75], %swap3A_78 {strides = array<i32>} : memref<64x128xf32, #tpu.memory_space<vmem>>, vector<1x16xf32>,
      %swap3A_79 = arith.index_cast %scan3A_69 : i32 to index
      %swap3A_80 = arith.constant 32 : index
      %swap3A_81 = tpu.vector_load %arg8[%swap3A_79, %swap3A_80] {strides = array<i32>} : memref<64x128xf32, #tpu.memory_space<vmem>>, vector<1x16xf32>,
      %swap3A_82 = vector.shape_cast %swap3A_81 : vector<1x16xf32> to vector<16xf32>
      %swap3A_83 = vector.shape_cast %broadcast_in_dim3A_1 : vector<16xf32> to vector<1x16xf32>
      tpu.vector_store %arg8[%swap3A_79, %swap3A_80], %swap3A_83 {strides = array<i32>} : memref<64x128xf32, #tpu.memory_space<vmem>>, vector<1x16xf32>,
      %swap3A_84 = arith.index_cast %scan3A_69 : i32 to index
      %swap3A_85 = arith.constant 48 : index
      %swap3A_86 = tpu.vector_load %arg8[%swap3A_84, %swap3A_85] {strides = array<i32>} : memref<64x128xf32, #tpu.memory_space<vmem>>, vector<1x16xf32>,
      %swap3A_87 = vector.shape_cast %swap3A_86 : vector<1x16xf32> to vector<16xf32>
      %swap3A_88 = vector.shape_cast %broadcast_in_dim3A_1 : vector<16xf32> to vector<1x16xf32>
      tpu.vector_store %arg8[%swap3A_84, %swap3A_85], %swap3A_88 {strides = array<i32>} : memref<64x128xf32, #tpu.memory_space<vmem>>, vector<1x16xf32>,
      %swap3A_89 = arith.index_cast %scan3A_69 : i32 to index
      %swap3A_90 = arith.constant 64 : index
      %swap3A_91 = tpu.vector_load %arg8[%swap3A_89, %swap3A_90] {strides = array<i32>} : memref<64x128xf32, #tpu.memory_space<vmem>>, vector<1x16xf32>,
      %swap3A_92 = vector.shape_cast %swap3A_91 : vector<1x16xf32> to vector<16xf32>
      %swap3A_93 = vector.shape_cast %broadcast_in_dim3A_1 : vector<16xf32> to vector<1x16xf32>
      tpu.vector_store %arg8[%swap3A_89, %swap3A_90], %swap3A_93 {strides = array<i32>} : memref<64x128xf32, #tpu.memory_space<vmem>>, vector<1x16xf32>,
      %swap3A_94 = arith.index_cast %scan3A_69 : i32 to index
      %swap3A_95 = arith.constant 80 : index
      %swap3A_96 = tpu.vector_load %arg8[%swap3A_94, %swap3A_95] {strides = array<i32>} : memref<64x128xf32, #tpu.memory_space<vmem>>, vector<1x16xf32>,
      %swap3A_97 = vector.shape_cast %swap3A_96 : vector<1x16xf32> to vector<16xf32>
      %swap3A_98 = vector.shape_cast %broadcast_in_dim3A_1 : vector<16xf32> to vector<1x16xf32>
      tpu.vector_store %arg8[%swap3A_94, %swap3A_95], %swap3A_98 {strides = array<i32>} : memref<64x128xf32, #tpu.memory_space<vmem>>, vector<1x16xf32>,
      %swap3A_99 = arith.index_cast %scan3A_69 : i32 to index
      %swap3A_100 = arith.constant 96 : index
      %swap3A_101 = tpu.vector_load %arg8[%swap3A_99, %swap3A_100] {strides = array<i32>} : memref<64x128xf32, #tpu.memory_space<vmem>>, vector<1x16xf32>,
      %swap3A_102 = vector.shape_cast %swap3A_101 : vector<1x16xf32> to vector<16xf32>
      %swap3A_103 = vector.shape_cast %broadcast_in_dim3A_1 : vector<16xf32> to vector<1x16xf32>
      tpu.vector_store %arg8[%swap3A_99, %swap3A_100], %swap3A_103 {strides = array<i32>} : memref<64x128xf32, #tpu.memory_space<vmem>>, vector<1x16xf32>,
      %swap3A_104 = arith.index_cast %scan3A_69 : i32 to index
      %swap3A_105 = arith.constant 112 : index
      %swap3A_106 = tpu.vector_load %arg8[%swap3A_104, %swap3A_105] {strides = array<i32>} : memref<64x128xf32, #tpu.memory_space<vmem>>, vector<1x16xf32>,
      %swap3A_107 = vector.shape_cast %swap3A_106 : vector<1x16xf32> to vector<16xf32>
      %swap3A_108 = vector.shape_cast %broadcast_in_dim3A_1 : vector<16xf32> to vector<1x16xf32>
      tpu.vector_store %arg8[%swap3A_104, %swap3A_105], %swap3A_108 {strides = array<i32>} : memref<64x128xf32, #tpu.memory_space<vmem>>, vector<1x16xf32>,
    }
    %scan3A_6 = arith.constant 64 : i32
    %scan3A_7 = arith.constant 0 : i32
    %scan3A_8 = arith.constant 0 : i32
    %scan3A_9 = arith.constant 10 : i32
    %scan3A_10 = arith.addi %scan3A_8, %scan3A_9 : i32
    %scan3A_11 = arith.constant 1 : i32
    scf.for %scan3A_69 = %scan3A_8 to %scan3A_10 step %scan3A_11  : i32 {
      %mul3A_70 = arith.constant 640 : i32
      %mul3A_71 = arith.muli %arg1, %mul3A_70 : i32
      %mul3A_72 = arith.constant 64 : i32
      %mul3A_73 = arith.muli %scan3A_69, %mul3A_72 : i32
      %add3A_74 = arith.addi %mul3A_71, %mul3A_73 : i32
      "tpu.region"() ({
        %run_scoped3A_75 = tpu.sem_alloc : memref<!tpu.dma_semaphore, #tpu.memory_space<semaphore_mem>>
        %dma_start3A_76 = arith.constant 0 : i32
        %dma_start3A_77 = tpu.memref_slice %arg11[%add3A_74, %dma_start3A_76] : memref<10240x128xf32, #tpu.memory_space<vmem_shared>> -> memref<64x128xf32, #tpu.memory_space<vmem_shared>>
        %dma_start3A_78 = arith.constant 0 : i32
        %dma_start3A_79 = tpu.memref_slice %arg11[%add3A_74, %dma_start3A_78] : memref<10240x128xf32, #tpu.memory_space<vmem_shared>> -> memref<64x128xf32, #tpu.memory_space<vmem_shared>>
        tpu.enqueue_dma source(%arg8 : memref<64x128xf32, #tpu.memory_space<vmem>>) target(%dma_start3A_79 : memref<64x128xf32, #tpu.memory_space<vmem_shared>>) target_semaphore(%run_scoped3A_75 : memref<!tpu.dma_semaphore, #tpu.memory_space<semaphore_mem>>)
        %dma_wait3A_80 = arith.constant 0 : i32
        %dma_wait3A_81 = tpu.memref_slice %arg11[%add3A_74, %dma_wait3A_80] : memref<10240x128xf32, #tpu.memory_space<vmem_shared>> -> memref<64x128xf32, #tpu.memory_space<vmem_shared>>
        %dma_wait3A_82 = arith.constant 0 : i32
        %dma_wait3A_83 = tpu.memref_slice %arg11[%add3A_74, %dma_wait3A_82] : memref<10240x128xf32, #tpu.memory_space<vmem_shared>> -> memref<64x128xf32, #tpu.memory_space<vmem_shared>>
        tpu.wait_dma2 semaphore(%run_scoped3A_75 : memref<!tpu.dma_semaphore, #tpu.memory_space<semaphore_mem>>) src(%arg8 : memref<64x128xf32, #tpu.memory_space<vmem>>) dst(%dma_wait3A_83 : memref<64x128xf32, #tpu.memory_space<vmem_shared>>)
        tpu.yield
      }) : () -> ()
    }
    %scan3A_12 = arith.constant 10 : i32
    "tpu.region"() ({
      %run_scoped3A_69 = tpu.sem_alloc : memref<!tpu.dma_semaphore, #tpu.memory_space<semaphore_mem>>
      %dma_start3A_70 = arith.constant 0 : i32
      %dma_start3A_71 = arith.constant 0 : i32
      %dma_start3A_72 = tpu.memref_slice %arg3[%add3A, %dma_start3A_70, %dma_start3A_71] : memref<32x75x64xi32, #tpu.memory_space<hbm>> -> memref<1x75x64xi32, #tpu.memory_space<hbm>>
      %dma_start3A_73 = tpu.memref_squeeze %dma_start3A_72 : memref<1x75x64xi32, #tpu.memory_space<hbm>> -> memref<75x64xi32, #tpu.memory_space<hbm>>
      %dma_start3A_74 = arith.constant 0 : i32
      %dma_start3A_75 = arith.constant 0 : i32
      %dma_start3A_76 = tpu.memref_slice %arg3[%add3A, %dma_start3A_74, %dma_start3A_75] : memref<32x75x64xi32, #tpu.memory_space<hbm>> -> memref<1x75x64xi32, #tpu.memory_space<hbm>>
      %dma_start3A_77 = tpu.memref_squeeze %dma_start3A_76 : memref<1x75x64xi32, #tpu.memory_space<hbm>> -> memref<75x64xi32, #tpu.memory_space<hbm>>
      tpu.enqueue_dma source(%dma_start3A_77 : memref<75x64xi32, #tpu.memory_space<hbm>>) target(%arg6 : memref<75x64xi32, #tpu.memory_space<vmem>>) target_semaphore(%run_scoped3A_69 : memref<!tpu.dma_semaphore, #tpu.memory_space<semaphore_mem>>)
      %dma_wait3A_78 = arith.constant 0 : i32
      %dma_wait3A_79 = arith.constant 0 : i32
      %dma_wait3A_80 = tpu.memref_slice %arg3[%add3A, %dma_wait3A_78, %dma_wait3A_79] : memref<32x75x64xi32, #tpu.memory_space<hbm>> -> memref<1x75x64xi32, #tpu.memory_space<hbm>>
      %dma_wait3A_81 = tpu.memref_squeeze %dma_wait3A_80 : memref<1x75x64xi32, #tpu.memory_space<hbm>> -> memref<75x64xi32, #tpu.memory_space<hbm>>
      %dma_wait3A_82 = arith.constant 0 : i32
      %dma_wait3A_83 = arith.constant 0 : i32
      %dma_wait3A_84 = tpu.memref_slice %arg3[%add3A, %dma_wait3A_82, %dma_wait3A_83] : memref<32x75x64xi32, #tpu.memory_space<hbm>> -> memref<1x75x64xi32, #tpu.memory_space<hbm>>
      %dma_wait3A_85 = tpu.memref_squeeze %dma_wait3A_84 : memref<1x75x64xi32, #tpu.memory_space<hbm>> -> memref<75x64xi32, #tpu.memory_space<hbm>>
      tpu.wait_dma2 semaphore(%run_scoped3A_69 : memref<!tpu.dma_semaphore, #tpu.memory_space<semaphore_mem>>) src(%dma_wait3A_85 : memref<75x64xi32, #tpu.memory_space<hbm>>) dst(%arg6 : memref<75x64xi32, #tpu.memory_space<vmem>>)
      tpu.yield
    }) : () -> ()
    "tpu.region"() ({
      %run_scoped3A_69 = tpu.sem_alloc : memref<!tpu.dma_semaphore, #tpu.memory_space<semaphore_mem>>
      %dma_start3A_70 = arith.constant 0 : i32
      %dma_start3A_71 = arith.constant 0 : i32
      %dma_start3A_72 = tpu.memref_slice %arg4[%add3A, %dma_start3A_70, %dma_start3A_71] : memref<32x75x64xi32, #tpu.memory_space<hbm>> -> memref<1x75x64xi32, #tpu.memory_space<hbm>>
      %dma_start3A_73 = tpu.memref_squeeze %dma_start3A_72 : memref<1x75x64xi32, #tpu.memory_space<hbm>> -> memref<75x64xi32, #tpu.memory_space<hbm>>
      %dma_start3A_74 = arith.constant 0 : i32
      %dma_start3A_75 = arith.constant 0 : i32
      %dma_start3A_76 = tpu.memref_slice %arg4[%add3A, %dma_start3A_74, %dma_start3A_75] : memref<32x75x64xi32, #tpu.memory_space<hbm>> -> memref<1x75x64xi32, #tpu.memory_space<hbm>>
      %dma_start3A_77 = tpu.memref_squeeze %dma_start3A_76 : memref<1x75x64xi32, #tpu.memory_space<hbm>> -> memref<75x64xi32, #tpu.memory_space<hbm>>
      tpu.enqueue_dma source(%dma_start3A_77 : memref<75x64xi32, #tpu.memory_space<hbm>>) target(%arg7 : memref<75x64xi32, #tpu.memory_space<vmem>>) target_semaphore(%run_scoped3A_69 : memref<!tpu.dma_semaphore, #tpu.memory_space<semaphore_mem>>)
      %dma_wait3A_78 = arith.constant 0 : i32
      %dma_wait3A_79 = arith.constant 0 : i32
      %dma_wait3A_80 = tpu.memref_slice %arg4[%add3A, %dma_wait3A_78, %dma_wait3A_79] : memref<32x75x64xi32, #tpu.memory_space<hbm>> -> memref<1x75x64xi32, #tpu.memory_space<hbm>>
      %dma_wait3A_81 = tpu.memref_squeeze %dma_wait3A_80 : memref<1x75x64xi32, #tpu.memory_space<hbm>> -> memref<75x64xi32, #tpu.memory_space<hbm>>
      %dma_wait3A_82 = arith.constant 0 : i32
      %dma_wait3A_83 = arith.constant 0 : i32
      %dma_wait3A_84 = tpu.memref_slice %arg4[%add3A, %dma_wait3A_82, %dma_wait3A_83] : memref<32x75x64xi32, #tpu.memory_space<hbm>> -> memref<1x75x64xi32, #tpu.memory_space<hbm>>
      %dma_wait3A_85 = tpu.memref_squeeze %dma_wait3A_84 : memref<1x75x64xi32, #tpu.memory_space<hbm>> -> memref<75x64xi32, #tpu.memory_space<hbm>>
      tpu.wait_dma2 semaphore(%run_scoped3A_69 : memref<!tpu.dma_semaphore, #tpu.memory_space<semaphore_mem>>) src(%dma_wait3A_85 : memref<75x64xi32, #tpu.memory_space<hbm>>) dst(%arg7 : memref<75x64xi32, #tpu.memory_space<vmem>>)
      tpu.yield
    }) : () -> ()
    %barrier3A = arith.constant 0 : index
    tpu.barrier barrier_id(%barrier3A)
    %dma_start3A = arith.constant 0 : i32
    %dma_start3A_13 = arith.constant 0 : i32
    %dma_start3A_14 = tpu.memref_slice %arg6[%dma_start3A, %dma_start3A_13] : memref<75x64xi32, #tpu.memory_space<vmem>> -> memref<1x64xi32, #tpu.memory_space<vmem>>
    %dma_start3A_15 = tpu.memref_squeeze %dma_start3A_14 : memref<1x64xi32, #tpu.memory_space<vmem>> -> memref<64xi32, #tpu.memory_space<vmem>>
    %dma_start3A_16 = arith.constant 0 : i32
    %dma_start3A_17 = arith.constant 0 : i32
    %dma_start3A_18 = tpu.memref_slice %arg2[%dma_start3A_16, %dma_start3A_17] : memref<10240x128xf32, #tpu.memory_space<hbm>> -> memref<10240x128xf32, #tpu.memory_space<hbm>>
    tpu.enqueue_indirect_dma source(%dma_start3A_18 : memref<10240x128xf32, #tpu.memory_space<hbm>>) target(%arg8 : memref<64x128xf32, #tpu.memory_space<vmem>>) offsets(%dma_start3A_15 : memref<64xi32, #tpu.memory_space<vmem>>) semaphore(%arg12 : memref<!tpu.dma_semaphore, #tpu.memory_space<semaphore_mem>>)
    %dma_start3A_19 = arith.constant 1 : i32
    %dma_start3A_20 = arith.constant 0 : i32
    %dma_start3A_21 = tpu.memref_slice %arg6[%dma_start3A_19, %dma_start3A_20] : memref<75x64xi32, #tpu.memory_space<vmem>> -> memref<1x64xi32, #tpu.memory_space<vmem>>
    %dma_start3A_22 = tpu.memref_squeeze %dma_start3A_21 : memref<1x64xi32, #tpu.memory_space<vmem>> -> memref<64xi32, #tpu.memory_space<vmem>>
    %dma_start3A_23 = arith.constant 0 : i32
    %dma_start3A_24 = arith.constant 0 : i32
    %dma_start3A_25 = tpu.memref_slice %arg2[%dma_start3A_23, %dma_start3A_24] : memref<10240x128xf32, #tpu.memory_space<hbm>> -> memref<10240x128xf32, #tpu.memory_space<hbm>>
    tpu.enqueue_indirect_dma source(%dma_start3A_25 : memref<10240x128xf32, #tpu.memory_space<hbm>>) target(%arg9 : memref<64x128xf32, #tpu.memory_space<vmem>>) offsets(%dma_start3A_22 : memref<64xi32, #tpu.memory_space<vmem>>) semaphore(%arg13 : memref<!tpu.dma_semaphore, #tpu.memory_space<semaphore_mem>>)
    %scan3A_26 = arith.constant 0 : i32
    %scan3A_27 = arith.constant 0 : i32
    %scan3A_28 = arith.constant 24 : i32
    %scan3A_29 = arith.addi %scan3A_27, %scan3A_28 : i32
    %scan3A_30 = arith.constant 1 : i32
    scf.for %scan3A_69 = %scan3A_27 to %scan3A_29 step %scan3A_30  : i32 {
      %mul3A_70 = arith.constant 3 : i32
      %mul3A_71 = arith.muli %mul3A_70, %scan3A_69 : i32
      %add3A_72 = arith.constant 0 : i32
      %add3A_73 = arith.addi %mul3A_71, %add3A_72 : i32
      %add3A_74 = arith.constant 2 : i32
      %add3A_75 = arith.addi %add3A_73, %add3A_74 : i32
      %dma_start3A_76 = arith.constant 0 : i32
      %dma_start3A_77 = tpu.memref_slice %arg6[%add3A_75, %dma_start3A_76] : memref<75x64xi32, #tpu.memory_space<vmem>> -> memref<1x64xi32, #tpu.memory_space<vmem>>
      %dma_start3A_78 = tpu.memref_squeeze %dma_start3A_77 : memref<1x64xi32, #tpu.memory_space<vmem>> -> memref<64xi32, #tpu.memory_space<vmem>>
      %dma_start3A_79 = arith.constant 0 : i32
      %dma_start3A_80 = arith.constant 0 : i32
      %dma_start3A_81 = tpu.memref_slice %arg2[%dma_start3A_79, %dma_start3A_80] : memref<10240x128xf32, #tpu.memory_space<hbm>> -> memref<10240x128xf32, #tpu.memory_space<hbm>>
      tpu.enqueue_indirect_dma source(%dma_start3A_81 : memref<10240x128xf32, #tpu.memory_space<hbm>>) target(%arg10 : memref<64x128xf32, #tpu.memory_space<vmem>>) offsets(%dma_start3A_78 : memref<64xi32, #tpu.memory_space<vmem>>) semaphore(%arg14 : memref<!tpu.dma_semaphore, #tpu.memory_space<semaphore_mem>>)
      %dma_wait3A_82 = arith.constant 0 : i32
      %dma_wait3A_83 = tpu.memref_slice %arg6[%add3A_73, %dma_wait3A_82] : memref<75x64xi32, #tpu.memory_space<vmem>> -> memref<1x64xi32, #tpu.memory_space<vmem>>
      %dma_wait3A_84 = tpu.memref_squeeze %dma_wait3A_83 : memref<1x64xi32, #tpu.memory_space<vmem>> -> memref<64xi32, #tpu.memory_space<vmem>>
      %dma_wait3A_85 = arith.constant 0 : i32
      %dma_wait3A_86 = arith.constant 0 : i32
      %dma_wait3A_87 = tpu.memref_slice %arg2[%dma_wait3A_85, %dma_wait3A_86] : memref<10240x128xf32, #tpu.memory_space<hbm>> -> memref<10240x128xf32, #tpu.memory_space<hbm>>
      tpu.wait_indirect_dma semaphore(%arg12 : memref<!tpu.dma_semaphore, #tpu.memory_space<semaphore_mem>>) src(%dma_wait3A_87 : memref<10240x128xf32, #tpu.memory_space<hbm>>) dst(%arg8 : memref<64x128xf32, #tpu.memory_space<vmem>>)
      "tpu.region"() ({
        %run_scoped3A_120 = tpu.sem_alloc : memref<!tpu.dma_semaphore, #tpu.memory_space<semaphore_mem>>
        %dma_start3A_121 = arith.constant 0 : i32
        %dma_start3A_122 = tpu.memref_slice %arg7[%add3A_73, %dma_start3A_121] : memref<75x64xi32, #tpu.memory_space<vmem>> -> memref<1x64xi32, #tpu.memory_space<vmem>>
        %dma_start3A_123 = tpu.memref_squeeze %dma_start3A_122 : memref<1x64xi32, #tpu.memory_space<vmem>> -> memref<64xi32, #tpu.memory_space<vmem>>
        %dma_start3A_124 = arith.constant 0 : i32
        %dma_start3A_125 = arith.constant 0 : i32
        %dma_start3A_126 = tpu.memref_slice %arg11[%dma_start3A_124, %dma_start3A_125] : memref<10240x128xf32, #tpu.memory_space<vmem_shared>> -> memref<10240x128xf32, #tpu.memory_space<vmem_shared>>
        tpu.enqueue_indirect_dma source(%arg8 : memref<64x128xf32, #tpu.memory_space<vmem>>) target(%dma_start3A_126 : memref<10240x128xf32, #tpu.memory_space<vmem_shared>>) offsets(%dma_start3A_123 : memref<64xi32, #tpu.memory_space<vmem>>) semaphore(%run_scoped3A_120 : memref<!tpu.dma_semaphore, #tpu.memory_space<semaphore_mem>>) {add = true}
        %dma_wait3A_127 = arith.constant 0 : i32
        %dma_wait3A_128 = tpu.memref_slice %arg7[%add3A_73, %dma_wait3A_127] : memref<75x64xi32, #tpu.memory_space<vmem>> -> memref<1x64xi32, #tpu.memory_space<vmem>>
        %dma_wait3A_129 = tpu.memref_squeeze %dma_wait3A_128 : memref<1x64xi32, #tpu.memory_space<vmem>> -> memref<64xi32, #tpu.memory_space<vmem>>
        %dma_wait3A_130 = arith.constant 0 : i32
        %dma_wait3A_131 = arith.constant 0 : i32
        %dma_wait3A_132 = tpu.memref_slice %arg11[%dma_wait3A_130, %dma_wait3A_131] : memref<10240x128xf32, #tpu.memory_space<vmem_shared>> -> memref<10240x128xf32, #tpu.memory_space<vmem_shared>>
        tpu.wait_indirect_dma semaphore(%run_scoped3A_120 : memref<!tpu.dma_semaphore, #tpu.memory_space<semaphore_mem>>) src(%arg8 : memref<64x128xf32, #tpu.memory_space<vmem>>) dst(%dma_wait3A_132 : memref<10240x128xf32, #tpu.memory_space<vmem_shared>>)
        tpu.yield
      }) : () -> ()
      %add3A_88 = arith.constant 1 : i32
      %add3A_89 = arith.addi %mul3A_71, %add3A_88 : i32
      %add3A_90 = arith.constant 2 : i32
      %add3A_91 = arith.addi %add3A_89, %add3A_90 : i32
      %dma_start3A_92 = arith.constant 0 : i32
      %dma_start3A_93 = tpu.memref_slice %arg6[%add3A_91, %dma_start3A_92] : memref<75x64xi32, #tpu.memory_space<vmem>> -> memref<1x64xi32, #tpu.memory_space<vmem>>
      %dma_start3A_94 = tpu.memref_squeeze %dma_start3A_93 : memref<1x64xi32, #tpu.memory_space<vmem>> -> memref<64xi32, #tpu.memory_space<vmem>>
      %dma_start3A_95 = arith.constant 0 : i32
      %dma_start3A_96 = arith.constant 0 : i32
      %dma_start3A_97 = tpu.memref_slice %arg2[%dma_start3A_95, %dma_start3A_96] : memref<10240x128xf32, #tpu.memory_space<hbm>> -> memref<10240x128xf32, #tpu.memory_space<hbm>>
      tpu.enqueue_indirect_dma source(%dma_start3A_97 : memref<10240x128xf32, #tpu.memory_space<hbm>>) target(%arg8 : memref<64x128xf32, #tpu.memory_space<vmem>>) offsets(%dma_start3A_94 : memref<64xi32, #tpu.memory_space<vmem>>) semaphore(%arg12 : memref<!tpu.dma_semaphore, #tpu.memory_space<semaphore_mem>>)
      %dma_wait3A_98 = arith.constant 0 : i32
      %dma_wait3A_99 = tpu.memref_slice %arg6[%add3A_89, %dma_wait3A_98] : memref<75x64xi32, #tpu.memory_space<vmem>> -> memref<1x64xi32, #tpu.memory_space<vmem>>
      %dma_wait3A_100 = tpu.memref_squeeze %dma_wait3A_99 : memref<1x64xi32, #tpu.memory_space<vmem>> -> memref<64xi32, #tpu.memory_space<vmem>>
      %dma_wait3A_101 = arith.constant 0 : i32
      %dma_wait3A_102 = arith.constant 0 : i32
      %dma_wait3A_103 = tpu.memref_slice %arg2[%dma_wait3A_101, %dma_wait3A_102] : memref<10240x128xf32, #tpu.memory_space<hbm>> -> memref<10240x128xf32, #tpu.memory_space<hbm>>
      tpu.wait_indirect_dma semaphore(%arg13 : memref<!tpu.dma_semaphore, #tpu.memory_space<semaphore_mem>>) src(%dma_wait3A_103 : memref<10240x128xf32, #tpu.memory_space<hbm>>) dst(%arg9 : memref<64x128xf32, #tpu.memory_space<vmem>>)
      "tpu.region"() ({
        %run_scoped3A_120 = tpu.sem_alloc : memref<!tpu.dma_semaphore, #tpu.memory_space<semaphore_mem>>
        %dma_start3A_121 = arith.constant 0 : i32
        %dma_start3A_122 = tpu.memref_slice %arg7[%add3A_89, %dma_start3A_121] : memref<75x64xi32, #tpu.memory_space<vmem>> -> memref<1x64xi32, #tpu.memory_space<vmem>>
        %dma_start3A_123 = tpu.memref_squeeze %dma_start3A_122 : memref<1x64xi32, #tpu.memory_space<vmem>> -> memref<64xi32, #tpu.memory_space<vmem>>
        %dma_start3A_124 = arith.constant 0 : i32
        %dma_start3A_125 = arith.constant 0 : i32
        %dma_start3A_126 = tpu.memref_slice %arg11[%dma_start3A_124, %dma_start3A_125] : memref<10240x128xf32, #tpu.memory_space<vmem_shared>> -> memref<10240x128xf32, #tpu.memory_space<vmem_shared>>
        tpu.enqueue_indirect_dma source(%arg9 : memref<64x128xf32, #tpu.memory_space<vmem>>) target(%dma_start3A_126 : memref<10240x128xf32, #tpu.memory_space<vmem_shared>>) offsets(%dma_start3A_123 : memref<64xi32, #tpu.memory_space<vmem>>) semaphore(%run_scoped3A_120 : memref<!tpu.dma_semaphore, #tpu.memory_space<semaphore_mem>>) {add = true}
        %dma_wait3A_127 = arith.constant 0 : i32
        %dma_wait3A_128 = tpu.memref_slice %arg7[%add3A_89, %dma_wait3A_127] : memref<75x64xi32, #tpu.memory_space<vmem>> -> memref<1x64xi32, #tpu.memory_space<vmem>>
        %dma_wait3A_129 = tpu.memref_squeeze %dma_wait3A_128 : memref<1x64xi32, #tpu.memory_space<vmem>> -> memref<64xi32, #tpu.memory_space<vmem>>
        %dma_wait3A_130 = arith.constant 0 : i32
        %dma_wait3A_131 = arith.constant 0 : i32
        %dma_wait3A_132 = tpu.memref_slice %arg11[%dma_wait3A_130, %dma_wait3A_131] : memref<10240x128xf32, #tpu.memory_space<vmem_shared>> -> memref<10240x128xf32, #tpu.memory_space<vmem_shared>>
        tpu.wait_indirect_dma semaphore(%run_scoped3A_120 : memref<!tpu.dma_semaphore, #tpu.memory_space<semaphore_mem>>) src(%arg9 : memref<64x128xf32, #tpu.memory_space<vmem>>) dst(%dma_wait3A_132 : memref<10240x128xf32, #tpu.memory_space<vmem_shared>>)
        tpu.yield
      }) : () -> ()
      %add3A_104 = arith.constant 2 : i32
      %add3A_105 = arith.addi %mul3A_71, %add3A_104 : i32
      %add3A_106 = arith.constant 2 : i32
      %add3A_107 = arith.addi %add3A_105, %add3A_106 : i32
      %dma_start3A_108 = arith.constant 0 : i32
      %dma_start3A_109 = tpu.memref_slice %arg6[%add3A_107, %dma_start3A_108] : memref<75x64xi32, #tpu.memory_space<vmem>> -> memref<1x64xi32, #tpu.memory_space<vmem>>
      %dma_start3A_110 = tpu.memref_squeeze %dma_start3A_109 : memref<1x64xi32, #tpu.memory_space<vmem>> -> memref<64xi32, #tpu.memory_space<vmem>>
      %dma_start3A_111 = arith.constant 0 : i32
      %dma_start3A_112 = arith.constant 0 : i32
      %dma_start3A_113 = tpu.memref_slice %arg2[%dma_start3A_111, %dma_start3A_112] : memref<10240x128xf32, #tpu.memory_space<hbm>> -> memref<10240x128xf32, #tpu.memory_space<hbm>>
      tpu.enqueue_indirect_dma source(%dma_start3A_113 : memref<10240x128xf32, #tpu.memory_space<hbm>>) target(%arg9 : memref<64x128xf32, #tpu.memory_space<vmem>>) offsets(%dma_start3A_110 : memref<64xi32, #tpu.memory_space<vmem>>) semaphore(%arg13 : memref<!tpu.dma_semaphore, #tpu.memory_space<semaphore_mem>>)
      %dma_wait3A_114 = arith.constant 0 : i32
      %dma_wait3A_115 = tpu.memref_slice %arg6[%add3A_105, %dma_wait3A_114] : memref<75x64xi32, #tpu.memory_space<vmem>> -> memref<1x64xi32, #tpu.memory_space<vmem>>
      %dma_wait3A_116 = tpu.memref_squeeze %dma_wait3A_115 : memref<1x64xi32, #tpu.memory_space<vmem>> -> memref<64xi32, #tpu.memory_space<vmem>>
      %dma_wait3A_117 = arith.constant 0 : i32
      %dma_wait3A_118 = arith.constant 0 : i32
      %dma_wait3A_119 = tpu.memref_slice %arg2[%dma_wait3A_117, %dma_wait3A_118] : memref<10240x128xf32, #tpu.memory_space<hbm>> -> memref<10240x128xf32, #tpu.memory_space<hbm>>
      tpu.wait_indirect_dma semaphore(%arg14 : memref<!tpu.dma_semaphore, #tpu.memory_space<semaphore_mem>>) src(%dma_wait3A_119 : memref<10240x128xf32, #tpu.memory_space<hbm>>) dst(%arg10 : memref<64x128xf32, #tpu.memory_space<vmem>>)
      "tpu.region"() ({
        %run_scoped3A_120 = tpu.sem_alloc : memref<!tpu.dma_semaphore, #tpu.memory_space<semaphore_mem>>
        %dma_start3A_121 = arith.constant 0 : i32
        %dma_start3A_122 = tpu.memref_slice %arg7[%add3A_105, %dma_start3A_121] : memref<75x64xi32, #tpu.memory_space<vmem>> -> memref<1x64xi32, #tpu.memory_space<vmem>>
        %dma_start3A_123 = tpu.memref_squeeze %dma_start3A_122 : memref<1x64xi32, #tpu.memory_space<vmem>> -> memref<64xi32, #tpu.memory_space<vmem>>
        %dma_start3A_124 = arith.constant 0 : i32
        %dma_start3A_125 = arith.constant 0 : i32
        %dma_start3A_126 = tpu.memref_slice %arg11[%dma_start3A_124, %dma_start3A_125] : memref<10240x128xf32, #tpu.memory_space<vmem_shared>> -> memref<10240x128xf32, #tpu.memory_space<vmem_shared>>
        tpu.enqueue_indirect_dma source(%arg10 : memref<64x128xf32, #tpu.memory_space<vmem>>) target(%dma_start3A_126 : memref<10240x128xf32, #tpu.memory_space<vmem_shared>>) offsets(%dma_start3A_123 : memref<64xi32, #tpu.memory_space<vmem>>) semaphore(%run_scoped3A_120 : memref<!tpu.dma_semaphore, #tpu.memory_space<semaphore_mem>>) {add = true}
        %dma_wait3A_127 = arith.constant 0 : i32
        %dma_wait3A_128 = tpu.memref_slice %arg7[%add3A_105, %dma_wait3A_127] : memref<75x64xi32, #tpu.memory_space<vmem>> -> memref<1x64xi32, #tpu.memory_space<vmem>>
        %dma_wait3A_129 = tpu.memref_squeeze %dma_wait3A_128 : memref<1x64xi32, #tpu.memory_space<vmem>> -> memref<64xi32, #tpu.memory_space<vmem>>
        %dma_wait3A_130 = arith.constant 0 : i32
        %dma_wait3A_131 = arith.constant 0 : i32
        %dma_wait3A_132 = tpu.memref_slice %arg11[%dma_wait3A_130, %dma_wait3A_131] : memref<10240x128xf32, #tpu.memory_space<vmem_shared>> -> memref<10240x128xf32, #tpu.memory_space<vmem_shared>>
        tpu.wait_indirect_dma semaphore(%run_scoped3A_120 : memref<!tpu.dma_semaphore, #tpu.memory_space<semaphore_mem>>) src(%arg10 : memref<64x128xf32, #tpu.memory_space<vmem>>) dst(%dma_wait3A_132 : memref<10240x128xf32, #tpu.memory_space<vmem_shared>>)
        tpu.yield
      }) : () -> ()
    }
    %scan3A_31 = arith.constant 24 : i32
    %dma_start3A_32 = arith.constant 74 : i32
    %dma_start3A_33 = arith.constant 0 : i32
    %dma_start3A_34 = tpu.memref_slice %arg6[%dma_start3A_32, %dma_start3A_33] : memref<75x64xi32, #tpu.memory_space<vmem>> -> memref<1x64xi32, #tpu.memory_space<vmem>>
    %dma_start3A_35 = tpu.memref_squeeze %dma_start3A_34 : memref<1x64xi32, #tpu.memory_space<vmem>> -> memref<64xi32, #tpu.memory_space<vmem>>
    %dma_start3A_36 = arith.constant 0 : i32
    %dma_start3A_37 = arith.constant 0 : i32
    %dma_start3A_38 = tpu.memref_slice %arg2[%dma_start3A_36, %dma_start3A_37] : memref<10240x128xf32, #tpu.memory_space<hbm>> -> memref<10240x128xf32, #tpu.memory_space<hbm>>
    tpu.enqueue_indirect_dma source(%dma_start3A_38 : memref<10240x128xf32, #tpu.memory_space<hbm>>) target(%arg10 : memref<64x128xf32, #tpu.memory_space<vmem>>) offsets(%dma_start3A_35 : memref<64xi32, #tpu.memory_space<vmem>>) semaphore(%arg14 : memref<!tpu.dma_semaphore, #tpu.memory_space<semaphore_mem>>)
    %dma_wait3A = arith.constant 72 : i32
    %dma_wait3A_39 = arith.constant 0 : i32
    %dma_wait3A_40 = tpu.memref_slice %arg6[%dma_wait3A, %dma_wait3A_39] : memref<75x64xi32, #tpu.memory_space<vmem>> -> memref<1x64xi32, #tpu.memory_space<vmem>>
    %dma_wait3A_41 = tpu.memref_squeeze %dma_wait3A_40 : memref<1x64xi32, #tpu.memory_space<vmem>> -> memref<64xi32, #tpu.memory_space<vmem>>
    %dma_wait3A_42 = arith.constant 0 : i32
    %dma_wait3A_43 = arith.constant 0 : i32
    %dma_wait3A_44 = tpu.memref_slice %arg2[%dma_wait3A_42, %dma_wait3A_43] : memref<10240x128xf32, #tpu.memory_space<hbm>> -> memref<10240x128xf32, #tpu.memory_space<hbm>>
    tpu.wait_indirect_dma semaphore(%arg12 : memref<!tpu.dma_semaphore, #tpu.memory_space<semaphore_mem>>) src(%dma_wait3A_44 : memref<10240x128xf32, #tpu.memory_space<hbm>>) dst(%arg8 : memref<64x128xf32, #tpu.memory_space<vmem>>)
    %run_scoped3A = arith.constant 72 : i32
    "tpu.region"() ({
      %run_scoped3A_69 = tpu.sem_alloc : memref<!tpu.dma_semaphore, #tpu.memory_space<semaphore_mem>>
      %dma_start3A_70 = arith.constant 0 : i32
      %dma_start3A_71 = tpu.memref_slice %arg7[%run_scoped3A, %dma_start3A_70] : memref<75x64xi32, #tpu.memory_space<vmem>> -> memref<1x64xi32, #tpu.memory_space<vmem>>
      %dma_start3A_72 = tpu.memref_squeeze %dma_start3A_71 : memref<1x64xi32, #tpu.memory_space<vmem>> -> memref<64xi32, #tpu.memory_space<vmem>>
      %dma_start3A_73 = arith.constant 0 : i32
      %dma_start3A_74 = arith.constant 0 : i32
      %dma_start3A_75 = tpu.memref_slice %arg11[%dma_start3A_73, %dma_start3A_74] : memref<10240x128xf32, #tpu.memory_space<vmem_shared>> -> memref<10240x128xf32, #tpu.memory_space<vmem_shared>>
      tpu.enqueue_indirect_dma source(%arg8 : memref<64x128xf32, #tpu.memory_space<vmem>>) target(%dma_start3A_75 : memref<10240x128xf32, #tpu.memory_space<vmem_shared>>) offsets(%dma_start3A_72 : memref<64xi32, #tpu.memory_space<vmem>>) semaphore(%run_scoped3A_69 : memref<!tpu.dma_semaphore, #tpu.memory_space<semaphore_mem>>) {add = true}
      %dma_wait3A_76 = arith.constant 0 : i32
      %dma_wait3A_77 = tpu.memref_slice %arg7[%run_scoped3A, %dma_wait3A_76] : memref<75x64xi32, #tpu.memory_space<vmem>> -> memref<1x64xi32, #tpu.memory_space<vmem>>
      %dma_wait3A_78 = tpu.memref_squeeze %dma_wait3A_77 : memref<1x64xi32, #tpu.memory_space<vmem>> -> memref<64xi32, #tpu.memory_space<vmem>>
      %dma_wait3A_79 = arith.constant 0 : i32
      %dma_wait3A_80 = arith.constant 0 : i32
      %dma_wait3A_81 = tpu.memref_slice %arg11[%dma_wait3A_79, %dma_wait3A_80] : memref<10240x128xf32, #tpu.memory_space<vmem_shared>> -> memref<10240x128xf32, #tpu.memory_space<vmem_shared>>
      tpu.wait_indirect_dma semaphore(%run_scoped3A_69 : memref<!tpu.dma_semaphore, #tpu.memory_space<semaphore_mem>>) src(%arg8 : memref<64x128xf32, #tpu.memory_space<vmem>>) dst(%dma_wait3A_81 : memref<10240x128xf32, #tpu.memory_space<vmem_shared>>)
      tpu.yield
    }) : () -> ()
    %dma_wait3A_45 = arith.constant 73 : i32
    %dma_wait3A_46 = arith.constant 0 : i32
    %dma_wait3A_47 = tpu.memref_slice %arg6[%dma_wait3A_45, %dma_wait3A_46] : memref<75x64xi32, #tpu.memory_space<vmem>> -> memref<1x64xi32, #tpu.memory_space<vmem>>
    %dma_wait3A_48 = tpu.memref_squeeze %dma_wait3A_47 : memref<1x64xi32, #tpu.memory_space<vmem>> -> memref<64xi32, #tpu.memory_space<vmem>>
    %dma_wait3A_49 = arith.constant 0 : i32
    %dma_wait3A_50 = arith.constant 0 : i32
    %dma_wait3A_51 = tpu.memref_slice %arg2[%dma_wait3A_49, %dma_wait3A_50] : memref<10240x128xf32, #tpu.memory_space<hbm>> -> memref<10240x128xf32, #tpu.memory_space<hbm>>
    tpu.wait_indirect_dma semaphore(%arg13 : memref<!tpu.dma_semaphore, #tpu.memory_space<semaphore_mem>>) src(%dma_wait3A_51 : memref<10240x128xf32, #tpu.memory_space<hbm>>) dst(%arg9 : memref<64x128xf32, #tpu.memory_space<vmem>>)
    %run_scoped3A_52 = arith.constant 73 : i32
    "tpu.region"() ({
      %run_scoped3A_69 = tpu.sem_alloc : memref<!tpu.dma_semaphore, #tpu.memory_space<semaphore_mem>>
      %dma_start3A_70 = arith.constant 0 : i32
      %dma_start3A_71 = tpu.memref_slice %arg7[%run_scoped3A_52, %dma_start3A_70] : memref<75x64xi32, #tpu.memory_space<vmem>> -> memref<1x64xi32, #tpu.memory_space<vmem>>
      %dma_start3A_72 = tpu.memref_squeeze %dma_start3A_71 : memref<1x64xi32, #tpu.memory_space<vmem>> -> memref<64xi32, #tpu.memory_space<vmem>>
      %dma_start3A_73 = arith.constant 0 : i32
      %dma_start3A_74 = arith.constant 0 : i32
      %dma_start3A_75 = tpu.memref_slice %arg11[%dma_start3A_73, %dma_start3A_74] : memref<10240x128xf32, #tpu.memory_space<vmem_shared>> -> memref<10240x128xf32, #tpu.memory_space<vmem_shared>>
      tpu.enqueue_indirect_dma source(%arg9 : memref<64x128xf32, #tpu.memory_space<vmem>>) target(%dma_start3A_75 : memref<10240x128xf32, #tpu.memory_space<vmem_shared>>) offsets(%dma_start3A_72 : memref<64xi32, #tpu.memory_space<vmem>>) semaphore(%run_scoped3A_69 : memref<!tpu.dma_semaphore, #tpu.memory_space<semaphore_mem>>) {add = true}
      %dma_wait3A_76 = arith.constant 0 : i32
      %dma_wait3A_77 = tpu.memref_slice %arg7[%run_scoped3A_52, %dma_wait3A_76] : memref<75x64xi32, #tpu.memory_space<vmem>> -> memref<1x64xi32, #tpu.memory_space<vmem>>
      %dma_wait3A_78 = tpu.memref_squeeze %dma_wait3A_77 : memref<1x64xi32, #tpu.memory_space<vmem>> -> memref<64xi32, #tpu.memory_space<vmem>>
      %dma_wait3A_79 = arith.constant 0 : i32
      %dma_wait3A_80 = arith.constant 0 : i32
      %dma_wait3A_81 = tpu.memref_slice %arg11[%dma_wait3A_79, %dma_wait3A_80] : memref<10240x128xf32, #tpu.memory_space<vmem_shared>> -> memref<10240x128xf32, #tpu.memory_space<vmem_shared>>
      tpu.wait_indirect_dma semaphore(%run_scoped3A_69 : memref<!tpu.dma_semaphore, #tpu.memory_space<semaphore_mem>>) src(%arg9 : memref<64x128xf32, #tpu.memory_space<vmem>>) dst(%dma_wait3A_81 : memref<10240x128xf32, #tpu.memory_space<vmem_shared>>)
      tpu.yield
    }) : () -> ()
    %dma_wait3A_53 = arith.constant 74 : i32
    %dma_wait3A_54 = arith.constant 0 : i32
    %dma_wait3A_55 = tpu.memref_slice %arg6[%dma_wait3A_53, %dma_wait3A_54] : memref<75x64xi32, #tpu.memory_space<vmem>> -> memref<1x64xi32, #tpu.memory_space<vmem>>
    %dma_wait3A_56 = tpu.memref_squeeze %dma_wait3A_55 : memref<1x64xi32, #tpu.memory_space<vmem>> -> memref<64xi32, #tpu.memory_space<vmem>>
    %dma_wait3A_57 = arith.constant 0 : i32
    %dma_wait3A_58 = arith.constant 0 : i32
    %dma_wait3A_59 = tpu.memref_slice %arg2[%dma_wait3A_57, %dma_wait3A_58] : memref<10240x128xf32, #tpu.memory_space<hbm>> -> memref<10240x128xf32, #tpu.memory_space<hbm>>
    tpu.wait_indirect_dma semaphore(%arg14 : memref<!tpu.dma_semaphore, #tpu.memory_space<semaphore_mem>>) src(%dma_wait3A_59 : memref<10240x128xf32, #tpu.memory_space<hbm>>) dst(%arg10 : memref<64x128xf32, #tpu.memory_space<vmem>>)
    %run_scoped3A_60 = arith.constant 74 : i32
    "tpu.region"() ({
      %run_scoped3A_69 = tpu.sem_alloc : memref<!tpu.dma_semaphore, #tpu.memory_space<semaphore_mem>>
      %dma_start3A_70 = arith.constant 0 : i32
      %dma_start3A_71 = tpu.memref_slice %arg7[%run_scoped3A_60, %dma_start3A_70] : memref<75x64xi32, #tpu.memory_space<vmem>> -> memref<1x64xi32, #tpu.memory_space<vmem>>
      %dma_start3A_72 = tpu.memref_squeeze %dma_start3A_71 : memref<1x64xi32, #tpu.memory_space<vmem>> -> memref<64xi32, #tpu.memory_space<vmem>>
      %dma_start3A_73 = arith.constant 0 : i32
      %dma_start3A_74 = arith.constant 0 : i32
      %dma_start3A_75 = tpu.memref_slice %arg11[%dma_start3A_73, %dma_start3A_74] : memref<10240x128xf32, #tpu.memory_space<vmem_shared>> -> memref<10240x128xf32, #tpu.memory_space<vmem_shared>>
      tpu.enqueue_indirect_dma source(%arg10 : memref<64x128xf32, #tpu.memory_space<vmem>>) target(%dma_start3A_75 : memref<10240x128xf32, #tpu.memory_space<vmem_shared>>) offsets(%dma_start3A_72 : memref<64xi32, #tpu.memory_space<vmem>>) semaphore(%run_scoped3A_69 : memref<!tpu.dma_semaphore, #tpu.memory_space<semaphore_mem>>) {add = true}
      %dma_wait3A_76 = arith.constant 0 : i32
      %dma_wait3A_77 = tpu.memref_slice %arg7[%run_scoped3A_60, %dma_wait3A_76] : memref<75x64xi32, #tpu.memory_space<vmem>> -> memref<1x64xi32, #tpu.memory_space<vmem>>
      %dma_wait3A_78 = tpu.memref_squeeze %dma_wait3A_77 : memref<1x64xi32, #tpu.memory_space<vmem>> -> memref<64xi32, #tpu.memory_space<vmem>>
      %dma_wait3A_79 = arith.constant 0 : i32
      %dma_wait3A_80 = arith.constant 0 : i32
      %dma_wait3A_81 = tpu.memref_slice %arg11[%dma_wait3A_79, %dma_wait3A_80] : memref<10240x128xf32, #tpu.memory_space<vmem_shared>> -> memref<10240x128xf32, #tpu.memory_space<vmem_shared>>
      tpu.wait_indirect_dma semaphore(%run_scoped3A_69 : memref<!tpu.dma_semaphore, #tpu.memory_space<semaphore_mem>>) src(%arg10 : memref<64x128xf32, #tpu.memory_space<vmem>>) dst(%dma_wait3A_81 : memref<10240x128xf32, #tpu.memory_space<vmem_shared>>)
      tpu.yield
    }) : () -> ()
    %barrier3A_61 = arith.constant 0 : index
    tpu.barrier barrier_id(%barrier3A_61)
    %mul3A_62 = arith.constant 640 : i32
    %mul3A_63 = arith.muli %arg1, %mul3A_62 : i32
    %mul3A_64 = arith.constant 10240 : i32
    %mul3A_65 = arith.muli %arg0, %mul3A_64 : i32
    %mul3A_66 = arith.constant 640 : i32
    %mul3A_67 = arith.muli %arg1, %mul3A_66 : i32
    %add3A_68 = arith.addi %mul3A_65, %mul3A_67 : i32
    "tpu.region"() ({
      %run_scoped3A_69 = tpu.sem_alloc : memref<!tpu.dma_semaphore, #tpu.memory_space<semaphore_mem>>
      %dma_start3A_70 = arith.constant 0 : i32
      %dma_start3A_71 = tpu.memref_slice %arg5[%add3A_68, %dma_start3A_70] : memref<20480x128xf32, #tpu.memory_space<hbm>> -> memref<640x128xf32, #tpu.memory_space<hbm>>
      %dma_start3A_72 = arith.constant 0 : i32
      %dma_start3A_73 = tpu.memref_slice %arg11[%mul3A_63, %dma_start3A_72] : memref<10240x128xf32, #tpu.memory_space<vmem_shared>> -> memref<640x128xf32, #tpu.memory_space<vmem_shared>>
      tpu.enqueue_dma source(%dma_start3A_73 : memref<640x128xf32, #tpu.memory_space<vmem_shared>>) target(%dma_start3A_71 : memref<640x128xf32, #tpu.memory_space<hbm>>) target_semaphore(%run_scoped3A_69 : memref<!tpu.dma_semaphore, #tpu.memory_space<semaphore_mem>>)
      %dma_wait3A_74 = arith.constant 0 : i32
      %dma_wait3A_75 = tpu.memref_slice %arg5[%add3A_68, %dma_wait3A_74] : memref<20480x128xf32, #tpu.memory_space<hbm>> -> memref<640x128xf32, #tpu.memory_space<hbm>>
      %dma_wait3A_76 = arith.constant 0 : i32
      %dma_wait3A_77 = tpu.memref_slice %arg11[%mul3A_63, %dma_wait3A_76] : memref<10240x128xf32, #tpu.memory_space<vmem_shared>> -> memref<640x128xf32, #tpu.memory_space<vmem_shared>>
      tpu.wait_dma2 semaphore(%run_scoped3A_69 : memref<!tpu.dma_semaphore, #tpu.memory_space<semaphore_mem>>) src(%dma_wait3A_77 : memref<640x128xf32, #tpu.memory_space<vmem_shared>>) dst(%dma_wait3A_75 : memref<640x128xf32, #tpu.memory_space<hbm>>)
      tpu.yield
    }) : () -> ()
    return
  }
}

#map = affine_map<(d0, d1) -> (0, 0, 0)>
#map1 = affine_map<(d0, d1) -> (0)>
module attributes {stable_mosaic.version = 14 : i64} {
  func.func @deg_kernel(%arg0: i32, %arg1: i32, %arg2: memref<32x75x64xi32, #tpu.memory_space<hbm>>, %arg3: memref<20480xf32, #tpu.memory_space<hbm>>, %arg4: memref<75x64xi32, #tpu.memory_space<vmem>>, %arg5: memref<64xf32, #tpu.memory_space<vmem>>, %arg6: memref<64xf32, #tpu.memory_space<vmem>>, %arg7: memref<10240xf32, #tpu.memory_space<vmem_shared>>) attributes {dimension_semantics = [#tpu.dimension_semantics<core_parallel>, #tpu.dimension_semantics<subcore_parallel>], iteration_bounds = array<i64: 2, 16>, scalar_prefetch = 0 : i64, scratch_operands = 4 : i64, tpu.core_type = #tpu.core_type<sc_vector_subcore>, window_params = [{transform_indices = #map}, {transform_indices = #map1}]} {
    %mul3A = arith.constant 16 : i32
    %mul3A_0 = arith.muli %arg0, %mul3A : i32
    %add3A = arith.addi %mul3A_0, %arg1 : i32
    %broadcast_in_dim3A = arith.constant 1.000000e+00 : f32
    %broadcast_in_dim3A_1 = vector.broadcast %broadcast_in_dim3A : f32 to vector<16xf32>
    %swap3A = arith.constant 0 : index
    %swap3A_2 = tpu.vector_load %arg5[%swap3A] {strides = array<i32>} : memref<64xf32, #tpu.memory_space<vmem>>, vector<16xf32>,
    %swap3A_3 = vector.shape_cast %swap3A_2 : vector<16xf32> to vector<16xf32>
    %swap3A_4 = vector.shape_cast %broadcast_in_dim3A_1 : vector<16xf32> to vector<16xf32>
    tpu.vector_store %arg5[%swap3A], %swap3A_4 {strides = array<i32>} : memref<64xf32, #tpu.memory_space<vmem>>, vector<16xf32>,
    %broadcast_in_dim3A_5 = arith.constant 0.000000e+00 : f32
    %broadcast_in_dim3A_6 = vector.broadcast %broadcast_in_dim3A_5 : f32 to vector<16xf32>
    %swap3A_7 = arith.constant 0 : index
    %swap3A_8 = tpu.vector_load %arg6[%swap3A_7] {strides = array<i32>} : memref<64xf32, #tpu.memory_space<vmem>>, vector<16xf32>,
    %swap3A_9 = vector.shape_cast %swap3A_8 : vector<16xf32> to vector<16xf32>
    %swap3A_10 = vector.shape_cast %broadcast_in_dim3A_6 : vector<16xf32> to vector<16xf32>
    tpu.vector_store %arg6[%swap3A_7], %swap3A_10 {strides = array<i32>} : memref<64xf32, #tpu.memory_space<vmem>>, vector<16xf32>,
    %broadcast_in_dim3A_11 = arith.constant 1.000000e+00 : f32
    %broadcast_in_dim3A_12 = vector.broadcast %broadcast_in_dim3A_11 : f32 to vector<16xf32>
    %swap3A_13 = arith.constant 16 : index
    %swap3A_14 = tpu.vector_load %arg5[%swap3A_13] {strides = array<i32>} : memref<64xf32, #tpu.memory_space<vmem>>, vector<16xf32>,
    %swap3A_15 = vector.shape_cast %swap3A_14 : vector<16xf32> to vector<16xf32>
    %swap3A_16 = vector.shape_cast %broadcast_in_dim3A_12 : vector<16xf32> to vector<16xf32>
    tpu.vector_store %arg5[%swap3A_13], %swap3A_16 {strides = array<i32>} : memref<64xf32, #tpu.memory_space<vmem>>, vector<16xf32>,
    %broadcast_in_dim3A_17 = arith.constant 0.000000e+00 : f32
    %broadcast_in_dim3A_18 = vector.broadcast %broadcast_in_dim3A_17 : f32 to vector<16xf32>
    %swap3A_19 = arith.constant 16 : index
    %swap3A_20 = tpu.vector_load %arg6[%swap3A_19] {strides = array<i32>} : memref<64xf32, #tpu.memory_space<vmem>>, vector<16xf32>,
    %swap3A_21 = vector.shape_cast %swap3A_20 : vector<16xf32> to vector<16xf32>
    %swap3A_22 = vector.shape_cast %broadcast_in_dim3A_18 : vector<16xf32> to vector<16xf32>
    tpu.vector_store %arg6[%swap3A_19], %swap3A_22 {strides = array<i32>} : memref<64xf32, #tpu.memory_space<vmem>>, vector<16xf32>,
    %broadcast_in_dim3A_23 = arith.constant 1.000000e+00 : f32
    %broadcast_in_dim3A_24 = vector.broadcast %broadcast_in_dim3A_23 : f32 to vector<16xf32>
    %swap3A_25 = arith.constant 32 : index
    %swap3A_26 = tpu.vector_load %arg5[%swap3A_25] {strides = array<i32>} : memref<64xf32, #tpu.memory_space<vmem>>, vector<16xf32>,
    %swap3A_27 = vector.shape_cast %swap3A_26 : vector<16xf32> to vector<16xf32>
    %swap3A_28 = vector.shape_cast %broadcast_in_dim3A_24 : vector<16xf32> to vector<16xf32>
    tpu.vector_store %arg5[%swap3A_25], %swap3A_28 {strides = array<i32>} : memref<64xf32, #tpu.memory_space<vmem>>, vector<16xf32>,
    %broadcast_in_dim3A_29 = arith.constant 0.000000e+00 : f32
    %broadcast_in_dim3A_30 = vector.broadcast %broadcast_in_dim3A_29 : f32 to vector<16xf32>
    %swap3A_31 = arith.constant 32 : index
    %swap3A_32 = tpu.vector_load %arg6[%swap3A_31] {strides = array<i32>} : memref<64xf32, #tpu.memory_space<vmem>>, vector<16xf32>,
    %swap3A_33 = vector.shape_cast %swap3A_32 : vector<16xf32> to vector<16xf32>
    %swap3A_34 = vector.shape_cast %broadcast_in_dim3A_30 : vector<16xf32> to vector<16xf32>
    tpu.vector_store %arg6[%swap3A_31], %swap3A_34 {strides = array<i32>} : memref<64xf32, #tpu.memory_space<vmem>>, vector<16xf32>,
    %broadcast_in_dim3A_35 = arith.constant 1.000000e+00 : f32
    %broadcast_in_dim3A_36 = vector.broadcast %broadcast_in_dim3A_35 : f32 to vector<16xf32>
    %swap3A_37 = arith.constant 48 : index
    %swap3A_38 = tpu.vector_load %arg5[%swap3A_37] {strides = array<i32>} : memref<64xf32, #tpu.memory_space<vmem>>, vector<16xf32>,
    %swap3A_39 = vector.shape_cast %swap3A_38 : vector<16xf32> to vector<16xf32>
    %swap3A_40 = vector.shape_cast %broadcast_in_dim3A_36 : vector<16xf32> to vector<16xf32>
    tpu.vector_store %arg5[%swap3A_37], %swap3A_40 {strides = array<i32>} : memref<64xf32, #tpu.memory_space<vmem>>, vector<16xf32>,
    %broadcast_in_dim3A_41 = arith.constant 0.000000e+00 : f32
    %broadcast_in_dim3A_42 = vector.broadcast %broadcast_in_dim3A_41 : f32 to vector<16xf32>
    %swap3A_43 = arith.constant 48 : index
    %swap3A_44 = tpu.vector_load %arg6[%swap3A_43] {strides = array<i32>} : memref<64xf32, #tpu.memory_space<vmem>>, vector<16xf32>,
    %swap3A_45 = vector.shape_cast %swap3A_44 : vector<16xf32> to vector<16xf32>
    %swap3A_46 = vector.shape_cast %broadcast_in_dim3A_42 : vector<16xf32> to vector<16xf32>
    tpu.vector_store %arg6[%swap3A_43], %swap3A_46 {strides = array<i32>} : memref<64xf32, #tpu.memory_space<vmem>>, vector<16xf32>,
    %scan3A = arith.constant 0 : i32
    %scan3A_47 = arith.constant 0 : i32
    %scan3A_48 = arith.constant 10 : i32
    %scan3A_49 = arith.addi %scan3A_47, %scan3A_48 : i32
    %scan3A_50 = arith.constant 1 : i32
    scf.for %scan3A_66 = %scan3A_47 to %scan3A_49 step %scan3A_50  : i32 {
      %mul3A_67 = arith.constant 640 : i32
      %mul3A_68 = arith.muli %arg1, %mul3A_67 : i32
      %mul3A_69 = arith.constant 64 : i32
      %mul3A_70 = arith.muli %scan3A_66, %mul3A_69 : i32
      %add3A_71 = arith.addi %mul3A_68, %mul3A_70 : i32
      "tpu.region"() ({
        %run_scoped3A = tpu.sem_alloc : memref<!tpu.dma_semaphore, #tpu.memory_space<semaphore_mem>>
        %dma_start3A = tpu.memref_slice %arg7[%add3A_71] : memref<10240xf32, #tpu.memory_space<vmem_shared>> -> memref<64xf32, #tpu.memory_space<vmem_shared>>
        %dma_start3A_72 = tpu.memref_slice %arg7[%add3A_71] : memref<10240xf32, #tpu.memory_space<vmem_shared>> -> memref<64xf32, #tpu.memory_space<vmem_shared>>
        tpu.enqueue_dma source(%arg6 : memref<64xf32, #tpu.memory_space<vmem>>) target(%dma_start3A_72 : memref<64xf32, #tpu.memory_space<vmem_shared>>) target_semaphore(%run_scoped3A : memref<!tpu.dma_semaphore, #tpu.memory_space<semaphore_mem>>)
        %dma_wait3A = tpu.memref_slice %arg7[%add3A_71] : memref<10240xf32, #tpu.memory_space<vmem_shared>> -> memref<64xf32, #tpu.memory_space<vmem_shared>>
        %dma_wait3A_73 = tpu.memref_slice %arg7[%add3A_71] : memref<10240xf32, #tpu.memory_space<vmem_shared>> -> memref<64xf32, #tpu.memory_space<vmem_shared>>
        tpu.wait_dma2 semaphore(%run_scoped3A : memref<!tpu.dma_semaphore, #tpu.memory_space<semaphore_mem>>) src(%arg6 : memref<64xf32, #tpu.memory_space<vmem>>) dst(%dma_wait3A_73 : memref<64xf32, #tpu.memory_space<vmem_shared>>)
        tpu.yield
      }) : () -> ()
    }
    %scan3A_51 = arith.constant 10 : i32
    "tpu.region"() ({
      %run_scoped3A = tpu.sem_alloc : memref<!tpu.dma_semaphore, #tpu.memory_space<semaphore_mem>>
      %dma_start3A = arith.constant 0 : i32
      %dma_start3A_66 = arith.constant 0 : i32
      %dma_start3A_67 = tpu.memref_slice %arg2[%add3A, %dma_start3A, %dma_start3A_66] : memref<32x75x64xi32, #tpu.memory_space<hbm>> -> memref<1x75x64xi32, #tpu.memory_space<hbm>>
      %dma_start3A_68 = tpu.memref_squeeze %dma_start3A_67 : memref<1x75x64xi32, #tpu.memory_space<hbm>> -> memref<75x64xi32, #tpu.memory_space<hbm>>
      %dma_start3A_69 = arith.constant 0 : i32
      %dma_start3A_70 = arith.constant 0 : i32
      %dma_start3A_71 = tpu.memref_slice %arg2[%add3A, %dma_start3A_69, %dma_start3A_70] : memref<32x75x64xi32, #tpu.memory_space<hbm>> -> memref<1x75x64xi32, #tpu.memory_space<hbm>>
      %dma_start3A_72 = tpu.memref_squeeze %dma_start3A_71 : memref<1x75x64xi32, #tpu.memory_space<hbm>> -> memref<75x64xi32, #tpu.memory_space<hbm>>
      tpu.enqueue_dma source(%dma_start3A_72 : memref<75x64xi32, #tpu.memory_space<hbm>>) target(%arg4 : memref<75x64xi32, #tpu.memory_space<vmem>>) target_semaphore(%run_scoped3A : memref<!tpu.dma_semaphore, #tpu.memory_space<semaphore_mem>>)
      %dma_wait3A = arith.constant 0 : i32
      %dma_wait3A_73 = arith.constant 0 : i32
      %dma_wait3A_74 = tpu.memref_slice %arg2[%add3A, %dma_wait3A, %dma_wait3A_73] : memref<32x75x64xi32, #tpu.memory_space<hbm>> -> memref<1x75x64xi32, #tpu.memory_space<hbm>>
      %dma_wait3A_75 = tpu.memref_squeeze %dma_wait3A_74 : memref<1x75x64xi32, #tpu.memory_space<hbm>> -> memref<75x64xi32, #tpu.memory_space<hbm>>
      %dma_wait3A_76 = arith.constant 0 : i32
      %dma_wait3A_77 = arith.constant 0 : i32
      %dma_wait3A_78 = tpu.memref_slice %arg2[%add3A, %dma_wait3A_76, %dma_wait3A_77] : memref<32x75x64xi32, #tpu.memory_space<hbm>> -> memref<1x75x64xi32, #tpu.memory_space<hbm>>
      %dma_wait3A_79 = tpu.memref_squeeze %dma_wait3A_78 : memref<1x75x64xi32, #tpu.memory_space<hbm>> -> memref<75x64xi32, #tpu.memory_space<hbm>>
      tpu.wait_dma2 semaphore(%run_scoped3A : memref<!tpu.dma_semaphore, #tpu.memory_space<semaphore_mem>>) src(%dma_wait3A_79 : memref<75x64xi32, #tpu.memory_space<hbm>>) dst(%arg4 : memref<75x64xi32, #tpu.memory_space<vmem>>)
      tpu.yield
    }) : () -> ()
    %barrier3A = arith.constant 0 : index
    tpu.barrier barrier_id(%barrier3A)
    %scan3A_52 = arith.constant 0 : i32
    %scan3A_53 = arith.constant 0 : i32
    %scan3A_54 = arith.constant 75 : i32
    %scan3A_55 = arith.addi %scan3A_53, %scan3A_54 : i32
    %scan3A_56 = arith.constant 1 : i32
    scf.for %scan3A_66 = %scan3A_53 to %scan3A_55 step %scan3A_56  : i32 {
      "tpu.region"() ({
        %run_scoped3A = tpu.sem_alloc : memref<!tpu.dma_semaphore, #tpu.memory_space<semaphore_mem>>
        %dma_start3A = arith.constant 0 : i32
        %dma_start3A_67 = tpu.memref_slice %arg4[%scan3A_66, %dma_start3A] : memref<75x64xi32, #tpu.memory_space<vmem>> -> memref<1x64xi32, #tpu.memory_space<vmem>>
        %dma_start3A_68 = tpu.memref_squeeze %dma_start3A_67 : memref<1x64xi32, #tpu.memory_space<vmem>> -> memref<64xi32, #tpu.memory_space<vmem>>
        %dma_start3A_69 = arith.constant 0 : i32
        %dma_start3A_70 = tpu.memref_slice %arg7[%dma_start3A_69] : memref<10240xf32, #tpu.memory_space<vmem_shared>> -> memref<10240xf32, #tpu.memory_space<vmem_shared>>
        tpu.enqueue_indirect_dma source(%arg5 : memref<64xf32, #tpu.memory_space<vmem>>) target(%dma_start3A_70 : memref<10240xf32, #tpu.memory_space<vmem_shared>>) offsets(%dma_start3A_68 : memref<64xi32, #tpu.memory_space<vmem>>) semaphore(%run_scoped3A : memref<!tpu.dma_semaphore, #tpu.memory_space<semaphore_mem>>) {add = true}
        %dma_wait3A = arith.constant 0 : i32
        %dma_wait3A_71 = tpu.memref_slice %arg4[%scan3A_66, %dma_wait3A] : memref<75x64xi32, #tpu.memory_space<vmem>> -> memref<1x64xi32, #tpu.memory_space<vmem>>
        %dma_wait3A_72 = tpu.memref_squeeze %dma_wait3A_71 : memref<1x64xi32, #tpu.memory_space<vmem>> -> memref<64xi32, #tpu.memory_space<vmem>>
        %dma_wait3A_73 = arith.constant 0 : i32
        %dma_wait3A_74 = tpu.memref_slice %arg7[%dma_wait3A_73] : memref<10240xf32, #tpu.memory_space<vmem_shared>> -> memref<10240xf32, #tpu.memory_space<vmem_shared>>
        tpu.wait_indirect_dma semaphore(%run_scoped3A : memref<!tpu.dma_semaphore, #tpu.memory_space<semaphore_mem>>) src(%arg5 : memref<64xf32, #tpu.memory_space<vmem>>) dst(%dma_wait3A_74 : memref<10240xf32, #tpu.memory_space<vmem_shared>>)
        tpu.yield
      }) : () -> ()
    }
    %scan3A_57 = arith.constant 75 : i32
    %barrier3A_58 = arith.constant 0 : index
    tpu.barrier barrier_id(%barrier3A_58)
    %mul3A_59 = arith.constant 640 : i32
    %mul3A_60 = arith.muli %arg1, %mul3A_59 : i32
    %mul3A_61 = arith.constant 10240 : i32
    %mul3A_62 = arith.muli %arg0, %mul3A_61 : i32
    %mul3A_63 = arith.constant 640 : i32
    %mul3A_64 = arith.muli %arg1, %mul3A_63 : i32
    %add3A_65 = arith.addi %mul3A_62, %mul3A_64 : i32
    "tpu.region"() ({
      %run_scoped3A = tpu.sem_alloc : memref<!tpu.dma_semaphore, #tpu.memory_space<semaphore_mem>>
      %dma_start3A = tpu.memref_slice %arg3[%add3A_65] : memref<20480xf32, #tpu.memory_space<hbm>> -> memref<640xf32, #tpu.memory_space<hbm>>
      %dma_start3A_66 = tpu.memref_slice %arg7[%mul3A_60] : memref<10240xf32, #tpu.memory_space<vmem_shared>> -> memref<640xf32, #tpu.memory_space<vmem_shared>>
      tpu.enqueue_dma source(%dma_start3A_66 : memref<640xf32, #tpu.memory_space<vmem_shared>>) target(%dma_start3A : memref<640xf32, #tpu.memory_space<hbm>>) target_semaphore(%run_scoped3A : memref<!tpu.dma_semaphore, #tpu.memory_space<semaphore_mem>>)
      %dma_wait3A = tpu.memref_slice %arg3[%add3A_65] : memref<20480xf32, #tpu.memory_space<hbm>> -> memref<640xf32, #tpu.memory_space<hbm>>
      %dma_wait3A_67 = tpu.memref_slice %arg7[%mul3A_60] : memref<10240xf32, #tpu.memory_space<vmem_shared>> -> memref<640xf32, #tpu.memory_space<vmem_shared>>
      tpu.wait_dma2 semaphore(%run_scoped3A : memref<!tpu.dma_semaphore, #tpu.memory_space<semaphore_mem>>) src(%dma_wait3A_67 : memref<640xf32, #tpu.memory_space<vmem_shared>>) dst(%dma_wait3A : memref<640xf32, #tpu.memory_space<hbm>>)
      tpu.yield
    }) : () -> ()
    return
  }
}

#map = affine_map<(d0, d1) -> (0, 0)>
#map1 = affine_map<(d0, d1) -> (0, 0, 0)>
module attributes {stable_mosaic.version = 14 : i64} {
  func.func @agg_kernel(%arg0: i32, %arg1: i32, %arg2: memref<10240x128xf32, #tpu.memory_space<hbm>>, %arg3: memref<32x75x64xi32, #tpu.memory_space<hbm>>, %arg4: memref<32x75x64xi32, #tpu.memory_space<hbm>>, %arg5: memref<20480x128xf32, #tpu.memory_space<hbm>>, %arg6: memref<75x64xi32, #tpu.memory_space<vmem>>, %arg7: memref<75x64xi32, #tpu.memory_space<vmem>>, %arg8: memref<64x128xf32, #tpu.memory_space<vmem>>, %arg9: memref<64x128xf32, #tpu.memory_space<vmem>>, %arg10: memref<64x128xf32, #tpu.memory_space<vmem>>, %arg11: memref<10240x128xf32, #tpu.memory_space<vmem_shared>>, %arg12: memref<!tpu.dma_semaphore, #tpu.memory_space<semaphore_mem>>, %arg13: memref<!tpu.dma_semaphore, #tpu.memory_space<semaphore_mem>>, %arg14: memref<!tpu.dma_semaphore, #tpu.memory_space<semaphore_mem>>) attributes {dimension_semantics = [#tpu.dimension_semantics<core_parallel>, #tpu.dimension_semantics<subcore_parallel>], iteration_bounds = array<i64: 2, 16>, scalar_prefetch = 0 : i64, scratch_operands = 9 : i64, tpu.core_type = #tpu.core_type<sc_vector_subcore>, window_params = [{transform_indices = #map}, {transform_indices = #map1}, {transform_indices = #map1}, {transform_indices = #map}]} {
    %mul3A = arith.constant 16 : i32
    %mul3A_0 = arith.muli %arg0, %mul3A : i32
    %add3A = arith.addi %mul3A_0, %arg1 : i32
    %broadcast_in_dim3A = arith.constant 0.000000e+00 : f32
    %broadcast_in_dim3A_1 = vector.broadcast %broadcast_in_dim3A : f32 to vector<16xf32>
    %scan3A = arith.constant 0 : i32
    %scan3A_2 = arith.constant 0 : i32
    %scan3A_3 = arith.constant 64 : i32
    %scan3A_4 = arith.addi %scan3A_2, %scan3A_3 : i32
    %scan3A_5 = arith.constant 1 : i32
    scf.for %scan3A_69 = %scan3A_2 to %scan3A_4 step %scan3A_5  : i32 {
      %swap3A = arith.index_cast %scan3A_69 : i32 to index
      %swap3A_70 = arith.constant 0 : index
      %swap3A_71 = tpu.vector_load %arg8[%swap3A, %swap3A_70] {strides = array<i32>} : memref<64x128xf32, #tpu.memory_space<vmem>>, vector<1x16xf32>,
      %swap3A_72 = vector.shape_cast %swap3A_71 : vector<1x16xf32> to vector<16xf32>
      %swap3A_73 = vector.shape_cast %broadcast_in_dim3A_1 : vector<16xf32> to vector<1x16xf32>
      tpu.vector_store %arg8[%swap3A, %swap3A_70], %swap3A_73 {strides = array<i32>} : memref<64x128xf32, #tpu.memory_space<vmem>>, vector<1x16xf32>,
      %swap3A_74 = arith.index_cast %scan3A_69 : i32 to index
      %swap3A_75 = arith.constant 16 : index
      %swap3A_76 = tpu.vector_load %arg8[%swap3A_74, %swap3A_75] {strides = array<i32>} : memref<64x128xf32, #tpu.memory_space<vmem>>, vector<1x16xf32>,
      %swap3A_77 = vector.shape_cast %swap3A_76 : vector<1x16xf32> to vector<16xf32>
      %swap3A_78 = vector.shape_cast %broadcast_in_dim3A_1 : vector<16xf32> to vector<1x16xf32>
      tpu.vector_store %arg8[%swap3A_74, %swap3A_75], %swap3A_78 {strides = array<i32>} : memref<64x128xf32, #tpu.memory_space<vmem>>, vector<1x16xf32>,
      %swap3A_79 = arith.index_cast %scan3A_69 : i32 to index
      %swap3A_80 = arith.constant 32 : index
      %swap3A_81 = tpu.vector_load %arg8[%swap3A_79, %swap3A_80] {strides = array<i32>} : memref<64x128xf32, #tpu.memory_space<vmem>>, vector<1x16xf32>,
      %swap3A_82 = vector.shape_cast %swap3A_81 : vector<1x16xf32> to vector<16xf32>
      %swap3A_83 = vector.shape_cast %broadcast_in_dim3A_1 : vector<16xf32> to vector<1x16xf32>
      tpu.vector_store %arg8[%swap3A_79, %swap3A_80], %swap3A_83 {strides = array<i32>} : memref<64x128xf32, #tpu.memory_space<vmem>>, vector<1x16xf32>,
      %swap3A_84 = arith.index_cast %scan3A_69 : i32 to index
      %swap3A_85 = arith.constant 48 : index
      %swap3A_86 = tpu.vector_load %arg8[%swap3A_84, %swap3A_85] {strides = array<i32>} : memref<64x128xf32, #tpu.memory_space<vmem>>, vector<1x16xf32>,
      %swap3A_87 = vector.shape_cast %swap3A_86 : vector<1x16xf32> to vector<16xf32>
      %swap3A_88 = vector.shape_cast %broadcast_in_dim3A_1 : vector<16xf32> to vector<1x16xf32>
      tpu.vector_store %arg8[%swap3A_84, %swap3A_85], %swap3A_88 {strides = array<i32>} : memref<64x128xf32, #tpu.memory_space<vmem>>, vector<1x16xf32>,
      %swap3A_89 = arith.index_cast %scan3A_69 : i32 to index
      %swap3A_90 = arith.constant 64 : index
      %swap3A_91 = tpu.vector_load %arg8[%swap3A_89, %swap3A_90] {strides = array<i32>} : memref<64x128xf32, #tpu.memory_space<vmem>>, vector<1x16xf32>,
      %swap3A_92 = vector.shape_cast %swap3A_91 : vector<1x16xf32> to vector<16xf32>
      %swap3A_93 = vector.shape_cast %broadcast_in_dim3A_1 : vector<16xf32> to vector<1x16xf32>
      tpu.vector_store %arg8[%swap3A_89, %swap3A_90], %swap3A_93 {strides = array<i32>} : memref<64x128xf32, #tpu.memory_space<vmem>>, vector<1x16xf32>,
      %swap3A_94 = arith.index_cast %scan3A_69 : i32 to index
      %swap3A_95 = arith.constant 80 : index
      %swap3A_96 = tpu.vector_load %arg8[%swap3A_94, %swap3A_95] {strides = array<i32>} : memref<64x128xf32, #tpu.memory_space<vmem>>, vector<1x16xf32>,
      %swap3A_97 = vector.shape_cast %swap3A_96 : vector<1x16xf32> to vector<16xf32>
      %swap3A_98 = vector.shape_cast %broadcast_in_dim3A_1 : vector<16xf32> to vector<1x16xf32>
      tpu.vector_store %arg8[%swap3A_94, %swap3A_95], %swap3A_98 {strides = array<i32>} : memref<64x128xf32, #tpu.memory_space<vmem>>, vector<1x16xf32>,
      %swap3A_99 = arith.index_cast %scan3A_69 : i32 to index
      %swap3A_100 = arith.constant 96 : index
      %swap3A_101 = tpu.vector_load %arg8[%swap3A_99, %swap3A_100] {strides = array<i32>} : memref<64x128xf32, #tpu.memory_space<vmem>>, vector<1x16xf32>,
      %swap3A_102 = vector.shape_cast %swap3A_101 : vector<1x16xf32> to vector<16xf32>
      %swap3A_103 = vector.shape_cast %broadcast_in_dim3A_1 : vector<16xf32> to vector<1x16xf32>
      tpu.vector_store %arg8[%swap3A_99, %swap3A_100], %swap3A_103 {strides = array<i32>} : memref<64x128xf32, #tpu.memory_space<vmem>>, vector<1x16xf32>,
      %swap3A_104 = arith.index_cast %scan3A_69 : i32 to index
      %swap3A_105 = arith.constant 112 : index
      %swap3A_106 = tpu.vector_load %arg8[%swap3A_104, %swap3A_105] {strides = array<i32>} : memref<64x128xf32, #tpu.memory_space<vmem>>, vector<1x16xf32>,
      %swap3A_107 = vector.shape_cast %swap3A_106 : vector<1x16xf32> to vector<16xf32>
      %swap3A_108 = vector.shape_cast %broadcast_in_dim3A_1 : vector<16xf32> to vector<1x16xf32>
      tpu.vector_store %arg8[%swap3A_104, %swap3A_105], %swap3A_108 {strides = array<i32>} : memref<64x128xf32, #tpu.memory_space<vmem>>, vector<1x16xf32>,
    }
    %scan3A_6 = arith.constant 64 : i32
    %scan3A_7 = arith.constant 0 : i32
    %scan3A_8 = arith.constant 0 : i32
    %scan3A_9 = arith.constant 10 : i32
    %scan3A_10 = arith.addi %scan3A_8, %scan3A_9 : i32
    %scan3A_11 = arith.constant 1 : i32
    scf.for %scan3A_69 = %scan3A_8 to %scan3A_10 step %scan3A_11  : i32 {
      %mul3A_70 = arith.constant 640 : i32
      %mul3A_71 = arith.muli %arg1, %mul3A_70 : i32
      %mul3A_72 = arith.constant 64 : i32
      %mul3A_73 = arith.muli %scan3A_69, %mul3A_72 : i32
      %add3A_74 = arith.addi %mul3A_71, %mul3A_73 : i32
      "tpu.region"() ({
        %run_scoped3A_75 = tpu.sem_alloc : memref<!tpu.dma_semaphore, #tpu.memory_space<semaphore_mem>>
        %dma_start3A_76 = arith.constant 0 : i32
        %dma_start3A_77 = tpu.memref_slice %arg11[%add3A_74, %dma_start3A_76] : memref<10240x128xf32, #tpu.memory_space<vmem_shared>> -> memref<64x128xf32, #tpu.memory_space<vmem_shared>>
        %dma_start3A_78 = arith.constant 0 : i32
        %dma_start3A_79 = tpu.memref_slice %arg11[%add3A_74, %dma_start3A_78] : memref<10240x128xf32, #tpu.memory_space<vmem_shared>> -> memref<64x128xf32, #tpu.memory_space<vmem_shared>>
        tpu.enqueue_dma source(%arg8 : memref<64x128xf32, #tpu.memory_space<vmem>>) target(%dma_start3A_79 : memref<64x128xf32, #tpu.memory_space<vmem_shared>>) target_semaphore(%run_scoped3A_75 : memref<!tpu.dma_semaphore, #tpu.memory_space<semaphore_mem>>)
        %dma_wait3A_80 = arith.constant 0 : i32
        %dma_wait3A_81 = tpu.memref_slice %arg11[%add3A_74, %dma_wait3A_80] : memref<10240x128xf32, #tpu.memory_space<vmem_shared>> -> memref<64x128xf32, #tpu.memory_space<vmem_shared>>
        %dma_wait3A_82 = arith.constant 0 : i32
        %dma_wait3A_83 = tpu.memref_slice %arg11[%add3A_74, %dma_wait3A_82] : memref<10240x128xf32, #tpu.memory_space<vmem_shared>> -> memref<64x128xf32, #tpu.memory_space<vmem_shared>>
        tpu.wait_dma2 semaphore(%run_scoped3A_75 : memref<!tpu.dma_semaphore, #tpu.memory_space<semaphore_mem>>) src(%arg8 : memref<64x128xf32, #tpu.memory_space<vmem>>) dst(%dma_wait3A_83 : memref<64x128xf32, #tpu.memory_space<vmem_shared>>)
        tpu.yield
      }) : () -> ()
    }
    %scan3A_12 = arith.constant 10 : i32
    "tpu.region"() ({
      %run_scoped3A_69 = tpu.sem_alloc : memref<!tpu.dma_semaphore, #tpu.memory_space<semaphore_mem>>
      %dma_start3A_70 = arith.constant 0 : i32
      %dma_start3A_71 = arith.constant 0 : i32
      %dma_start3A_72 = tpu.memref_slice %arg3[%add3A, %dma_start3A_70, %dma_start3A_71] : memref<32x75x64xi32, #tpu.memory_space<hbm>> -> memref<1x75x64xi32, #tpu.memory_space<hbm>>
      %dma_start3A_73 = tpu.memref_squeeze %dma_start3A_72 : memref<1x75x64xi32, #tpu.memory_space<hbm>> -> memref<75x64xi32, #tpu.memory_space<hbm>>
      %dma_start3A_74 = arith.constant 0 : i32
      %dma_start3A_75 = arith.constant 0 : i32
      %dma_start3A_76 = tpu.memref_slice %arg3[%add3A, %dma_start3A_74, %dma_start3A_75] : memref<32x75x64xi32, #tpu.memory_space<hbm>> -> memref<1x75x64xi32, #tpu.memory_space<hbm>>
      %dma_start3A_77 = tpu.memref_squeeze %dma_start3A_76 : memref<1x75x64xi32, #tpu.memory_space<hbm>> -> memref<75x64xi32, #tpu.memory_space<hbm>>
      tpu.enqueue_dma source(%dma_start3A_77 : memref<75x64xi32, #tpu.memory_space<hbm>>) target(%arg6 : memref<75x64xi32, #tpu.memory_space<vmem>>) target_semaphore(%run_scoped3A_69 : memref<!tpu.dma_semaphore, #tpu.memory_space<semaphore_mem>>)
      %dma_wait3A_78 = arith.constant 0 : i32
      %dma_wait3A_79 = arith.constant 0 : i32
      %dma_wait3A_80 = tpu.memref_slice %arg3[%add3A, %dma_wait3A_78, %dma_wait3A_79] : memref<32x75x64xi32, #tpu.memory_space<hbm>> -> memref<1x75x64xi32, #tpu.memory_space<hbm>>
      %dma_wait3A_81 = tpu.memref_squeeze %dma_wait3A_80 : memref<1x75x64xi32, #tpu.memory_space<hbm>> -> memref<75x64xi32, #tpu.memory_space<hbm>>
      %dma_wait3A_82 = arith.constant 0 : i32
      %dma_wait3A_83 = arith.constant 0 : i32
      %dma_wait3A_84 = tpu.memref_slice %arg3[%add3A, %dma_wait3A_82, %dma_wait3A_83] : memref<32x75x64xi32, #tpu.memory_space<hbm>> -> memref<1x75x64xi32, #tpu.memory_space<hbm>>
      %dma_wait3A_85 = tpu.memref_squeeze %dma_wait3A_84 : memref<1x75x64xi32, #tpu.memory_space<hbm>> -> memref<75x64xi32, #tpu.memory_space<hbm>>
      tpu.wait_dma2 semaphore(%run_scoped3A_69 : memref<!tpu.dma_semaphore, #tpu.memory_space<semaphore_mem>>) src(%dma_wait3A_85 : memref<75x64xi32, #tpu.memory_space<hbm>>) dst(%arg6 : memref<75x64xi32, #tpu.memory_space<vmem>>)
      tpu.yield
    }) : () -> ()
    "tpu.region"() ({
      %run_scoped3A_69 = tpu.sem_alloc : memref<!tpu.dma_semaphore, #tpu.memory_space<semaphore_mem>>
      %dma_start3A_70 = arith.constant 0 : i32
      %dma_start3A_71 = arith.constant 0 : i32
      %dma_start3A_72 = tpu.memref_slice %arg4[%add3A, %dma_start3A_70, %dma_start3A_71] : memref<32x75x64xi32, #tpu.memory_space<hbm>> -> memref<1x75x64xi32, #tpu.memory_space<hbm>>
      %dma_start3A_73 = tpu.memref_squeeze %dma_start3A_72 : memref<1x75x64xi32, #tpu.memory_space<hbm>> -> memref<75x64xi32, #tpu.memory_space<hbm>>
      %dma_start3A_74 = arith.constant 0 : i32
      %dma_start3A_75 = arith.constant 0 : i32
      %dma_start3A_76 = tpu.memref_slice %arg4[%add3A, %dma_start3A_74, %dma_start3A_75] : memref<32x75x64xi32, #tpu.memory_space<hbm>> -> memref<1x75x64xi32, #tpu.memory_space<hbm>>
      %dma_start3A_77 = tpu.memref_squeeze %dma_start3A_76 : memref<1x75x64xi32, #tpu.memory_space<hbm>> -> memref<75x64xi32, #tpu.memory_space<hbm>>
      tpu.enqueue_dma source(%dma_start3A_77 : memref<75x64xi32, #tpu.memory_space<hbm>>) target(%arg7 : memref<75x64xi32, #tpu.memory_space<vmem>>) target_semaphore(%run_scoped3A_69 : memref<!tpu.dma_semaphore, #tpu.memory_space<semaphore_mem>>)
      %dma_wait3A_78 = arith.constant 0 : i32
      %dma_wait3A_79 = arith.constant 0 : i32
      %dma_wait3A_80 = tpu.memref_slice %arg4[%add3A, %dma_wait3A_78, %dma_wait3A_79] : memref<32x75x64xi32, #tpu.memory_space<hbm>> -> memref<1x75x64xi32, #tpu.memory_space<hbm>>
      %dma_wait3A_81 = tpu.memref_squeeze %dma_wait3A_80 : memref<1x75x64xi32, #tpu.memory_space<hbm>> -> memref<75x64xi32, #tpu.memory_space<hbm>>
      %dma_wait3A_82 = arith.constant 0 : i32
      %dma_wait3A_83 = arith.constant 0 : i32
      %dma_wait3A_84 = tpu.memref_slice %arg4[%add3A, %dma_wait3A_82, %dma_wait3A_83] : memref<32x75x64xi32, #tpu.memory_space<hbm>> -> memref<1x75x64xi32, #tpu.memory_space<hbm>>
      %dma_wait3A_85 = tpu.memref_squeeze %dma_wait3A_84 : memref<1x75x64xi32, #tpu.memory_space<hbm>> -> memref<75x64xi32, #tpu.memory_space<hbm>>
      tpu.wait_dma2 semaphore(%run_scoped3A_69 : memref<!tpu.dma_semaphore, #tpu.memory_space<semaphore_mem>>) src(%dma_wait3A_85 : memref<75x64xi32, #tpu.memory_space<hbm>>) dst(%arg7 : memref<75x64xi32, #tpu.memory_space<vmem>>)
      tpu.yield
    }) : () -> ()
    %barrier3A = arith.constant 0 : index
    tpu.barrier barrier_id(%barrier3A)
    %dma_start3A = arith.constant 0 : i32
    %dma_start3A_13 = arith.constant 0 : i32
    %dma_start3A_14 = tpu.memref_slice %arg6[%dma_start3A, %dma_start3A_13] : memref<75x64xi32, #tpu.memory_space<vmem>> -> memref<1x64xi32, #tpu.memory_space<vmem>>
    %dma_start3A_15 = tpu.memref_squeeze %dma_start3A_14 : memref<1x64xi32, #tpu.memory_space<vmem>> -> memref<64xi32, #tpu.memory_space<vmem>>
    %dma_start3A_16 = arith.constant 0 : i32
    %dma_start3A_17 = arith.constant 0 : i32
    %dma_start3A_18 = tpu.memref_slice %arg2[%dma_start3A_16, %dma_start3A_17] : memref<10240x128xf32, #tpu.memory_space<hbm>> -> memref<10240x128xf32, #tpu.memory_space<hbm>>
    tpu.enqueue_indirect_dma source(%dma_start3A_18 : memref<10240x128xf32, #tpu.memory_space<hbm>>) target(%arg8 : memref<64x128xf32, #tpu.memory_space<vmem>>) offsets(%dma_start3A_15 : memref<64xi32, #tpu.memory_space<vmem>>) semaphore(%arg12 : memref<!tpu.dma_semaphore, #tpu.memory_space<semaphore_mem>>)
    %dma_start3A_19 = arith.constant 1 : i32
    %dma_start3A_20 = arith.constant 0 : i32
    %dma_start3A_21 = tpu.memref_slice %arg6[%dma_start3A_19, %dma_start3A_20] : memref<75x64xi32, #tpu.memory_space<vmem>> -> memref<1x64xi32, #tpu.memory_space<vmem>>
    %dma_start3A_22 = tpu.memref_squeeze %dma_start3A_21 : memref<1x64xi32, #tpu.memory_space<vmem>> -> memref<64xi32, #tpu.memory_space<vmem>>
    %dma_start3A_23 = arith.constant 0 : i32
    %dma_start3A_24 = arith.constant 0 : i32
    %dma_start3A_25 = tpu.memref_slice %arg2[%dma_start3A_23, %dma_start3A_24] : memref<10240x128xf32, #tpu.memory_space<hbm>> -> memref<10240x128xf32, #tpu.memory_space<hbm>>
    tpu.enqueue_indirect_dma source(%dma_start3A_25 : memref<10240x128xf32, #tpu.memory_space<hbm>>) target(%arg9 : memref<64x128xf32, #tpu.memory_space<vmem>>) offsets(%dma_start3A_22 : memref<64xi32, #tpu.memory_space<vmem>>) semaphore(%arg13 : memref<!tpu.dma_semaphore, #tpu.memory_space<semaphore_mem>>)
    %scan3A_26 = arith.constant 0 : i32
    %scan3A_27 = arith.constant 0 : i32
    %scan3A_28 = arith.constant 24 : i32
    %scan3A_29 = arith.addi %scan3A_27, %scan3A_28 : i32
    %scan3A_30 = arith.constant 1 : i32
    scf.for %scan3A_69 = %scan3A_27 to %scan3A_29 step %scan3A_30  : i32 {
      %mul3A_70 = arith.constant 3 : i32
      %mul3A_71 = arith.muli %mul3A_70, %scan3A_69 : i32
      %add3A_72 = arith.constant 0 : i32
      %add3A_73 = arith.addi %mul3A_71, %add3A_72 : i32
      %add3A_74 = arith.constant 2 : i32
      %add3A_75 = arith.addi %add3A_73, %add3A_74 : i32
      %dma_start3A_76 = arith.constant 0 : i32
      %dma_start3A_77 = tpu.memref_slice %arg6[%add3A_75, %dma_start3A_76] : memref<75x64xi32, #tpu.memory_space<vmem>> -> memref<1x64xi32, #tpu.memory_space<vmem>>
      %dma_start3A_78 = tpu.memref_squeeze %dma_start3A_77 : memref<1x64xi32, #tpu.memory_space<vmem>> -> memref<64xi32, #tpu.memory_space<vmem>>
      %dma_start3A_79 = arith.constant 0 : i32
      %dma_start3A_80 = arith.constant 0 : i32
      %dma_start3A_81 = tpu.memref_slice %arg2[%dma_start3A_79, %dma_start3A_80] : memref<10240x128xf32, #tpu.memory_space<hbm>> -> memref<10240x128xf32, #tpu.memory_space<hbm>>
      tpu.enqueue_indirect_dma source(%dma_start3A_81 : memref<10240x128xf32, #tpu.memory_space<hbm>>) target(%arg10 : memref<64x128xf32, #tpu.memory_space<vmem>>) offsets(%dma_start3A_78 : memref<64xi32, #tpu.memory_space<vmem>>) semaphore(%arg14 : memref<!tpu.dma_semaphore, #tpu.memory_space<semaphore_mem>>)
      %dma_wait3A_82 = arith.constant 0 : i32
      %dma_wait3A_83 = tpu.memref_slice %arg6[%add3A_73, %dma_wait3A_82] : memref<75x64xi32, #tpu.memory_space<vmem>> -> memref<1x64xi32, #tpu.memory_space<vmem>>
      %dma_wait3A_84 = tpu.memref_squeeze %dma_wait3A_83 : memref<1x64xi32, #tpu.memory_space<vmem>> -> memref<64xi32, #tpu.memory_space<vmem>>
      %dma_wait3A_85 = arith.constant 0 : i32
      %dma_wait3A_86 = arith.constant 0 : i32
      %dma_wait3A_87 = tpu.memref_slice %arg2[%dma_wait3A_85, %dma_wait3A_86] : memref<10240x128xf32, #tpu.memory_space<hbm>> -> memref<10240x128xf32, #tpu.memory_space<hbm>>
      tpu.wait_indirect_dma semaphore(%arg12 : memref<!tpu.dma_semaphore, #tpu.memory_space<semaphore_mem>>) src(%dma_wait3A_87 : memref<10240x128xf32, #tpu.memory_space<hbm>>) dst(%arg8 : memref<64x128xf32, #tpu.memory_space<vmem>>)
      "tpu.region"() ({
        %run_scoped3A_120 = tpu.sem_alloc : memref<!tpu.dma_semaphore, #tpu.memory_space<semaphore_mem>>
        %dma_start3A_121 = arith.constant 0 : i32
        %dma_start3A_122 = tpu.memref_slice %arg7[%add3A_73, %dma_start3A_121] : memref<75x64xi32, #tpu.memory_space<vmem>> -> memref<1x64xi32, #tpu.memory_space<vmem>>
        %dma_start3A_123 = tpu.memref_squeeze %dma_start3A_122 : memref<1x64xi32, #tpu.memory_space<vmem>> -> memref<64xi32, #tpu.memory_space<vmem>>
        %dma_start3A_124 = arith.constant 0 : i32
        %dma_start3A_125 = arith.constant 0 : i32
        %dma_start3A_126 = tpu.memref_slice %arg11[%dma_start3A_124, %dma_start3A_125] : memref<10240x128xf32, #tpu.memory_space<vmem_shared>> -> memref<10240x128xf32, #tpu.memory_space<vmem_shared>>
        tpu.enqueue_indirect_dma source(%arg8 : memref<64x128xf32, #tpu.memory_space<vmem>>) target(%dma_start3A_126 : memref<10240x128xf32, #tpu.memory_space<vmem_shared>>) offsets(%dma_start3A_123 : memref<64xi32, #tpu.memory_space<vmem>>) semaphore(%run_scoped3A_120 : memref<!tpu.dma_semaphore, #tpu.memory_space<semaphore_mem>>) {add = true}
        %dma_wait3A_127 = arith.constant 0 : i32
        %dma_wait3A_128 = tpu.memref_slice %arg7[%add3A_73, %dma_wait3A_127] : memref<75x64xi32, #tpu.memory_space<vmem>> -> memref<1x64xi32, #tpu.memory_space<vmem>>
        %dma_wait3A_129 = tpu.memref_squeeze %dma_wait3A_128 : memref<1x64xi32, #tpu.memory_space<vmem>> -> memref<64xi32, #tpu.memory_space<vmem>>
        %dma_wait3A_130 = arith.constant 0 : i32
        %dma_wait3A_131 = arith.constant 0 : i32
        %dma_wait3A_132 = tpu.memref_slice %arg11[%dma_wait3A_130, %dma_wait3A_131] : memref<10240x128xf32, #tpu.memory_space<vmem_shared>> -> memref<10240x128xf32, #tpu.memory_space<vmem_shared>>
        tpu.wait_indirect_dma semaphore(%run_scoped3A_120 : memref<!tpu.dma_semaphore, #tpu.memory_space<semaphore_mem>>) src(%arg8 : memref<64x128xf32, #tpu.memory_space<vmem>>) dst(%dma_wait3A_132 : memref<10240x128xf32, #tpu.memory_space<vmem_shared>>)
        tpu.yield
      }) : () -> ()
      %add3A_88 = arith.constant 1 : i32
      %add3A_89 = arith.addi %mul3A_71, %add3A_88 : i32
      %add3A_90 = arith.constant 2 : i32
      %add3A_91 = arith.addi %add3A_89, %add3A_90 : i32
      %dma_start3A_92 = arith.constant 0 : i32
      %dma_start3A_93 = tpu.memref_slice %arg6[%add3A_91, %dma_start3A_92] : memref<75x64xi32, #tpu.memory_space<vmem>> -> memref<1x64xi32, #tpu.memory_space<vmem>>
      %dma_start3A_94 = tpu.memref_squeeze %dma_start3A_93 : memref<1x64xi32, #tpu.memory_space<vmem>> -> memref<64xi32, #tpu.memory_space<vmem>>
      %dma_start3A_95 = arith.constant 0 : i32
      %dma_start3A_96 = arith.constant 0 : i32
      %dma_start3A_97 = tpu.memref_slice %arg2[%dma_start3A_95, %dma_start3A_96] : memref<10240x128xf32, #tpu.memory_space<hbm>> -> memref<10240x128xf32, #tpu.memory_space<hbm>>
      tpu.enqueue_indirect_dma source(%dma_start3A_97 : memref<10240x128xf32, #tpu.memory_space<hbm>>) target(%arg8 : memref<64x128xf32, #tpu.memory_space<vmem>>) offsets(%dma_start3A_94 : memref<64xi32, #tpu.memory_space<vmem>>) semaphore(%arg12 : memref<!tpu.dma_semaphore, #tpu.memory_space<semaphore_mem>>)
      %dma_wait3A_98 = arith.constant 0 : i32
      %dma_wait3A_99 = tpu.memref_slice %arg6[%add3A_89, %dma_wait3A_98] : memref<75x64xi32, #tpu.memory_space<vmem>> -> memref<1x64xi32, #tpu.memory_space<vmem>>
      %dma_wait3A_100 = tpu.memref_squeeze %dma_wait3A_99 : memref<1x64xi32, #tpu.memory_space<vmem>> -> memref<64xi32, #tpu.memory_space<vmem>>
      %dma_wait3A_101 = arith.constant 0 : i32
      %dma_wait3A_102 = arith.constant 0 : i32
      %dma_wait3A_103 = tpu.memref_slice %arg2[%dma_wait3A_101, %dma_wait3A_102] : memref<10240x128xf32, #tpu.memory_space<hbm>> -> memref<10240x128xf32, #tpu.memory_space<hbm>>
      tpu.wait_indirect_dma semaphore(%arg13 : memref<!tpu.dma_semaphore, #tpu.memory_space<semaphore_mem>>) src(%dma_wait3A_103 : memref<10240x128xf32, #tpu.memory_space<hbm>>) dst(%arg9 : memref<64x128xf32, #tpu.memory_space<vmem>>)
      "tpu.region"() ({
        %run_scoped3A_120 = tpu.sem_alloc : memref<!tpu.dma_semaphore, #tpu.memory_space<semaphore_mem>>
        %dma_start3A_121 = arith.constant 0 : i32
        %dma_start3A_122 = tpu.memref_slice %arg7[%add3A_89, %dma_start3A_121] : memref<75x64xi32, #tpu.memory_space<vmem>> -> memref<1x64xi32, #tpu.memory_space<vmem>>
        %dma_start3A_123 = tpu.memref_squeeze %dma_start3A_122 : memref<1x64xi32, #tpu.memory_space<vmem>> -> memref<64xi32, #tpu.memory_space<vmem>>
        %dma_start3A_124 = arith.constant 0 : i32
        %dma_start3A_125 = arith.constant 0 : i32
        %dma_start3A_126 = tpu.memref_slice %arg11[%dma_start3A_124, %dma_start3A_125] : memref<10240x128xf32, #tpu.memory_space<vmem_shared>> -> memref<10240x128xf32, #tpu.memory_space<vmem_shared>>
        tpu.enqueue_indirect_dma source(%arg9 : memref<64x128xf32, #tpu.memory_space<vmem>>) target(%dma_start3A_126 : memref<10240x128xf32, #tpu.memory_space<vmem_shared>>) offsets(%dma_start3A_123 : memref<64xi32, #tpu.memory_space<vmem>>) semaphore(%run_scoped3A_120 : memref<!tpu.dma_semaphore, #tpu.memory_space<semaphore_mem>>) {add = true}
        %dma_wait3A_127 = arith.constant 0 : i32
        %dma_wait3A_128 = tpu.memref_slice %arg7[%add3A_89, %dma_wait3A_127] : memref<75x64xi32, #tpu.memory_space<vmem>> -> memref<1x64xi32, #tpu.memory_space<vmem>>
        %dma_wait3A_129 = tpu.memref_squeeze %dma_wait3A_128 : memref<1x64xi32, #tpu.memory_space<vmem>> -> memref<64xi32, #tpu.memory_space<vmem>>
        %dma_wait3A_130 = arith.constant 0 : i32
        %dma_wait3A_131 = arith.constant 0 : i32
        %dma_wait3A_132 = tpu.memref_slice %arg11[%dma_wait3A_130, %dma_wait3A_131] : memref<10240x128xf32, #tpu.memory_space<vmem_shared>> -> memref<10240x128xf32, #tpu.memory_space<vmem_shared>>
        tpu.wait_indirect_dma semaphore(%run_scoped3A_120 : memref<!tpu.dma_semaphore, #tpu.memory_space<semaphore_mem>>) src(%arg9 : memref<64x128xf32, #tpu.memory_space<vmem>>) dst(%dma_wait3A_132 : memref<10240x128xf32, #tpu.memory_space<vmem_shared>>)
        tpu.yield
      }) : () -> ()
      %add3A_104 = arith.constant 2 : i32
      %add3A_105 = arith.addi %mul3A_71, %add3A_104 : i32
      %add3A_106 = arith.constant 2 : i32
      %add3A_107 = arith.addi %add3A_105, %add3A_106 : i32
      %dma_start3A_108 = arith.constant 0 : i32
      %dma_start3A_109 = tpu.memref_slice %arg6[%add3A_107, %dma_start3A_108] : memref<75x64xi32, #tpu.memory_space<vmem>> -> memref<1x64xi32, #tpu.memory_space<vmem>>
      %dma_start3A_110 = tpu.memref_squeeze %dma_start3A_109 : memref<1x64xi32, #tpu.memory_space<vmem>> -> memref<64xi32, #tpu.memory_space<vmem>>
      %dma_start3A_111 = arith.constant 0 : i32
      %dma_start3A_112 = arith.constant 0 : i32
      %dma_start3A_113 = tpu.memref_slice %arg2[%dma_start3A_111, %dma_start3A_112] : memref<10240x128xf32, #tpu.memory_space<hbm>> -> memref<10240x128xf32, #tpu.memory_space<hbm>>
      tpu.enqueue_indirect_dma source(%dma_start3A_113 : memref<10240x128xf32, #tpu.memory_space<hbm>>) target(%arg9 : memref<64x128xf32, #tpu.memory_space<vmem>>) offsets(%dma_start3A_110 : memref<64xi32, #tpu.memory_space<vmem>>) semaphore(%arg13 : memref<!tpu.dma_semaphore, #tpu.memory_space<semaphore_mem>>)
      %dma_wait3A_114 = arith.constant 0 : i32
      %dma_wait3A_115 = tpu.memref_slice %arg6[%add3A_105, %dma_wait3A_114] : memref<75x64xi32, #tpu.memory_space<vmem>> -> memref<1x64xi32, #tpu.memory_space<vmem>>
      %dma_wait3A_116 = tpu.memref_squeeze %dma_wait3A_115 : memref<1x64xi32, #tpu.memory_space<vmem>> -> memref<64xi32, #tpu.memory_space<vmem>>
      %dma_wait3A_117 = arith.constant 0 : i32
      %dma_wait3A_118 = arith.constant 0 : i32
      %dma_wait3A_119 = tpu.memref_slice %arg2[%dma_wait3A_117, %dma_wait3A_118] : memref<10240x128xf32, #tpu.memory_space<hbm>> -> memref<10240x128xf32, #tpu.memory_space<hbm>>
      tpu.wait_indirect_dma semaphore(%arg14 : memref<!tpu.dma_semaphore, #tpu.memory_space<semaphore_mem>>) src(%dma_wait3A_119 : memref<10240x128xf32, #tpu.memory_space<hbm>>) dst(%arg10 : memref<64x128xf32, #tpu.memory_space<vmem>>)
      "tpu.region"() ({
        %run_scoped3A_120 = tpu.sem_alloc : memref<!tpu.dma_semaphore, #tpu.memory_space<semaphore_mem>>
        %dma_start3A_121 = arith.constant 0 : i32
        %dma_start3A_122 = tpu.memref_slice %arg7[%add3A_105, %dma_start3A_121] : memref<75x64xi32, #tpu.memory_space<vmem>> -> memref<1x64xi32, #tpu.memory_space<vmem>>
        %dma_start3A_123 = tpu.memref_squeeze %dma_start3A_122 : memref<1x64xi32, #tpu.memory_space<vmem>> -> memref<64xi32, #tpu.memory_space<vmem>>
        %dma_start3A_124 = arith.constant 0 : i32
        %dma_start3A_125 = arith.constant 0 : i32
        %dma_start3A_126 = tpu.memref_slice %arg11[%dma_start3A_124, %dma_start3A_125] : memref<10240x128xf32, #tpu.memory_space<vmem_shared>> -> memref<10240x128xf32, #tpu.memory_space<vmem_shared>>
        tpu.enqueue_indirect_dma source(%arg10 : memref<64x128xf32, #tpu.memory_space<vmem>>) target(%dma_start3A_126 : memref<10240x128xf32, #tpu.memory_space<vmem_shared>>) offsets(%dma_start3A_123 : memref<64xi32, #tpu.memory_space<vmem>>) semaphore(%run_scoped3A_120 : memref<!tpu.dma_semaphore, #tpu.memory_space<semaphore_mem>>) {add = true}
        %dma_wait3A_127 = arith.constant 0 : i32
        %dma_wait3A_128 = tpu.memref_slice %arg7[%add3A_105, %dma_wait3A_127] : memref<75x64xi32, #tpu.memory_space<vmem>> -> memref<1x64xi32, #tpu.memory_space<vmem>>
        %dma_wait3A_129 = tpu.memref_squeeze %dma_wait3A_128 : memref<1x64xi32, #tpu.memory_space<vmem>> -> memref<64xi32, #tpu.memory_space<vmem>>
        %dma_wait3A_130 = arith.constant 0 : i32
        %dma_wait3A_131 = arith.constant 0 : i32
        %dma_wait3A_132 = tpu.memref_slice %arg11[%dma_wait3A_130, %dma_wait3A_131] : memref<10240x128xf32, #tpu.memory_space<vmem_shared>> -> memref<10240x128xf32, #tpu.memory_space<vmem_shared>>
        tpu.wait_indirect_dma semaphore(%run_scoped3A_120 : memref<!tpu.dma_semaphore, #tpu.memory_space<semaphore_mem>>) src(%arg10 : memref<64x128xf32, #tpu.memory_space<vmem>>) dst(%dma_wait3A_132 : memref<10240x128xf32, #tpu.memory_space<vmem_shared>>)
        tpu.yield
      }) : () -> ()
    }
    %scan3A_31 = arith.constant 24 : i32
    %dma_start3A_32 = arith.constant 74 : i32
    %dma_start3A_33 = arith.constant 0 : i32
    %dma_start3A_34 = tpu.memref_slice %arg6[%dma_start3A_32, %dma_start3A_33] : memref<75x64xi32, #tpu.memory_space<vmem>> -> memref<1x64xi32, #tpu.memory_space<vmem>>
    %dma_start3A_35 = tpu.memref_squeeze %dma_start3A_34 : memref<1x64xi32, #tpu.memory_space<vmem>> -> memref<64xi32, #tpu.memory_space<vmem>>
    %dma_start3A_36 = arith.constant 0 : i32
    %dma_start3A_37 = arith.constant 0 : i32
    %dma_start3A_38 = tpu.memref_slice %arg2[%dma_start3A_36, %dma_start3A_37] : memref<10240x128xf32, #tpu.memory_space<hbm>> -> memref<10240x128xf32, #tpu.memory_space<hbm>>
    tpu.enqueue_indirect_dma source(%dma_start3A_38 : memref<10240x128xf32, #tpu.memory_space<hbm>>) target(%arg10 : memref<64x128xf32, #tpu.memory_space<vmem>>) offsets(%dma_start3A_35 : memref<64xi32, #tpu.memory_space<vmem>>) semaphore(%arg14 : memref<!tpu.dma_semaphore, #tpu.memory_space<semaphore_mem>>)
    %dma_wait3A = arith.constant 72 : i32
    %dma_wait3A_39 = arith.constant 0 : i32
    %dma_wait3A_40 = tpu.memref_slice %arg6[%dma_wait3A, %dma_wait3A_39] : memref<75x64xi32, #tpu.memory_space<vmem>> -> memref<1x64xi32, #tpu.memory_space<vmem>>
    %dma_wait3A_41 = tpu.memref_squeeze %dma_wait3A_40 : memref<1x64xi32, #tpu.memory_space<vmem>> -> memref<64xi32, #tpu.memory_space<vmem>>
    %dma_wait3A_42 = arith.constant 0 : i32
    %dma_wait3A_43 = arith.constant 0 : i32
    %dma_wait3A_44 = tpu.memref_slice %arg2[%dma_wait3A_42, %dma_wait3A_43] : memref<10240x128xf32, #tpu.memory_space<hbm>> -> memref<10240x128xf32, #tpu.memory_space<hbm>>
    tpu.wait_indirect_dma semaphore(%arg12 : memref<!tpu.dma_semaphore, #tpu.memory_space<semaphore_mem>>) src(%dma_wait3A_44 : memref<10240x128xf32, #tpu.memory_space<hbm>>) dst(%arg8 : memref<64x128xf32, #tpu.memory_space<vmem>>)
    %run_scoped3A = arith.constant 72 : i32
    "tpu.region"() ({
      %run_scoped3A_69 = tpu.sem_alloc : memref<!tpu.dma_semaphore, #tpu.memory_space<semaphore_mem>>
      %dma_start3A_70 = arith.constant 0 : i32
      %dma_start3A_71 = tpu.memref_slice %arg7[%run_scoped3A, %dma_start3A_70] : memref<75x64xi32, #tpu.memory_space<vmem>> -> memref<1x64xi32, #tpu.memory_space<vmem>>
      %dma_start3A_72 = tpu.memref_squeeze %dma_start3A_71 : memref<1x64xi32, #tpu.memory_space<vmem>> -> memref<64xi32, #tpu.memory_space<vmem>>
      %dma_start3A_73 = arith.constant 0 : i32
      %dma_start3A_74 = arith.constant 0 : i32
      %dma_start3A_75 = tpu.memref_slice %arg11[%dma_start3A_73, %dma_start3A_74] : memref<10240x128xf32, #tpu.memory_space<vmem_shared>> -> memref<10240x128xf32, #tpu.memory_space<vmem_shared>>
      tpu.enqueue_indirect_dma source(%arg8 : memref<64x128xf32, #tpu.memory_space<vmem>>) target(%dma_start3A_75 : memref<10240x128xf32, #tpu.memory_space<vmem_shared>>) offsets(%dma_start3A_72 : memref<64xi32, #tpu.memory_space<vmem>>) semaphore(%run_scoped3A_69 : memref<!tpu.dma_semaphore, #tpu.memory_space<semaphore_mem>>) {add = true}
      %dma_wait3A_76 = arith.constant 0 : i32
      %dma_wait3A_77 = tpu.memref_slice %arg7[%run_scoped3A, %dma_wait3A_76] : memref<75x64xi32, #tpu.memory_space<vmem>> -> memref<1x64xi32, #tpu.memory_space<vmem>>
      %dma_wait3A_78 = tpu.memref_squeeze %dma_wait3A_77 : memref<1x64xi32, #tpu.memory_space<vmem>> -> memref<64xi32, #tpu.memory_space<vmem>>
      %dma_wait3A_79 = arith.constant 0 : i32
      %dma_wait3A_80 = arith.constant 0 : i32
      %dma_wait3A_81 = tpu.memref_slice %arg11[%dma_wait3A_79, %dma_wait3A_80] : memref<10240x128xf32, #tpu.memory_space<vmem_shared>> -> memref<10240x128xf32, #tpu.memory_space<vmem_shared>>
      tpu.wait_indirect_dma semaphore(%run_scoped3A_69 : memref<!tpu.dma_semaphore, #tpu.memory_space<semaphore_mem>>) src(%arg8 : memref<64x128xf32, #tpu.memory_space<vmem>>) dst(%dma_wait3A_81 : memref<10240x128xf32, #tpu.memory_space<vmem_shared>>)
      tpu.yield
    }) : () -> ()
    %dma_wait3A_45 = arith.constant 73 : i32
    %dma_wait3A_46 = arith.constant 0 : i32
    %dma_wait3A_47 = tpu.memref_slice %arg6[%dma_wait3A_45, %dma_wait3A_46] : memref<75x64xi32, #tpu.memory_space<vmem>> -> memref<1x64xi32, #tpu.memory_space<vmem>>
    %dma_wait3A_48 = tpu.memref_squeeze %dma_wait3A_47 : memref<1x64xi32, #tpu.memory_space<vmem>> -> memref<64xi32, #tpu.memory_space<vmem>>
    %dma_wait3A_49 = arith.constant 0 : i32
    %dma_wait3A_50 = arith.constant 0 : i32
    %dma_wait3A_51 = tpu.memref_slice %arg2[%dma_wait3A_49, %dma_wait3A_50] : memref<10240x128xf32, #tpu.memory_space<hbm>> -> memref<10240x128xf32, #tpu.memory_space<hbm>>
    tpu.wait_indirect_dma semaphore(%arg13 : memref<!tpu.dma_semaphore, #tpu.memory_space<semaphore_mem>>) src(%dma_wait3A_51 : memref<10240x128xf32, #tpu.memory_space<hbm>>) dst(%arg9 : memref<64x128xf32, #tpu.memory_space<vmem>>)
    %run_scoped3A_52 = arith.constant 73 : i32
    "tpu.region"() ({
      %run_scoped3A_69 = tpu.sem_alloc : memref<!tpu.dma_semaphore, #tpu.memory_space<semaphore_mem>>
      %dma_start3A_70 = arith.constant 0 : i32
      %dma_start3A_71 = tpu.memref_slice %arg7[%run_scoped3A_52, %dma_start3A_70] : memref<75x64xi32, #tpu.memory_space<vmem>> -> memref<1x64xi32, #tpu.memory_space<vmem>>
      %dma_start3A_72 = tpu.memref_squeeze %dma_start3A_71 : memref<1x64xi32, #tpu.memory_space<vmem>> -> memref<64xi32, #tpu.memory_space<vmem>>
      %dma_start3A_73 = arith.constant 0 : i32
      %dma_start3A_74 = arith.constant 0 : i32
      %dma_start3A_75 = tpu.memref_slice %arg11[%dma_start3A_73, %dma_start3A_74] : memref<10240x128xf32, #tpu.memory_space<vmem_shared>> -> memref<10240x128xf32, #tpu.memory_space<vmem_shared>>
      tpu.enqueue_indirect_dma source(%arg9 : memref<64x128xf32, #tpu.memory_space<vmem>>) target(%dma_start3A_75 : memref<10240x128xf32, #tpu.memory_space<vmem_shared>>) offsets(%dma_start3A_72 : memref<64xi32, #tpu.memory_space<vmem>>) semaphore(%run_scoped3A_69 : memref<!tpu.dma_semaphore, #tpu.memory_space<semaphore_mem>>) {add = true}
      %dma_wait3A_76 = arith.constant 0 : i32
      %dma_wait3A_77 = tpu.memref_slice %arg7[%run_scoped3A_52, %dma_wait3A_76] : memref<75x64xi32, #tpu.memory_space<vmem>> -> memref<1x64xi32, #tpu.memory_space<vmem>>
      %dma_wait3A_78 = tpu.memref_squeeze %dma_wait3A_77 : memref<1x64xi32, #tpu.memory_space<vmem>> -> memref<64xi32, #tpu.memory_space<vmem>>
      %dma_wait3A_79 = arith.constant 0 : i32
      %dma_wait3A_80 = arith.constant 0 : i32
      %dma_wait3A_81 = tpu.memref_slice %arg11[%dma_wait3A_79, %dma_wait3A_80] : memref<10240x128xf32, #tpu.memory_space<vmem_shared>> -> memref<10240x128xf32, #tpu.memory_space<vmem_shared>>
      tpu.wait_indirect_dma semaphore(%run_scoped3A_69 : memref<!tpu.dma_semaphore, #tpu.memory_space<semaphore_mem>>) src(%arg9 : memref<64x128xf32, #tpu.memory_space<vmem>>) dst(%dma_wait3A_81 : memref<10240x128xf32, #tpu.memory_space<vmem_shared>>)
      tpu.yield
    }) : () -> ()
    %dma_wait3A_53 = arith.constant 74 : i32
    %dma_wait3A_54 = arith.constant 0 : i32
    %dma_wait3A_55 = tpu.memref_slice %arg6[%dma_wait3A_53, %dma_wait3A_54] : memref<75x64xi32, #tpu.memory_space<vmem>> -> memref<1x64xi32, #tpu.memory_space<vmem>>
    %dma_wait3A_56 = tpu.memref_squeeze %dma_wait3A_55 : memref<1x64xi32, #tpu.memory_space<vmem>> -> memref<64xi32, #tpu.memory_space<vmem>>
    %dma_wait3A_57 = arith.constant 0 : i32
    %dma_wait3A_58 = arith.constant 0 : i32
    %dma_wait3A_59 = tpu.memref_slice %arg2[%dma_wait3A_57, %dma_wait3A_58] : memref<10240x128xf32, #tpu.memory_space<hbm>> -> memref<10240x128xf32, #tpu.memory_space<hbm>>
    tpu.wait_indirect_dma semaphore(%arg14 : memref<!tpu.dma_semaphore, #tpu.memory_space<semaphore_mem>>) src(%dma_wait3A_59 : memref<10240x128xf32, #tpu.memory_space<hbm>>) dst(%arg10 : memref<64x128xf32, #tpu.memory_space<vmem>>)
    %run_scoped3A_60 = arith.constant 74 : i32
    "tpu.region"() ({
      %run_scoped3A_69 = tpu.sem_alloc : memref<!tpu.dma_semaphore, #tpu.memory_space<semaphore_mem>>
      %dma_start3A_70 = arith.constant 0 : i32
      %dma_start3A_71 = tpu.memref_slice %arg7[%run_scoped3A_60, %dma_start3A_70] : memref<75x64xi32, #tpu.memory_space<vmem>> -> memref<1x64xi32, #tpu.memory_space<vmem>>
      %dma_start3A_72 = tpu.memref_squeeze %dma_start3A_71 : memref<1x64xi32, #tpu.memory_space<vmem>> -> memref<64xi32, #tpu.memory_space<vmem>>
      %dma_start3A_73 = arith.constant 0 : i32
      %dma_start3A_74 = arith.constant 0 : i32
      %dma_start3A_75 = tpu.memref_slice %arg11[%dma_start3A_73, %dma_start3A_74] : memref<10240x128xf32, #tpu.memory_space<vmem_shared>> -> memref<10240x128xf32, #tpu.memory_space<vmem_shared>>
      tpu.enqueue_indirect_dma source(%arg10 : memref<64x128xf32, #tpu.memory_space<vmem>>) target(%dma_start3A_75 : memref<10240x128xf32, #tpu.memory_space<vmem_shared>>) offsets(%dma_start3A_72 : memref<64xi32, #tpu.memory_space<vmem>>) semaphore(%run_scoped3A_69 : memref<!tpu.dma_semaphore, #tpu.memory_space<semaphore_mem>>) {add = true}
      %dma_wait3A_76 = arith.constant 0 : i32
      %dma_wait3A_77 = tpu.memref_slice %arg7[%run_scoped3A_60, %dma_wait3A_76] : memref<75x64xi32, #tpu.memory_space<vmem>> -> memref<1x64xi32, #tpu.memory_space<vmem>>
      %dma_wait3A_78 = tpu.memref_squeeze %dma_wait3A_77 : memref<1x64xi32, #tpu.memory_space<vmem>> -> memref<64xi32, #tpu.memory_space<vmem>>
      %dma_wait3A_79 = arith.constant 0 : i32
      %dma_wait3A_80 = arith.constant 0 : i32
      %dma_wait3A_81 = tpu.memref_slice %arg11[%dma_wait3A_79, %dma_wait3A_80] : memref<10240x128xf32, #tpu.memory_space<vmem_shared>> -> memref<10240x128xf32, #tpu.memory_space<vmem_shared>>
      tpu.wait_indirect_dma semaphore(%run_scoped3A_69 : memref<!tpu.dma_semaphore, #tpu.memory_space<semaphore_mem>>) src(%arg10 : memref<64x128xf32, #tpu.memory_space<vmem>>) dst(%dma_wait3A_81 : memref<10240x128xf32, #tpu.memory_space<vmem_shared>>)
      tpu.yield
    }) : () -> ()
    %barrier3A_61 = arith.constant 0 : index
    tpu.barrier barrier_id(%barrier3A_61)
    %mul3A_62 = arith.constant 640 : i32
    %mul3A_63 = arith.muli %arg1, %mul3A_62 : i32
    %mul3A_64 = arith.constant 10240 : i32
    %mul3A_65 = arith.muli %arg0, %mul3A_64 : i32
    %mul3A_66 = arith.constant 640 : i32
    %mul3A_67 = arith.muli %arg1, %mul3A_66 : i32
    %add3A_68 = arith.addi %mul3A_65, %mul3A_67 : i32
    "tpu.region"() ({
      %run_scoped3A_69 = tpu.sem_alloc : memref<!tpu.dma_semaphore, #tpu.memory_space<semaphore_mem>>
      %dma_start3A_70 = arith.constant 0 : i32
      %dma_start3A_71 = tpu.memref_slice %arg5[%add3A_68, %dma_start3A_70] : memref<20480x128xf32, #tpu.memory_space<hbm>> -> memref<640x128xf32, #tpu.memory_space<hbm>>
      %dma_start3A_72 = arith.constant 0 : i32
      %dma_start3A_73 = tpu.memref_slice %arg11[%mul3A_63, %dma_start3A_72] : memref<10240x128xf32, #tpu.memory_space<vmem_shared>> -> memref<640x128xf32, #tpu.memory_space<vmem_shared>>
      tpu.enqueue_dma source(%dma_start3A_73 : memref<640x128xf32, #tpu.memory_space<vmem_shared>>) target(%dma_start3A_71 : memref<640x128xf32, #tpu.memory_space<hbm>>) target_semaphore(%run_scoped3A_69 : memref<!tpu.dma_semaphore, #tpu.memory_space<semaphore_mem>>)
      %dma_wait3A_74 = arith.constant 0 : i32
      %dma_wait3A_75 = tpu.memref_slice %arg5[%add3A_68, %dma_wait3A_74] : memref<20480x128xf32, #tpu.memory_space<hbm>> -> memref<640x128xf32, #tpu.memory_space<hbm>>
      %dma_wait3A_76 = arith.constant 0 : i32
      %dma_wait3A_77 = tpu.memref_slice %arg11[%mul3A_63, %dma_wait3A_76] : memref<10240x128xf32, #tpu.memory_space<vmem_shared>> -> memref<640x128xf32, #tpu.memory_space<vmem_shared>>
      tpu.wait_dma2 semaphore(%run_scoped3A_69 : memref<!tpu.dma_semaphore, #tpu.memory_space<semaphore_mem>>) src(%dma_wait3A_77 : memref<640x128xf32, #tpu.memory_space<vmem_shared>>) dst(%dma_wait3A_75 : memref<640x128xf32, #tpu.memory_space<hbm>>)
      tpu.yield
    }) : () -> ()
    return
  }
}

module attributes {stable_mosaic.version = 14 : i64} {
  func.func @_mm1_body(%arg0: i32, %arg1: memref<2x1000x1xf32, #tpu.memory_space<vmem>>, %arg2: memref<1000x512xf32, #tpu.memory_space<vmem>>, %arg3: memref<512x128xf32, #tpu.memory_space<vmem>>, %arg4: memref<1000x128xf32, #tpu.memory_space<vmem>>, %arg5: memref<1000x1xf32, #tpu.memory_space<vmem>>) attributes {dimension_semantics = [#tpu.dimension_semantics<arbitrary>], iteration_bounds = array<i64: 10>, scalar_prefetch = 0 : i64, scratch_operands = 0 : i64, tpu.core_type = #tpu.core_type<tc>, window_params = [{transform_indices = @transform_0, window_bounds = array<i64: 2, 1000, 1>}, {transform_indices = @transform_1, window_bounds = array<i64: 1000, 512>}, {pipeline_mode = #tpu.pipeline_mode<synchronous>, transform_indices = @transform_2, window_bounds = array<i64: 512, 128>}, {transform_indices = @transform_3, window_bounds = array<i64: 1000, 128>}, {transform_indices = @transform_4, window_bounds = array<i64: 1000, 1>}]} {
    %get3A = arith.constant 0 : index
    %get3A_0 = arith.constant 0 : index
    %get3A_1 = arith.constant 0 : index
    %get3A_2 = vector.load %arg1[%get3A, %get3A_0, %get3A_1] : memref<2x1000x1xf32, #tpu.memory_space<vmem>>, vector<1x1000x1xf32>
    %get3A_3 = vector.shape_cast %get3A_2 : vector<1x1000x1xf32> to vector<1000x1xf32>
    %get3A_4 = arith.constant 1 : index
    %get3A_5 = arith.constant 0 : index
    %get3A_6 = arith.constant 0 : index
    %get3A_7 = vector.load %arg1[%get3A_4, %get3A_5, %get3A_6] : memref<2x1000x1xf32, #tpu.memory_space<vmem>>, vector<1x1000x1xf32>
    %get3A_8 = vector.shape_cast %get3A_7 : vector<1x1000x1xf32> to vector<1000x1xf32>
    %add3A = arith.addf %get3A_3, %get3A_8 : vector<1000x1xf32>
    %add3A_9 = arith.constant 1.000000e+00 : f32
    %add3A_10 = vector.broadcast %add3A_9 : f32 to vector<1000x1xf32>
    %add3A_11 = arith.addf %add3A, %add3A_10 : vector<1000x1xf32>
    %rsqrt3A = math.rsqrt %add3A_11 : vector<1000x1xf32>
    %get3A_12 = arith.constant 0 : index
    %get3A_13 = arith.constant 0 : index
    %get3A_14 = vector.load %arg2[%get3A_12, %get3A_13] : memref<1000x512xf32, #tpu.memory_space<vmem>>, vector<1000x512xf32>
    %get3A_15 = arith.constant 0 : index
    %get3A_16 = arith.constant 0 : index
    %get3A_17 = vector.load %arg3[%get3A_15, %get3A_16] : memref<512x128xf32, #tpu.memory_space<vmem>>, vector<512x128xf32>
    %dot_general3A = arith.constant dense<0.000000e+00> : vector<1000x128xf32>
    %dot_general3A_18 = tpu.matmul %get3A_14, %get3A_17, %dot_general3A {dimension_numbers = #tpu.dot_dimension_numbers<[1], [0], [0], [1], [0, 0, 1, 1], [], []>, transpose_lhs_hint = false} : vector<1000x512xf32>, vector<512x128xf32>, vector<1000x128xf32> -> vector<1000x128xf32>
    %mul3A = vector.broadcast %rsqrt3A : vector<1000x1xf32> to vector<1000x128xf32>
    %mul3A_19 = arith.mulf %mul3A, %dot_general3A_18 : vector<1000x128xf32>
    %swap3A = arith.constant 0 : index
    %swap3A_20 = arith.constant 0 : index
    %swap3A_21 = vector.load %arg4[%swap3A, %swap3A_20] : memref<1000x128xf32, #tpu.memory_space<vmem>>, vector<1000x128xf32>
    tpu.vector_store %arg4[%swap3A, %swap3A_20], %mul3A_19 {strides = array<i32>} : memref<1000x128xf32, #tpu.memory_space<vmem>>, vector<1000x128xf32>,
    %swap3A_22 = arith.constant 0 : index
    %swap3A_23 = arith.constant 0 : index
    %swap3A_24 = vector.load %arg5[%swap3A_22, %swap3A_23] : memref<1000x1xf32, #tpu.memory_space<vmem>>, vector<1000x1xf32>
    tpu.vector_store %arg5[%swap3A_22, %swap3A_23], %rsqrt3A {strides = array<i32>} : memref<1000x1xf32, #tpu.memory_space<vmem>>, vector<1000x1xf32>,
    return
  }
  func.func @transform_0(%arg0: i32) -> (i32, i32, i32) {
    %c0_i32 = arith.constant 0 : i32
    %c0_i32_0 = arith.constant 0 : i32
    %c0_i32_1 = arith.constant 0 : i32
    return %c0_i32, %arg0, %c0_i32_0 : i32, i32, i32
  }
  func.func @transform_1(%arg0: i32) -> (i32, i32) {
    %c0_i32 = arith.constant 0 : i32
    %c0_i32_0 = arith.constant 0 : i32
    return %arg0, %c0_i32 : i32, i32
  }
  func.func @transform_2(%arg0: i32) -> (i32, i32) {
    %c0_i32 = arith.constant 0 : i32
    %c0_i32_0 = arith.constant 0 : i32
    %c0_i32_1 = arith.constant 0 : i32
    return %c0_i32, %c0_i32_0 : i32, i32
  }
  func.func @transform_3(%arg0: i32) -> (i32, i32) {
    %c0_i32 = arith.constant 0 : i32
    %c0_i32_0 = arith.constant 0 : i32
    return %arg0, %c0_i32 : i32, i32
  }
  func.func @transform_4(%arg0: i32) -> (i32, i32) {
    %c0_i32 = arith.constant 0 : i32
    %c0_i32_0 = arith.constant 0 : i32
    return %arg0, %c0_i32 : i32, i32
  }
}

module attributes {stable_mosaic.version = 14 : i64} {
  func.func @_mid_body(%arg0: i32, %arg1: memref<1000x1xf32, #tpu.memory_space<vmem>>, %arg2: memref<2x1000x128xf32, #tpu.memory_space<vmem>>, %arg3: memref<1000x128xf32, #tpu.memory_space<vmem>>, %arg4: memref<128x128xf32, #tpu.memory_space<vmem>>, %arg5: memref<1x128xf32, #tpu.memory_space<vmem>>, %arg6: memref<1000x128xf32, #tpu.memory_space<vmem>>) attributes {dimension_semantics = [#tpu.dimension_semantics<arbitrary>], iteration_bounds = array<i64: 10>, scalar_prefetch = 0 : i64, scratch_operands = 0 : i64, tpu.core_type = #tpu.core_type<tc>, window_params = [{transform_indices = @transform_0, window_bounds = array<i64: 1000, 1>}, {transform_indices = @transform_1, window_bounds = array<i64: 2, 1000, 128>}, {transform_indices = @transform_2, window_bounds = array<i64: 1000, 128>}, {pipeline_mode = #tpu.pipeline_mode<synchronous>, transform_indices = @transform_3, window_bounds = array<i64: 128, 128>}, {pipeline_mode = #tpu.pipeline_mode<synchronous>, transform_indices = @transform_4, window_bounds = array<i64: 1, 128>}, {transform_indices = @transform_5, window_bounds = array<i64: 1000, 128>}]} {
    %get3A = arith.constant 0 : index
    %get3A_0 = arith.constant 0 : index
    %get3A_1 = vector.load %arg1[%get3A, %get3A_0] : memref<1000x1xf32, #tpu.memory_space<vmem>>, vector<1000x1xf32>
    %get3A_2 = arith.constant 0 : index
    %get3A_3 = arith.constant 0 : index
    %get3A_4 = arith.constant 0 : index
    %get3A_5 = vector.load %arg2[%get3A_2, %get3A_3, %get3A_4] : memref<2x1000x128xf32, #tpu.memory_space<vmem>>, vector<1x1000x128xf32>
    %get3A_6 = vector.shape_cast %get3A_5 : vector<1x1000x128xf32> to vector<1000x128xf32>
    %get3A_7 = arith.constant 1 : index
    %get3A_8 = arith.constant 0 : index
    %get3A_9 = arith.constant 0 : index
    %get3A_10 = vector.load %arg2[%get3A_7, %get3A_8, %get3A_9] : memref<2x1000x128xf32, #tpu.memory_space<vmem>>, vector<1x1000x128xf32>
    %get3A_11 = vector.shape_cast %get3A_10 : vector<1x1000x128xf32> to vector<1000x128xf32>
    %add3A = arith.addf %get3A_6, %get3A_11 : vector<1000x128xf32>
    %get3A_12 = arith.constant 0 : index
    %get3A_13 = arith.constant 0 : index
    %get3A_14 = vector.load %arg3[%get3A_12, %get3A_13] : memref<1000x128xf32, #tpu.memory_space<vmem>>, vector<1000x128xf32>
    %add3A_15 = arith.addf %add3A, %get3A_14 : vector<1000x128xf32>
    %mul3A = vector.broadcast %get3A_1 : vector<1000x1xf32> to vector<1000x128xf32>
    %mul3A_16 = arith.mulf %mul3A, %add3A_15 : vector<1000x128xf32>
    %get3A_17 = arith.constant 0 : index
    %get3A_18 = arith.constant 0 : index
    %get3A_19 = vector.load %arg5[%get3A_17, %get3A_18] : memref<1x128xf32, #tpu.memory_space<vmem>>, vector<1x128xf32>
    %add3A_20 = vector.broadcast %get3A_19 : vector<1x128xf32> to vector<1000x128xf32>
    %add3A_21 = arith.addf %mul3A_16, %add3A_20 : vector<1000x128xf32>
    %max3A = arith.constant 0.000000e+00 : f32
    %max3A_22 = vector.broadcast %max3A : f32 to vector<1000x128xf32>
    %max3A_23 = arith.maximumf %add3A_21, %max3A_22 : vector<1000x128xf32>
    %get3A_24 = arith.constant 0 : index
    %get3A_25 = arith.constant 0 : index
    %get3A_26 = vector.load %arg4[%get3A_24, %get3A_25] : memref<128x128xf32, #tpu.memory_space<vmem>>, vector<128x128xf32>
    %dot_general3A = arith.constant dense<0.000000e+00> : vector<1000x128xf32>
    %dot_general3A_27 = tpu.matmul %max3A_23, %get3A_26, %dot_general3A {dimension_numbers = #tpu.dot_dimension_numbers<[1], [0], [0], [1], [0, 0, 1, 1], [], []>, transpose_lhs_hint = false} : vector<1000x128xf32>, vector<128x128xf32>, vector<1000x128xf32> -> vector<1000x128xf32>
    %mul3A_28 = vector.broadcast %get3A_1 : vector<1000x1xf32> to vector<1000x128xf32>
    %mul3A_29 = arith.mulf %mul3A_28, %dot_general3A_27 : vector<1000x128xf32>
    %swap3A = arith.constant 0 : index
    %swap3A_30 = arith.constant 0 : index
    %swap3A_31 = vector.load %arg6[%swap3A, %swap3A_30] : memref<1000x128xf32, #tpu.memory_space<vmem>>, vector<1000x128xf32>
    tpu.vector_store %arg6[%swap3A, %swap3A_30], %mul3A_29 {strides = array<i32>} : memref<1000x128xf32, #tpu.memory_space<vmem>>, vector<1000x128xf32>,
    return
  }
  func.func @transform_0(%arg0: i32) -> (i32, i32) {
    %c0_i32 = arith.constant 0 : i32
    %c0_i32_0 = arith.constant 0 : i32
    return %arg0, %c0_i32 : i32, i32
  }
  func.func @transform_1(%arg0: i32) -> (i32, i32, i32) {
    %c0_i32 = arith.constant 0 : i32
    %c0_i32_0 = arith.constant 0 : i32
    %c0_i32_1 = arith.constant 0 : i32
    return %c0_i32, %arg0, %c0_i32_0 : i32, i32, i32
  }
  func.func @transform_2(%arg0: i32) -> (i32, i32) {
    %c0_i32 = arith.constant 0 : i32
    %c0_i32_0 = arith.constant 0 : i32
    return %arg0, %c0_i32 : i32, i32
  }
  func.func @transform_3(%arg0: i32) -> (i32, i32) {
    %c0_i32 = arith.constant 0 : i32
    %c0_i32_0 = arith.constant 0 : i32
    %c0_i32_1 = arith.constant 0 : i32
    return %c0_i32, %c0_i32_0 : i32, i32
  }
  func.func @transform_4(%arg0: i32) -> (i32, i32) {
    %c0_i32 = arith.constant 0 : i32
    %c0_i32_0 = arith.constant 0 : i32
    %c0_i32_1 = arith.constant 0 : i32
    return %c0_i32, %c0_i32_0 : i32, i32
  }
  func.func @transform_5(%arg0: i32) -> (i32, i32) {
    %c0_i32 = arith.constant 0 : i32
    %c0_i32_0 = arith.constant 0 : i32
    return %arg0, %c0_i32 : i32, i32
  }
}

module attributes {stable_mosaic.version = 14 : i64} {
  func.func @_fin_body(%arg0: i32, %arg1: memref<1000x1xf32, #tpu.memory_space<vmem>>, %arg2: memref<2x1000x128xf32, #tpu.memory_space<vmem>>, %arg3: memref<1000x128xf32, #tpu.memory_space<vmem>>, %arg4: memref<1x128xf32, #tpu.memory_space<vmem>>, %arg5: memref<1000x1xi32, #tpu.memory_space<vmem>>, %arg6: memref<64x16xf32, #tpu.memory_space<vmem>>, %arg7: memref<64x2xf32, #tpu.memory_space<vmem>>, %arg8: memref<64x2xf32, #tpu.memory_space<vmem>>) attributes {dimension_semantics = [#tpu.dimension_semantics<arbitrary>], iteration_bounds = array<i64: 10>, scalar_prefetch = 0 : i64, scratch_operands = 2 : i64, tpu.core_type = #tpu.core_type<tc>, window_params = [{transform_indices = @transform_0, window_bounds = array<i64: 1000, 1>}, {transform_indices = @transform_1, window_bounds = array<i64: 2, 1000, 128>}, {transform_indices = @transform_2, window_bounds = array<i64: 1000, 128>}, {pipeline_mode = #tpu.pipeline_mode<synchronous>, transform_indices = @transform_3, window_bounds = array<i64: 1, 128>}, {transform_indices = @transform_4, window_bounds = array<i64: 1000, 1>}, {pipeline_mode = #tpu.pipeline_mode<synchronous>, transform_indices = @transform_5, window_bounds = array<i64: 64, 16>}]} {
    %get3A = arith.constant 0 : index
    %get3A_0 = arith.constant 0 : index
    %get3A_1 = vector.load %arg1[%get3A, %get3A_0] : memref<1000x1xf32, #tpu.memory_space<vmem>>, vector<1000x1xf32>
    %get3A_2 = arith.constant 0 : index
    %get3A_3 = arith.constant 0 : index
    %get3A_4 = arith.constant 0 : index
    %get3A_5 = vector.load %arg2[%get3A_2, %get3A_3, %get3A_4] : memref<2x1000x128xf32, #tpu.memory_space<vmem>>, vector<1x1000x128xf32>
    %get3A_6 = vector.shape_cast %get3A_5 : vector<1x1000x128xf32> to vector<1000x128xf32>
    %get3A_7 = arith.constant 1 : index
    %get3A_8 = arith.constant 0 : index
    %get3A_9 = arith.constant 0 : index
    %get3A_10 = vector.load %arg2[%get3A_7, %get3A_8, %get3A_9] : memref<2x1000x128xf32, #tpu.memory_space<vmem>>, vector<1x1000x128xf32>
    %get3A_11 = vector.shape_cast %get3A_10 : vector<1x1000x128xf32> to vector<1000x128xf32>
    %add3A = arith.addf %get3A_6, %get3A_11 : vector<1000x128xf32>
    %get3A_12 = arith.constant 0 : index
    %get3A_13 = arith.constant 0 : index
    %get3A_14 = vector.load %arg3[%get3A_12, %get3A_13] : memref<1000x128xf32, #tpu.memory_space<vmem>>, vector<1000x128xf32>
    %add3A_15 = arith.addf %add3A, %get3A_14 : vector<1000x128xf32>
    %mul3A = vector.broadcast %get3A_1 : vector<1000x1xf32> to vector<1000x128xf32>
    %mul3A_16 = arith.mulf %mul3A, %add3A_15 : vector<1000x128xf32>
    %get3A_17 = arith.constant 0 : index
    %get3A_18 = arith.constant 0 : index
    %get3A_19 = vector.load %arg4[%get3A_17, %get3A_18] : memref<1x128xf32, #tpu.memory_space<vmem>>, vector<1x128xf32>
    %add3A_20 = vector.broadcast %get3A_19 : vector<1x128xf32> to vector<1000x128xf32>
    %add3A_21 = arith.addf %mul3A_16, %add3A_20 : vector<1000x128xf32>
    %slice3A = vector.extract_strided_slice %add3A_21 {offsets = [0, 0], sizes = [1000, 2], strides = [1, 1]} : vector<1000x128xf32> to vector<1000x2xf32>
    %get3A_22 = arith.constant 0 : index
    %get3A_23 = arith.constant 0 : index
    %get3A_24 = vector.load %arg5[%get3A_22, %get3A_23] : memref<1000x1xi32, #tpu.memory_space<vmem>>, vector<1000x1xi32>
    %iota3A = tpu.iota {dimensions = array<i32: 1>} : vector<1x64xi32>
    %eq3A = vector.broadcast %get3A_24 : vector<1000x1xi32> to vector<1000x64xi32>
    %eq3A_25 = vector.broadcast %iota3A : vector<1x64xi32> to vector<1000x64xi32>
    %eq3A_26 = arith.cmpi eq, %eq3A, %eq3A_25 : vector<1000x64xi32>
    %convert_element_type3A = arith.extui %eq3A_26 : vector<1000x64xi1> to vector<1000x64xi32>
    %convert_element_type3A_27 = arith.sitofp %convert_element_type3A : vector<1000x64xi32> to vector<1000x64xf32>
    %dot_general3A = arith.constant dense<0.000000e+00> : vector<64x2xf32>
    %dot_general3A_28 = tpu.matmul %convert_element_type3A_27, %slice3A, %dot_general3A {dimension_numbers = #tpu.dot_dimension_numbers<[0], [0], [1], [1], [0, 1, 1, 1], [], []>, transpose_lhs_hint = false} : vector<1000x64xf32>, vector<1000x2xf32>, vector<64x2xf32> -> vector<64x2xf32>
    %broadcast_in_dim3A = arith.constant 1.000000e+00 : f32
    %broadcast_in_dim3A_29 = vector.broadcast %broadcast_in_dim3A : f32 to vector<1000x2xf32>
    %dot_general3A_30 = arith.constant dense<0.000000e+00> : vector<64x2xf32>
    %dot_general3A_31 = tpu.matmul %convert_element_type3A_27, %broadcast_in_dim3A_29, %dot_general3A_30 {dimension_numbers = #tpu.dot_dimension_numbers<[0], [0], [1], [1], [0, 1, 1, 1], [], []>, transpose_lhs_hint = false} : vector<1000x64xf32>, vector<1000x2xf32>, vector<64x2xf32> -> vector<64x2xf32>
    %eq3A_32 = arith.constant 0 : i32
    %eq3A_33 = arith.cmpi eq, %arg0, %eq3A_32 : i32
    %convert_element_type3A_34 = arith.extui %eq3A_33 : i1 to i32
    %cond3A = arith.constant 0 : i32
    %cond3A_35 = arith.cmpi ne, %convert_element_type3A_34, %cond3A : i32
    scf.if %cond3A_35 {
      %broadcast_in_dim3A_54 = arith.constant 0.000000e+00 : f32
      %broadcast_in_dim3A_55 = vector.broadcast %broadcast_in_dim3A_54 : f32 to vector<64x2xf32>
      %swap3A_56 = arith.constant 0 : index
      %swap3A_57 = arith.constant 0 : index
      %swap3A_58 = vector.load %arg7[%swap3A_56, %swap3A_57] : memref<64x2xf32, #tpu.memory_space<vmem>>, vector<64x2xf32>
      tpu.vector_store %arg7[%swap3A_56, %swap3A_57], %broadcast_in_dim3A_55 {strides = array<i32>} : memref<64x2xf32, #tpu.memory_space<vmem>>, vector<64x2xf32>,
      %broadcast_in_dim3A_59 = arith.constant 0.000000e+00 : f32
      %broadcast_in_dim3A_60 = vector.broadcast %broadcast_in_dim3A_59 : f32 to vector<64x2xf32>
      %swap3A_61 = arith.constant 0 : index
      %swap3A_62 = arith.constant 0 : index
      %swap3A_63 = vector.load %arg8[%swap3A_61, %swap3A_62] : memref<64x2xf32, #tpu.memory_space<vmem>>, vector<64x2xf32>
      tpu.vector_store %arg8[%swap3A_61, %swap3A_62], %broadcast_in_dim3A_60 {strides = array<i32>} : memref<64x2xf32, #tpu.memory_space<vmem>>, vector<64x2xf32>,
    } else {
    }
    %get3A_36 = arith.constant 0 : index
    %get3A_37 = arith.constant 0 : index
    %get3A_38 = vector.load %arg7[%get3A_36, %get3A_37] : memref<64x2xf32, #tpu.memory_space<vmem>>, vector<64x2xf32>
    %add3A_39 = arith.addf %get3A_38, %dot_general3A_28 : vector<64x2xf32>
    %swap3A = arith.constant 0 : index
    %swap3A_40 = arith.constant 0 : index
    %swap3A_41 = vector.load %arg7[%swap3A, %swap3A_40] : memref<64x2xf32, #tpu.memory_space<vmem>>, vector<64x2xf32>
    tpu.vector_store %arg7[%swap3A, %swap3A_40], %add3A_39 {strides = array<i32>} : memref<64x2xf32, #tpu.memory_space<vmem>>, vector<64x2xf32>,
    %get3A_42 = arith.constant 0 : index
    %get3A_43 = arith.constant 0 : index
    %get3A_44 = vector.load %arg8[%get3A_42, %get3A_43] : memref<64x2xf32, #tpu.memory_space<vmem>>, vector<64x2xf32>
    %add3A_45 = arith.addf %get3A_44, %dot_general3A_31 : vector<64x2xf32>
    %swap3A_46 = arith.constant 0 : index
    %swap3A_47 = arith.constant 0 : index
    %swap3A_48 = vector.load %arg8[%swap3A_46, %swap3A_47] : memref<64x2xf32, #tpu.memory_space<vmem>>, vector<64x2xf32>
    tpu.vector_store %arg8[%swap3A_46, %swap3A_47], %add3A_45 {strides = array<i32>} : memref<64x2xf32, #tpu.memory_space<vmem>>, vector<64x2xf32>,
    %eq3A_49 = arith.constant 9 : i32
    %eq3A_50 = arith.cmpi eq, %arg0, %eq3A_49 : i32
    %convert_element_type3A_51 = arith.extui %eq3A_50 : i1 to i32
    %cond3A_52 = arith.constant 0 : i32
    %cond3A_53 = arith.cmpi ne, %convert_element_type3A_51, %cond3A_52 : i32
    scf.if %cond3A_53 {
      %get3A_54 = arith.constant 0 : index
      %get3A_55 = arith.constant 0 : index
      %get3A_56 = vector.load %arg7[%get3A_54, %get3A_55] : memref<64x2xf32, #tpu.memory_space<vmem>>, vector<64x2xf32>
      %get3A_57 = arith.constant 0 : index
      %get3A_58 = arith.constant 0 : index
      %get3A_59 = vector.load %arg8[%get3A_57, %get3A_58] : memref<64x2xf32, #tpu.memory_space<vmem>>, vector<64x2xf32>
      %max3A = arith.constant 1.000000e+00 : f32
      %max3A_60 = vector.broadcast %max3A : f32 to vector<64x2xf32>
      %max3A_61 = arith.maximumf %get3A_59, %max3A_60 : vector<64x2xf32>
      %div3A = arith.divf %get3A_56, %max3A_61 : vector<64x2xf32>
      %reduce_max3A = arith.constant dense<0xFF800000> : vector<64xf32>
      %reduce_max3A_62 = vector.multi_reduction <maximumf>, %div3A, %reduce_max3A [1] : vector<64x2xf32> to vector<64xf32>
      %broadcast_in_dim3A_63 = vector.shape_cast %reduce_max3A_62 : vector<64xf32> to vector<64x1xf32>
      %sub3A = vector.broadcast %broadcast_in_dim3A_63 : vector<64x1xf32> to vector<64x2xf32>
      %sub3A_64 = arith.subf %div3A, %sub3A : vector<64x2xf32>
      %sub3A_65 = vector.broadcast %broadcast_in_dim3A_63 : vector<64x1xf32> to vector<64x2xf32>
      %sub3A_66 = arith.subf %div3A, %sub3A_65 : vector<64x2xf32>
      %exp3A = math.exp %sub3A_66 : vector<64x2xf32>
      %reduce_sum3A = arith.constant dense<0.000000e+00> : vector<64xf32>
      %reduce_sum3A_67 = vector.multi_reduction <add>, %exp3A, %reduce_sum3A [1] : vector<64x2xf32> to vector<64xf32>
      %broadcast_in_dim3A_68 = vector.shape_cast %reduce_sum3A_67 : vector<64xf32> to vector<64x1xf32>
      %log3A = math.log %broadcast_in_dim3A_68 : vector<64x1xf32>
      %sub3A_69 = vector.broadcast %log3A : vector<64x1xf32> to vector<64x2xf32>
      %sub3A_70 = arith.subf %sub3A_64, %sub3A_69 : vector<64x2xf32>
      %broadcast_in_dim3A_71 = arith.constant 0.000000e+00 : f32
      %broadcast_in_dim3A_72 = vector.broadcast %broadcast_in_dim3A_71 : f32 to vector<64x14xf32>
      %concatenate3A = tpu.concatenate %sub3A_70, %broadcast_in_dim3A_72 in 1 : vector<64x2xf32>, vector<64x14xf32> -> vector<64x16xf32>
      %swap3A_73 = arith.constant 0 : index
      %swap3A_74 = arith.constant 0 : index
      %swap3A_75 = vector.load %arg6[%swap3A_73, %swap3A_74] : memref<64x16xf32, #tpu.memory_space<vmem>>, vector<64x16xf32>
      tpu.vector_store %arg6[%swap3A_73, %swap3A_74], %concatenate3A {strides = array<i32>} : memref<64x16xf32, #tpu.memory_space<vmem>>, vector<64x16xf32>,
    } else {
    }
    return
  }
  func.func @transform_0(%arg0: i32) -> (i32, i32) {
    %c0_i32 = arith.constant 0 : i32
    %c0_i32_0 = arith.constant 0 : i32
    return %arg0, %c0_i32 : i32, i32
  }
  func.func @transform_1(%arg0: i32) -> (i32, i32, i32) {
    %c0_i32 = arith.constant 0 : i32
    %c0_i32_0 = arith.constant 0 : i32
    %c0_i32_1 = arith.constant 0 : i32
    return %c0_i32, %arg0, %c0_i32_0 : i32, i32, i32
  }
  func.func @transform_2(%arg0: i32) -> (i32, i32) {
    %c0_i32 = arith.constant 0 : i32
    %c0_i32_0 = arith.constant 0 : i32
    return %arg0, %c0_i32 : i32, i32
  }
  func.func @transform_3(%arg0: i32) -> (i32, i32) {
    %c0_i32 = arith.constant 0 : i32
    %c0_i32_0 = arith.constant 0 : i32
    %c0_i32_1 = arith.constant 0 : i32
    return %c0_i32, %c0_i32_0 : i32, i32
  }
  func.func @transform_4(%arg0: i32) -> (i32, i32) {
    %c0_i32 = arith.constant 0 : i32
    %c0_i32_0 = arith.constant 0 : i32
    return %arg0, %c0_i32 : i32, i32
  }
  func.func @transform_5(%arg0: i32) -> (i32, i32) {
    %c0_i32 = arith.constant 0 : i32
    %c0_i32_0 = arith.constant 0 : i32
    %c0_i32_1 = arith.constant 0 : i32
    return %c0_i32, %c0_i32_0 : i32, i32
  }
}

</mosaic_0001>

<sc_bundles>
// kernel: kernel.10.cloned.1.call-start
scs
__scs_entry_jumppad:
0x0: {  	(pc) =	sbr.rel $0x88, $3  }
0x1: {  	(tag) =	ssettag $0x0;
	lr =	simm.s32 $0x1  }
0x2: {  	[smem:$0x3F98] =	sst lr;
	_ =	strace $0xD0000000  }
0x3: {  	_ = 	snop  }
0x4: {  	_ = 	snop  }
0x5: {  	_ = 	snop  }
0x6: {  	_ = 	snop  }
0x7: {  	_ = 	snop  }
__scs_overlays_trampoline_lowered:
0x8: {  	[smem:$0x3FA7] =	sst s0  }
0x9: {  	[smem:$0x3FA8] =	sst s1  }
0xa: {  	[smem:$0x3FA9] =	sst s2  }
0xb: {  	[smem:$0x3FAA] =	sst s3  }
0xc: {  	[smem:$0x3FAB] =	sst s4  }
0xd: {  	[smem:$0x3FAC] =	sst s5  }
0xe: {  	[smem:$0x3FAD] =	sst s6  }
0xf: {  	[smem:$0x3FAE] =	sst s7  }
0x10: {  	[smem:$0x3FAF] =	sst s8  }
0x11: {  	[smem:$0x3FB0] =	sst s9;
	s0 =	simm.s32 @!p0 $0x0  }
0x12: {  	s1 =	sld [smem:$0x3F96];
	s0 =	simm.s32 @p0 $0x1  }
0x13: {  	[smem:$0x3FB1] =	sst s0;
	s0 =	simm.s32 @!p1 $0x0  }
0x14: {  	s2 =	sld [smem:$0x3F95];
	s0 =	simm.s32 @p1 $0x1  }
0x15: {  	[smem:$0x3FB2] =	sst s0;
	s0 =	simm.s32 @!p2 $0x0  }
0x16: {  	s3 =	sld [smem:$0x3FDB];
	s0 =	simm.s32 @p2 $0x1  }
0x17: {  	s4 =	simm.s32 $0x1BF5;
	[smem:$0x3FB4] =	sst s0  }
0x18: {  	s0 =	sld [smem:$0x3F97];
	_ =	swait.ge [sflag:s4], $0x0  }
0x19: {  	s7 =	sld [smem:$0x3F98]  }
0x1a: {  	s8 =	sadd.s32 $0xFFFFE003, lr  }
0x1b: {  	s9 =	sadd.s32 $0xFFFFFEF7, lr;
	s5 =	simm.s32 $0xFFFFFFFF;
	p2 =	slt.u32 s8, $0xFFFFF086  }
0x1c: {  	p1 =	slt.u32 s9, $0xF7A;
	s5 =	simm.s32 @!p2 $0x0  }
0x1d: {  	s5 =	simm.s32 @p1 $0x1;
	p0 =	seq.s32 s7, s2  }
0x1e: {  	s7 =	smul.u32 @!p0 $0xF7A, s2;
	p2 =	seq.s32 @!p0 s5, $0x0  }
0x1f: {  	s9 =	smul.u32 $0xF7A, s1;
	s8 =	simm.s32 @!p0 $0x1BF5;
	p2 =	por !p2, p0  }
0x20: {  	[sflag:s8] =	ssyncset.s32 @!p0 $0xFFFFF086;
	s6 =	sadd.s32 @!p0 s3, s7;
	s7 =	simm.s32 @!p0 $0x108  }
0x21: {  	s3 =	sadd.s32 s3, s9;
	s6 =	sadd.s32 @!p0 $0x88, s6;
	s7 =	simm.s32 @p2 $0x1082  }
0x22: {  	[simem:s7], [sflag:s8] =	dma.local @!p0 [hbm:s6], $0xF7A  }
0x23: {  	s9 =	sor.u32 $0xD0000000, s2;
	s6 =	simm.s32 $0x108;
	_ =	swait.ge @!p0 [sflag:s8], $0x0  }
0x24: {  	s3 =	sadd.s32 $0x88, s3;
	s6 =	simm.s32 @!p1 $0x1082;
	[sflag:s4] =	ssyncset.s32 $0xFFFFF086  }
0x25: {  	[simem:s6], [sflag:s4] =	dma.local [hbm:s3], $0xF7A  }
0x26: {  	[smem:$0x3F98] =	sst s1;
	(tag) =	ssettag s2;
	_ =	strace s9  }
0x27: {  	s1 =	sld [smem:$0x3FA8]  }
0x28: {  	s2 =	sld [smem:$0x3FA9]  }
0x29: {  	s4 =	sld [smem:$0x3FAB]  }
0x2a: {  	p0 =	seq.s32 s5, $0x0;
	s5 =	sld [smem:$0x3FAC]  }
0x2b: {  	s6 =	sld [smem:$0x3FAD]  }
0x2c: {  	s7 =	sld [smem:$0x3FAE]  }
0x2d: {  	s3 =	simm.s32 $0x108;
	s8 =	sld [smem:$0x3FAF]  }
0x2e: {  	s3 =	simm.s32 @!p0 $0x1082;
	s9 =	sld [smem:$0x3FB0]  }
0x2f: {  	lr =	sadd.s32 s0, s3;
	s0 =	sld [smem:$0x3FA7]  }
0x30: {  	s3 =	sld [smem:$0x3FAA]  }
0x31: {  	[smem:$0x3FB3] =	sst s10  }
0x32: {  	s10 =	sld [smem:$0x3FB1];
	_ =	sdelay $0x3  }
0x33: {  	p0 =	seq.s32 s10, $0x1;
	s10 =	sld [smem:$0x3FB3];
	_ =	sdelay $0x3  }
0x34: {  	[smem:$0x3FB3] =	sst s10  }
0x35: {  	s10 =	sld [smem:$0x3FB2];
	_ =	sdelay $0x3  }
0x36: {  	p1 =	seq.s32 s10, $0x1;
	s10 =	sld [smem:$0x3FB3];
	_ =	sdelay $0x3  }
0x37: {  	[smem:$0x3FB3] =	sst s10  }
0x38: {  	s10 =	sld [smem:$0x3FB4]  }
0x39: {  	_ = 	snop;
	(pc) =	sbr.ind lr, $3  }
0x3a: {  	_ = 	snop  }
0x3b: {  	_ = 	snop  }
0x3c: {  	p2 =	seq.s32 s10, $0x1;
	s10 =	sld [smem:$0x3FB3]  }
0x3d: {  	_ =	shalt  }
0x3e: {  	_ =	shalt  }
0x3f: {  	_ =	shalt  }
0x40: {  	_ =	shalt  }
0x41: {  	_ =	shalt  }
0x42: {  	_ =	shalt  }
0x43: {  	_ =	shalt  }
0x44: {  	_ =	shalt  }
0x45: {  	_ =	shalt  }
0x46: {  	_ =	shalt  }
0x47: {  	_ =	shalt  }
0x48: {  	_ =	shalt  }
0x49: {  	_ =	shalt  }
0x4a: {  	_ =	shalt  }
0x4b: {  	_ =	shalt  }
0x4c: {  	_ =	shalt  }
0x4d: {  	_ =	shalt  }
0x4e: {  	_ =	shalt  }
0x4f: {  	_ =	shalt  }
0x50: {  	_ =	shalt  }
0x51: {  	_ =	shalt  }
0x52: {  	_ =	shalt  }
0x53: {  	_ =	shalt  }
0x54: {  	_ =	shalt  }
0x55: {  	_ =	shalt  }
0x56: {  	_ =	shalt  }
0x57: {  	_ =	shalt  }
0x58: {  	_ =	shalt  }
0x59: {  	_ =	shalt  }
0x5a: {  	_ =	shalt  }
0x5b: {  	_ =	shalt  }
0x5c: {  	_ =	shalt  }
0x5d: {  	_ =	shalt  }
0x5e: {  	_ =	shalt  }
0x5f: {  	_ =	shalt  }
0x60: {  	_ =	shalt  }
0x61: {  	_ =	shalt  }
0x62: {  	_ =	shalt  }
0x63: {  	_ =	shalt  }
0x64: {  	_ =	shalt  }
0x65: {  	_ =	shalt  }
0x66: {  	_ =	shalt  }
0x67: {  	_ =	shalt  }
0x68: {  	_ =	shalt  }
0x69: {  	_ =	shalt  }
0x6a: {  	_ =	shalt  }
0x6b: {  	_ =	shalt  }
0x6c: {  	_ =	shalt  }
0x6d: {  	_ =	shalt  }
0x6e: {  	_ =	shalt  }
0x6f: {  	_ =	shalt  }
0x70: {  	_ =	shalt  }
0x71: {  	_ =	shalt  }
0x72: {  	_ =	shalt  }
0x73: {  	_ =	shalt  }
0x74: {  	_ =	shalt  }
0x75: {  	_ =	shalt  }
0x76: {  	_ =	shalt  }
0x77: {  	_ =	shalt  }
0x78: {  	_ =	shalt  }
0x79: {  	_ =	shalt  }
0x7a: {  	_ =	shalt  }
0x7b: {  	_ =	shalt  }
0x7c: {  	_ =	shalt  }
0x7d: {  	_ =	shalt  }
0x7e: {  	_ =	shalt  }
0x7f: {  	_ =	shalt  }
0x80: {  	_ =	shalt  }
0x81: {  	_ =	shalt  }
0x82: {  	_ =	shalt  }
0x83: {  	_ =	shalt  }
0x84: {  	_ =	shalt  }
0x85: {  	_ =	shalt  }
0x86: {  	_ =	shalt  }
0x87: {  	_ =	shalt  }
.Lfunc_end0:
.L_simem_size_0:
called_computation_lowered:
.L_overlay_start_0:
0x88: {  	s2 =	sld [smem:$0x3FD9]  }
0x89: {  	s3 =	sld [smem:$0x3FFE];
	_ =	sdelay $0x1  }
0x8a: {  	s1 =	srdreg.scid  }
0x8b: {  	s0 =	sand.u32 $0x1, s1  }
0x8c: {  	s16 =	sshll.u32 s0, $0xA;
	s2 =	sadd.s32 s3, s2  }
0x8d: {  	s2 =	sadd.s32 s2, s16  }
0x8e: {  	[smem:$0x3FBF] =	sst s2  }
0x8f: {  	_ = 	snop  }
0x90: {  	(tm) =	ssettm $0x1  }
0x91: {  	s17 =	sld [smem:$0x3FFB];
	_ =	sdelay $0x3  }
0x92: {  	_ =	strace s17  }
0x93: {  	s2 =	sld [smem:$0x3FFC];
	_ =	sdelay $0x3  }
0x94: {  	_ =	strace s2  }
0x95: {  	s2 =	sld [smem:$0x3FFD];
	_ =	sdelay $0x3  }
0x96: {  	_ =	strace s2  }
0x97: {  	_ =	strace $0x8FFFFFFF  }
0x98: {  	s18 =	sld [smem:$0x3FDB];
	_ =	sdelay $0x1  }
0x99: {  	s19 =	simm.s32 $_scs_section_size  }
0x9a: {  	s4 =	simm.s32 $_size__tile_overlayer_lowered;
	s5 =	simm.s32 $_tile_overlayer_lowered  }
0x9b: {  	s22 =	simm.s32 $0x1BFF;
	s21 =	sshll.u32 s5, $0x1;
	s2 =	sadd.s32 s19, s18  }
0x9c: {  	s6 =	simm.s32 $0x0;
	s20 =	sshll.u32 s4, $0x1;
	s4 =	sadd.s32 s21, s2  }
0x9d: {  	[timem:s6], [sflag:s22] =	dma.local [hbm:s4], s20  }
0x9e: {  	_ =	swait.ge [sflag:s22], s20  }
0x9f: {  	s3 =	ssub.s32 $0x0, s20;
	[sflag:s22] =	ssyncset.done $0x0  }
0xa0: {  	[sflag:s22] =	ssyncadd.s32 s3;
	_ =	sdelay $0x1  }
0xa1: {  	s23 =	simm.s32 $0x1B8B  }
0xa2: {  	_ =	swait.ge [sflag:s23], $0x1  }
0xa3: {  	[sflag:s23] =	ssyncset.done $0x0  }
0xa4: {  	s25 =	simm.s32 $0x1B8E;
	s24 =	sld [smem:$0x3FFE];
	[sflag:s23] =	ssyncadd.s32 $0xFFFFFFFF  }
0xa5: {  	s26 =	simm.s32 $execute0_lowered;
	[smem:$0x3FD2] =	sst s25  }
0xa6: {  	s4 =	sshll.u32 s26, $0x1;
	_ =	strace $0x80000046;
	[dreg:$0x1] =	wrdreg $0xFFFFFFFF  }
0xa7: {  	s28 =	simm.s32 $_size_execute0_lowered;
	s2 =	sadd.s32 s2, s4;
	[dreg:$0x0] =	wrdreg $0x0  }
0xa8: {  	s4 =	sshll.u32 s28, $0x1;
	[dreg:$0x2] =	wrdreg s2  }
0xa9: {  	[dreg:$0x3] =	wrdreg s4  }
0xaa: {  	[dreg:$0x4] =	wrdreg $0xC0  }
0xab: {  	_ =	task [dreg:s6], $0x5FFFF  }
0xac: {  	[dreg:$0x1] =	wrdreg $0xFFFFFFFF  }
0xad: {  	[dreg:$0x0] =	wrdreg $0x60  }
0xae: {  	[dreg:$0x2] =	wrdreg s24  }
0xaf: {  	[dreg:$0x3] =	wrdreg $0x29000  }
0xb0: {  	[dreg:$0x4] =	wrdreg $0x9  }
0xb1: {  	_ =	task.clear_ibuf [dreg:s6], $0x5FFFF;
	_ =	strace $0x90000046  }
0xb2: {  	s29 =	simm.s32 $0x9;
	_ =	strace $0x80000048  }
0xb3: {  	_ =	swait.ge [sflag:s29], $0x1  }
0xb4: {  	[sflag:s29] =	ssyncadd.s32 $0xFFFFFFFF  }
0xb5: {  	_ =	strace $0x90000048  }
0xb6: {  	_ =	sfence  }
0xb7: {  	s30 =	sld [smem:$0x0];
	_ =	sdelay $0x2  }
0xb8: {  	s31 =	sshll.u32 s1, $0xD;
	s1 =	sshrl.u32 s1, $0x2  }
0xb9: {  	s3 =	sand.u32 $0x4000, s31;
	s1 =	sadd.s32 s1, s30  }
0xba: {  	s0 =	sor.u32 s3, s0;
	s1 =	sshll.u32 s1, $0x11  }
0xbb: {  	s0 =	sor.u32 s1, s0  }
0xbc: {  	s0 =	sadd.s32 $0x8F2B, s0  }
0xbd: {  	[sflag:s0] =	ssyncadd.remote.s32 $0x1  }
0xbe: {  	_ =	sfence.sel $0xFFFF  }
0xbf: {  	[dreg:$0x0] =	wrdreg $0xFFFFFFFF;
	(pc) =	sbr.abs _section_cstart, $3  }
0xc0: {  	[dreg:$0x1] =	wrdreg $0xFFFFFFFF  }
0xc1: {  	_ =	task.clear_ibuf [dreg:s6], $0x2FFFF;
	_ =	strace $0x9FFFFFFF  }
0xc2: {  	(tm) =	ssettm $0x7FFFFFFF  }
0xc3: {  	_ =	shalt  }
tec
execute0_lowered:
.L_overlay_start_1:
0x0: {  	(tag) =	ssettag $0x1  }
0x1: {  	s5 =	rddreg [dreg:$0x0]  }
0x2: {  	s0 =	srdreg.scid;
	s2 =	rddreg [dreg:$0x1]  }
0x3: {  	s3 =	simm.s32 $0x0;
	s17 =	simm.s32 $0x2880;
	s18 =	simm.s32 $0x1  }
0x4: {  	s19 =	simm.s32 $0x40;
	s20 =	simm.s32 $0x2800;
	s4 =	sand.u32 $0x1, s0  }
0x5: {  	s23 =	simm.s32 $0x0;
	s0 =	stileid.u32;
	s7 =	smul.u32 $0x2800, s4  }
0x6: {  	[smem:$0x7FF] =	sst s3;
	s1 =	sshll.u32 s4, $0x4;
	s8 =	smul.u32 $0x280, s0  }
0x7: {  	s9 =	smul.u32 $0xA00, s0;
	s4 =	ssub.s32 $0x2, s4;
	s21 =	sshll.u32 s0, $0x6  }
0x8: {  	s1 =	sor.u32 s0, s1;
	s10 =	sshrl.u32 s4, $0x1;
	s21 =	sor.u32 $0x1C01, s21  }
0x9: {  	s6 =	smul.u32 $0x500, s1;
	s1 =	rddreg [dreg:$0x2];
	_ =	strace $0x80000047  }
0xa: {  	s7 =	sadd.s32 s8, s7;
	s9 =	sshrl.u32 s9, $0x2;
	s10 =	ssub.s32 s4, s10  }
0xb: {  	s22 =	sadd.s32 s8, s2;
	s7 =	sshrl.u32 s7, $0x3;
	s4 =	sadd.s32 s9, s2  }
0xc: {  	s22 =	sshrl.u32 s22, $0x3;
	s6 =	sadd.s32 s6, s5;
	s7 =	sadd.s32 s7, s5  }
0xd: {  	s8 =	sadd.s32 $0x40, s4;
	s9 =	sadd.s32 $0x80, s4;
	s11 =	sadd.s32 $0x100, s4  }
0xe: {  	s12 =	sadd.s32 $0x140, s4;
	s13 =	sadd.s32 $0x180, s4;
	s14 =	sadd.s32 $0x1C0, s4  }
0xf: {  	s15 =	sadd.s32 $0x200, s4;
	s16 =	sadd.s32 $0x240, s4;
	s5 =	sadd.s32 $0x2600, s6  }
0x10: {  	v0 =	vimm.f32 $1.000000000e+00;
	v1 =	vimm.f32 $0.0e+00;
	s6 =	sadd.s32 $0xC600, s7;
	s7 =	smax.u32 s10, $0x1;
	s10 =	sadd.s32 $0xC0, s4  }
.LBB2_1:
0x11: {  	[tilespmem:$0x2800] =	vst v0  }
0x12: {  	[tilespmem:$0x2880] =	vst v1  }
0x13: {  	[tilespmem:$0x2810] =	vst v0  }
0x14: {  	[tilespmem:$0x2890] =	vst v1  }
0x15: {  	[tilespmem:$0x2820] =	vst v0  }
0x16: {  	[tilespmem:$0x28A0] =	vst v1  }
0x17: {  	[tilespmem:$0x2830] =	vst v0  }
0x18: {  	[tilespmem:$0x28B0] =	vst v1  }
0x19: {  	[spmem:s4] =	stream.linear.scatter [tilespmem:s17], [sflag:$0x1], $0x40, $0x38;
	[tilespmem:$0x2B80] =	vst v63  }
0x1a: {  	_ =	swait.ge [sflag:s18], $0x40  }
0x1b: {  	[sflag:s18] =	ssyncset.done $0x0  }
0x1c: {  	[sflag:s18] =	ssyncadd.s32 $0xFFFFFFC0  }
0x1d: {  	[spmem:s8] =	stream.linear.scatter [tilespmem:s17], [sflag:$0x1], $0x40, $0x38;
	[tilespmem:$0x2B80] =	vst v63  }
0x1e: {  	_ =	swait.ge [sflag:s18], $0x40  }
0x1f: {  	[sflag:s18] =	ssyncset.done $0x0  }
0x20: {  	[sflag:s18] =	ssyncadd.s32 $0xFFFFFFC0  }
0x21: {  	[spmem:s9] =	stream.linear.scatter [tilespmem:s17], [sflag:$0x1], $0x40, $0x38;
	[tilespmem:$0x2B80] =	vst v63  }
0x22: {  	_ =	swait.ge [sflag:s18], $0x40  }
0x23: {  	[sflag:s18] =	ssyncset.done $0x0  }
0x24: {  	[sflag:s18] =	ssyncadd.s32 $0xFFFFFFC0  }
0x25: {  	[spmem:s10] =	stream.linear.scatter [tilespmem:s17], [sflag:$0x1], $0x40, $0x38;
	[tilespmem:$0x2B80] =	vst v63  }
0x26: {  	_ =	swait.ge [sflag:s18], $0x40  }
0x27: {  	[sflag:s18] =	ssyncset.done $0x0  }
0x28: {  	[sflag:s18] =	ssyncadd.s32 $0xFFFFFFC0  }
0x29: {  	[spmem:s11] =	stream.linear.scatter [tilespmem:s17], [sflag:$0x1], $0x40, $0x38;
	[tilespmem:$0x2B80] =	vst v63  }
0x2a: {  	_ =	swait.ge [sflag:s18], $0x40  }
0x2b: {  	[sflag:s18] =	ssyncset.done $0x0  }
0x2c: {  	[sflag:s18] =	ssyncadd.s32 $0xFFFFFFC0  }
0x2d: {  	[spmem:s12] =	stream.linear.scatter [tilespmem:s17], [sflag:$0x1], $0x40, $0x38;
	[tilespmem:$0x2B80] =	vst v63  }
0x2e: {  	_ =	swait.ge [sflag:s18], $0x40  }
0x2f: {  	[sflag:s18] =	ssyncset.done $0x0  }
0x30: {  	[sflag:s18] =	ssyncadd.s32 $0xFFFFFFC0  }
0x31: {  	[spmem:s13] =	stream.linear.scatter [tilespmem:s17], [sflag:$0x1], $0x40, $0x38;
	[tilespmem:$0x2B80] =	vst v63  }
0x32: {  	_ =	swait.ge [sflag:s18], $0x40  }
0x33: {  	[sflag:s18] =	ssyncset.done $0x0  }
0x34: {  	[sflag:s18] =	ssyncadd.s32 $0xFFFFFFC0  }
0x35: {  	[spmem:s14] =	stream.linear.scatter [tilespmem:s17], [sflag:$0x1], $0x40, $0x38;
	[tilespmem:$0x2B80] =	vst v63  }
0x36: {  	_ =	swait.ge [sflag:s18], $0x40  }
0x37: {  	[sflag:s18] =	ssyncset.done $0x0  }
0x38: {  	[sflag:s18] =	ssyncadd.s32 $0xFFFFFFC0  }
0x39: {  	[spmem:s15] =	stream.linear.scatter [tilespmem:s17], [sflag:$0x1], $0x40, $0x38;
	[tilespmem:$0x2B80] =	vst v63  }
0x3a: {  	_ =	swait.ge [sflag:s18], $0x40  }
0x3b: {  	[sflag:s18] =	ssyncset.done $0x0  }
0x3c: {  	[sflag:s18] =	ssyncadd.s32 $0xFFFFFFC0  }
0x3d: {  	[spmem:s16] =	stream.linear.scatter [tilespmem:s17], [sflag:$0x1], $0x40, $0x38;
	[tilespmem:$0x2B80] =	vst v63  }
0x3e: {  	_ =	swait.ge [sflag:s18], $0x40  }
0x3f: {  	[sflag:s18] =	ssyncset.done $0x0  }
0x40: {  	[sflag:s18] =	ssyncadd.s32 $0xFFFFFFC0  }
0x41: {  	[tilespmem:s3], [sflag:$0x1] =	stream.linear.gather [hbm4b:s5+s3], $0x2580, $0x38;
	[tilespmem:$0x2B80] =	vst v63  }
0x42: {  	_ =	swait.ge [sflag:s18], $0x2580  }
0x43: {  	[sflag:s18] =	ssyncset.done $0x0  }
0x44: {  	[sflag:s18] =	ssyncadd.s32 $0xFFFFDA80  }
0x45: {  	s24 =	simm.s32 $0x0;
	[bflag:$0x0] =	sbarrier.arrive $0xFFFF  }
0x46: {  	[spmem:s2] =	stream.indirect.scatter.add.f32 [tilespmem:s20], [sflag:$0x1], $0x1, s24, s19, $0xb8;
	[tilespmem:$0x2B80] =	vst v63  }
0x47: {  	_ =	swait.ge [sflag:s18], $0x40  }
0x48: {  	s24 =	simm.s32 $0x200;
	[sflag:s18] =	ssyncset.done $0x0  }
.LBB2_2:
0x49: {  	s25 =	sshra.s32 s24, $0x2;
	[sflag:s18] =	ssyncadd.s32 $0xFFFFFFC0;
	p0 =	sne.s32 s24, $0x9400  }
0x4a: {  	[spmem:s2] =	stream.indirect.scatter.add.f32 [tilespmem:s20], [sflag:$0x1], $0x1, s25, s19, $0xb8;
	[tilespmem:$0x2B80] =	vst v63  }
.Ltmp0:
0x4b: {  	_ = 	snop;
	(pc) =	sbr.rel @p0 .LBB2_2-.Ltmp0, $4  }
0x4c: {  	_ = 	snop  }
0x4d: {  	s24 =	sadd.s32 $0x200, s24  }
0x4e: {  	_ =	swait.ge [sflag:s18], $0x40  }
0x4f: {  	[sflag:s18] =	ssyncset.done $0x0  }
0x50: {  	s23 =	sadd.s32 $0x1, s23  }
0x51: {  	[sflag:s18] =	ssyncadd.s32 $0xFFFFFFC0;
	p0 =	sne.s32 s23, s7  }
.Ltmp1:
0x52: {  	[bflag:$0x0] =	sbarrier.arrive $0xFFFF;
	(pc) =	sbr.rel @p0 .LBB2_1-.Ltmp1, $4  }
0x53: {  	[hbm:s6], [sflag:s21] =	dma.local [spmem:s22], $0x50  }
0x54: {  	_ =	swait.ge [sflag:s18], $0x50  }
0x55: {  	[sflag:s18] =	ssyncset.done $0x0  }
0x56: {  	[sflag:s18] =	ssyncadd.s32 $0xFFFFFFB0  }
0x57: {  	_ =	sfence.sel $0x180000  }
0x58: {  	[bflag:$0x0] =	sbarrier.arrive $0xFFFF  }
0x59: {  	p0 =	sne.s32 s0, $0x0;
	_ =	strace $0x90000047  }
0x5a: {  	s0 =	sadd.s32 @!p0 $0x100000, s1;
	[bflag:$0x2] =	sbarrier.arrive $0xFFFF  }
0x5b: {  	[sflag:s0] =	ssyncadd.tile.s32 @!p0 $0x1;
	_ =	shalt  }
.Lfunc_end2:
_tile_overlayer_lowered:
.L_overlay_start_2:
0x5c: {  	(tag) =	ssettag $0x2  }
0x5d: {  	s0 =	rddreg [dreg:$0x0];
	s2 =	stileid.u32  }
0x5e: {  	s1 =	rddreg [dreg:$0x1];
	p0 =	sne.s32 s2, $0x0  }
0x5f: {  	s3 =	rddreg [dreg:$0x2];
	[bflag:$0x3] =	sbarrier.arrive $0xFFFF;
	s2 =	simm.s32 @!p0 $0x1C01  }
0x60: {  	[timem:s3], [sflag:s2] =	dma.local @!p0 [hbm:s0], s1  }
0x61: {  	s0 =	simm.s32 @!p0 $0x1  }
0x62: {  	_ =	swait.ge @!p0 [sflag:s0], s1  }
0x63: {  	s1 =	ssub.s32 @!p0 $0x0, s1;
	[sflag:s0] =	ssyncset.done @!p0 $0x0  }
0x64: {  	[sflag:s0] =	ssyncadd.s32 @!p0 s1  }
0x65: {  	[bflag:$0x3] =	sbarrier.arrive $0xFFFF  }
0x66: {  	_ =	shalt  }

// kernel: kernel.13.cloned.1.call-start
scs
__scs_entry_jumppad:
0x0: {  	(pc) =	sbr.rel $0x88, $3  }
0x1: {  	(tag) =	ssettag $0x0;
	lr =	simm.s32 $0x1  }
0x2: {  	[smem:$0x3F98] =	sst lr;
	_ =	strace $0xD0000000  }
0x3: {  	_ = 	snop  }
0x4: {  	_ = 	snop  }
0x5: {  	_ = 	snop  }
0x6: {  	_ = 	snop  }
0x7: {  	_ = 	snop  }
__scs_overlays_trampoline_lowered:
0x8: {  	[smem:$0x3FA7] =	sst s0  }
0x9: {  	[smem:$0x3FA8] =	sst s1  }
0xa: {  	[smem:$0x3FA9] =	sst s2  }
0xb: {  	[smem:$0x3FAA] =	sst s3  }
0xc: {  	[smem:$0x3FAB] =	sst s4  }
0xd: {  	[smem:$0x3FAC] =	sst s5  }
0xe: {  	[smem:$0x3FAD] =	sst s6  }
0xf: {  	[smem:$0x3FAE] =	sst s7  }
0x10: {  	[smem:$0x3FAF] =	sst s8  }
0x11: {  	[smem:$0x3FB0] =	sst s9;
	s0 =	simm.s32 @!p0 $0x0  }
0x12: {  	s1 =	sld [smem:$0x3F96];
	s0 =	simm.s32 @p0 $0x1  }
0x13: {  	[smem:$0x3FB1] =	sst s0;
	s0 =	simm.s32 @!p1 $0x0  }
0x14: {  	s2 =	sld [smem:$0x3F95];
	s0 =	simm.s32 @p1 $0x1  }
0x15: {  	[smem:$0x3FB2] =	sst s0;
	s0 =	simm.s32 @!p2 $0x0  }
0x16: {  	s3 =	sld [smem:$0x3FDB];
	s0 =	simm.s32 @p2 $0x1  }
0x17: {  	s4 =	simm.s32 $0x1BF5;
	[smem:$0x3FB4] =	sst s0  }
0x18: {  	s0 =	sld [smem:$0x3F97];
	_ =	swait.ge [sflag:s4], $0x0  }
0x19: {  	s7 =	sld [smem:$0x3F98]  }
0x1a: {  	s8 =	sadd.s32 $0xFFFFE003, lr  }
0x1b: {  	s9 =	sadd.s32 $0xFFFFFEF7, lr;
	s5 =	simm.s32 $0xFFFFFFFF;
	p2 =	slt.u32 s8, $0xFFFFF086  }
0x1c: {  	p1 =	slt.u32 s9, $0xF7A;
	s5 =	simm.s32 @!p2 $0x0  }
0x1d: {  	s5 =	simm.s32 @p1 $0x1;
	p0 =	seq.s32 s7, s2  }
0x1e: {  	s7 =	smul.u32 @!p0 $0xF7A, s2;
	p2 =	seq.s32 @!p0 s5, $0x0  }
0x1f: {  	s9 =	smul.u32 $0xF7A, s1;
	s8 =	simm.s32 @!p0 $0x1BF5;
	p2 =	por !p2, p0  }
0x20: {  	[sflag:s8] =	ssyncset.s32 @!p0 $0xFFFFF086;
	s6 =	sadd.s32 @!p0 s3, s7;
	s7 =	simm.s32 @!p0 $0x108  }
0x21: {  	s3 =	sadd.s32 s3, s9;
	s6 =	sadd.s32 @!p0 $0x88, s6;
	s7 =	simm.s32 @p2 $0x1082  }
0x22: {  	[simem:s7], [sflag:s8] =	dma.local @!p0 [hbm:s6], $0xF7A  }
0x23: {  	s9 =	sor.u32 $0xD0000000, s2;
	s6 =	simm.s32 $0x108;
	_ =	swait.ge @!p0 [sflag:s8], $0x0  }
0x24: {  	s3 =	sadd.s32 $0x88, s3;
	s6 =	simm.s32 @!p1 $0x1082;
	[sflag:s4] =	ssyncset.s32 $0xFFFFF086  }
0x25: {  	[simem:s6], [sflag:s4] =	dma.local [hbm:s3], $0xF7A  }
0x26: {  	[smem:$0x3F98] =	sst s1;
	(tag) =	ssettag s2;
	_ =	strace s9  }
0x27: {  	s1 =	sld [smem:$0x3FA8]  }
0x28: {  	s2 =	sld [smem:$0x3FA9]  }
0x29: {  	s4 =	sld [smem:$0x3FAB]  }
0x2a: {  	p0 =	seq.s32 s5, $0x0;
	s5 =	sld [smem:$0x3FAC]  }
0x2b: {  	s6 =	sld [smem:$0x3FAD]  }
0x2c: {  	s7 =	sld [smem:$0x3FAE]  }
0x2d: {  	s3 =	simm.s32 $0x108;
	s8 =	sld [smem:$0x3FAF]  }
0x2e: {  	s3 =	simm.s32 @!p0 $0x1082;
	s9 =	sld [smem:$0x3FB0]  }
0x2f: {  	lr =	sadd.s32 s0, s3;
	s0 =	sld [smem:$0x3FA7]  }
0x30: {  	s3 =	sld [smem:$0x3FAA]  }
0x31: {  	[smem:$0x3FB3] =	sst s10  }
0x32: {  	s10 =	sld [smem:$0x3FB1];
	_ =	sdelay $0x3  }
0x33: {  	p0 =	seq.s32 s10, $0x1;
	s10 =	sld [smem:$0x3FB3];
	_ =	sdelay $0x3  }
0x34: {  	[smem:$0x3FB3] =	sst s10  }
0x35: {  	s10 =	sld [smem:$0x3FB2];
	_ =	sdelay $0x3  }
0x36: {  	p1 =	seq.s32 s10, $0x1;
	s10 =	sld [smem:$0x3FB3];
	_ =	sdelay $0x3  }
0x37: {  	[smem:$0x3FB3] =	sst s10  }
0x38: {  	s10 =	sld [smem:$0x3FB4]  }
0x39: {  	_ = 	snop;
	(pc) =	sbr.ind lr, $3  }
0x3a: {  	_ = 	snop  }
0x3b: {  	_ = 	snop  }
0x3c: {  	p2 =	seq.s32 s10, $0x1;
	s10 =	sld [smem:$0x3FB3]  }
0x3d: {  	_ =	shalt  }
0x3e: {  	_ =	shalt  }
0x3f: {  	_ =	shalt  }
0x40: {  	_ =	shalt  }
0x41: {  	_ =	shalt  }
0x42: {  	_ =	shalt  }
0x43: {  	_ =	shalt  }
0x44: {  	_ =	shalt  }
0x45: {  	_ =	shalt  }
0x46: {  	_ =	shalt  }
0x47: {  	_ =	shalt  }
0x48: {  	_ =	shalt  }
0x49: {  	_ =	shalt  }
0x4a: {  	_ =	shalt  }
0x4b: {  	_ =	shalt  }
0x4c: {  	_ =	shalt  }
0x4d: {  	_ =	shalt  }
0x4e: {  	_ =	shalt  }
0x4f: {  	_ =	shalt  }
0x50: {  	_ =	shalt  }
0x51: {  	_ =	shalt  }
0x52: {  	_ =	shalt  }
0x53: {  	_ =	shalt  }
0x54: {  	_ =	shalt  }
0x55: {  	_ =	shalt  }
0x56: {  	_ =	shalt  }
0x57: {  	_ =	shalt  }
0x58: {  	_ =	shalt  }
0x59: {  	_ =	shalt  }
0x5a: {  	_ =	shalt  }
0x5b: {  	_ =	shalt  }
0x5c: {  	_ =	shalt  }
0x5d: {  	_ =	shalt  }
0x5e: {  	_ =	shalt  }
0x5f: {  	_ =	shalt  }
0x60: {  	_ =	shalt  }
0x61: {  	_ =	shalt  }
0x62: {  	_ =	shalt  }
0x63: {  	_ =	shalt  }
0x64: {  	_ =	shalt  }
0x65: {  	_ =	shalt  }
0x66: {  	_ =	shalt  }
0x67: {  	_ =	shalt  }
0x68: {  	_ =	shalt  }
0x69: {  	_ =	shalt  }
0x6a: {  	_ =	shalt  }
0x6b: {  	_ =	shalt  }
0x6c: {  	_ =	shalt  }
0x6d: {  	_ =	shalt  }
0x6e: {  	_ =	shalt  }
0x6f: {  	_ =	shalt  }
0x70: {  	_ =	shalt  }
0x71: {  	_ =	shalt  }
0x72: {  	_ =	shalt  }
0x73: {  	_ =	shalt  }
0x74: {  	_ =	shalt  }
0x75: {  	_ =	shalt  }
0x76: {  	_ =	shalt  }
0x77: {  	_ =	shalt  }
0x78: {  	_ =	shalt  }
0x79: {  	_ =	shalt  }
0x7a: {  	_ =	shalt  }
0x7b: {  	_ =	shalt  }
0x7c: {  	_ =	shalt  }
0x7d: {  	_ =	shalt  }
0x7e: {  	_ =	shalt  }
0x7f: {  	_ =	shalt  }
0x80: {  	_ =	shalt  }
0x81: {  	_ =	shalt  }
0x82: {  	_ =	shalt  }
0x83: {  	_ =	shalt  }
0x84: {  	_ =	shalt  }
0x85: {  	_ =	shalt  }
0x86: {  	_ =	shalt  }
0x87: {  	_ =	shalt  }
.Lfunc_end0:
.L_simem_size_0:
called_computation.1_lowered:
.L_overlay_start_0:
0x88: {  	s2 =	sld [smem:$0x3FD9]  }
0x89: {  	s3 =	sld [smem:$0x3FFE];
	_ =	sdelay $0x1  }
0x8a: {  	s1 =	srdreg.scid  }
0x8b: {  	s0 =	sand.u32 $0x1, s1  }
0x8c: {  	s16 =	sshll.u32 s0, $0xA;
	s2 =	sadd.s32 s3, s2  }
0x8d: {  	s2 =	sadd.s32 s2, s16  }
0x8e: {  	[smem:$0x3FBF] =	sst s2  }
0x8f: {  	_ = 	snop  }
0x90: {  	(tm) =	ssettm $0x1  }
0x91: {  	s17 =	sld [smem:$0x3FFB];
	_ =	sdelay $0x3  }
0x92: {  	_ =	strace s17  }
0x93: {  	s2 =	sld [smem:$0x3FFC];
	_ =	sdelay $0x3  }
0x94: {  	_ =	strace s2  }
0x95: {  	s2 =	sld [smem:$0x3FFD];
	_ =	sdelay $0x3  }
0x96: {  	_ =	strace s2  }
0x97: {  	_ =	strace $0x8FFFFFFF  }
0x98: {  	s18 =	sld [smem:$0x3FDB];
	_ =	sdelay $0x1  }
0x99: {  	s19 =	simm.s32 $_scs_section_size  }
0x9a: {  	s4 =	simm.s32 $_size__tile_overlayer_lowered;
	s5 =	simm.s32 $_tile_overlayer_lowered  }
0x9b: {  	s22 =	simm.s32 $0x1BFF;
	s21 =	sshll.u32 s5, $0x1;
	s2 =	sadd.s32 s19, s18  }
0x9c: {  	s6 =	simm.s32 $0x0;
	s20 =	sshll.u32 s4, $0x1;
	s4 =	sadd.s32 s21, s2  }
0x9d: {  	[timem:s6], [sflag:s22] =	dma.local [hbm:s4], s20  }
0x9e: {  	_ =	swait.ge [sflag:s22], s20  }
0x9f: {  	s3 =	ssub.s32 $0x0, s20;
	[sflag:s22] =	ssyncset.done $0x0  }
0xa0: {  	[sflag:s22] =	ssyncadd.s32 s3;
	_ =	sdelay $0x1  }
0xa1: {  	s23 =	simm.s32 $0x1B8B  }
0xa2: {  	_ =	swait.ge [sflag:s23], $0x1  }
0xa3: {  	[sflag:s23] =	ssyncset.done $0x0  }
0xa4: {  	s25 =	simm.s32 $0x1B8E;
	s24 =	sld [smem:$0x3FFE];
	[sflag:s23] =	ssyncadd.s32 $0xFFFFFFFF  }
0xa5: {  	s26 =	simm.s32 $execute0_lowered;
	[smem:$0x3FD2] =	sst s25  }
0xa6: {  	s4 =	sshll.u32 s26, $0x1;
	_ =	strace $0x80000049;
	[dreg:$0x1] =	wrdreg $0xFFFFFFFF  }
0xa7: {  	s28 =	simm.s32 $_size_execute0_lowered;
	s2 =	sadd.s32 s2, s4;
	[dreg:$0x0] =	wrdreg $0x0  }
0xa8: {  	s4 =	sshll.u32 s28, $0x1;
	[dreg:$0x2] =	wrdreg s2  }
0xa9: {  	[dreg:$0x3] =	wrdreg s4  }
0xaa: {  	[dreg:$0x4] =	wrdreg $0xC0  }
0xab: {  	_ =	task [dreg:s6], $0x5FFFF  }
0xac: {  	[dreg:$0x1] =	wrdreg $0xFFFFFFFF  }
0xad: {  	[dreg:$0x0] =	wrdreg $0x60  }
0xae: {  	[dreg:$0x2] =	wrdreg s24  }
0xaf: {  	[dreg:$0x3] =	wrdreg $0xB0000  }
0xb0: {  	[dreg:$0x4] =	wrdreg $0x9  }
0xb1: {  	_ =	task.clear_ibuf [dreg:s6], $0x5FFFF;
	_ =	strace $0x90000049  }
0xb2: {  	s29 =	simm.s32 $0x9;
	_ =	strace $0x8000004B  }
0xb3: {  	_ =	swait.ge [sflag:s29], $0x1  }
0xb4: {  	[sflag:s29] =	ssyncadd.s32 $0xFFFFFFFF  }
0xb5: {  	_ =	strace $0x9000004B  }
0xb6: {  	_ =	sfence  }
0xb7: {  	s30 =	sld [smem:$0x0];
	_ =	sdelay $0x2  }
0xb8: {  	s31 =	sshll.u32 s1, $0xD;
	s1 =	sshrl.u32 s1, $0x2  }
0xb9: {  	s3 =	sand.u32 $0x4000, s31;
	s1 =	sadd.s32 s1, s30  }
0xba: {  	s0 =	sor.u32 s3, s0;
	s1 =	sshll.u32 s1, $0x11  }
0xbb: {  	s0 =	sor.u32 s1, s0  }
0xbc: {  	s0 =	sadd.s32 $0x8F2B, s0  }
0xbd: {  	[sflag:s0] =	ssyncadd.remote.s32 $0x1  }
0xbe: {  	_ =	sfence.sel $0xFFFF  }
0xbf: {  	[dreg:$0x0] =	wrdreg $0xFFFFFFFF;
	(pc) =	sbr.abs _section_cstart, $3  }
0xc0: {  	[dreg:$0x1] =	wrdreg $0xFFFFFFFF  }
0xc1: {  	_ =	task.clear_ibuf [dreg:s6], $0x2FFFF;
	_ =	strace $0x9FFFFFFF  }
0xc2: {  	(tm) =	ssettm $0x7FFFFFFF  }
0xc3: {  	_ =	shalt  }
tec
execute0_lowered:
.L_overlay_start_1:
0x0: {  	(tag) =	ssettag $0x1  }
0x1: {  	s0 =	srdreg.scid  }
0x2: {  	s4 =	stileid.u32;
	s5 =	rddreg [dreg:$0x0]  }
0x3: {  	s2 =	rddreg [dreg:$0x1];
	s3 =	simm.s32 $0x0;
	s19 =	simm.s32 $0x5000  }
0x4: {  	s20 =	simm.s32 $0x4;
	s22 =	simm.s32 $0x40;
	s24 =	simm.s32 $0x7000  }
0x5: {  	s25 =	simm.s32 $0x9000;
	s26 =	simm.s32 $0x1;
	s28 =	simm.s32 $0x2  }
0x6: {  	s29 =	simm.s32 $0x3;
	s0 =	sand.u32 $0x1, s0;
	s7 =	smul.u32 $0x2800, s4  }
0x7: {  	[smem:$0x7FF] =	sst s3;
	s8 =	smul.u32 $0x50000, s4;
	s1 =	sshll.u32 s0, $0x4  }
0x8: {  	s6 =	smul.u32 $0x28000, s0;
	_ =	strace $0x8000004A;
	s1 =	sor.u32 s4, s1  }
0x9: {  	s0 =	ssub.s32 $0x2, s0;
	s4 =	sadd.s32 $0x17000, s5;
	s1 =	smul.u32 $0x500, s1  }
0xa: {  	s31 =	sshrl.u32 s0, $0x1;
	s8 =	sshrl.u32 s8, $0x2;
	s6 =	sadd.s32 s7, s6  }
0xb: {  	s0 =	ssub.s32 s0, s31;
	s9 =	sadd.s32 s6, s5;
	s1 =	sadd.s32 s1, s5  }
0xc: {  	s5 =	sadd.s32 s8, s2;
	s8 =	sadd.s32 $0x3F000, s9;
	s9 =	smax.u32 s0, $0x1  }
0xd: {  	s0 =	simm.s32 $0x4D00;
	s6 =	sadd.s32 $0xD000, s1;
	s7 =	sadd.s32 $0x2600, s1  }
0xe: {  	s10 =	sadd.s32 $0x2000, s5;
	s11 =	sadd.s32 $0x4000, s5;
	s12 =	sadd.s32 $0x6000, s5  }
0xf: {  	s13 =	sadd.s32 $0x8000, s5;
	s14 =	sadd.s32 $0xA000, s5;
	s15 =	sadd.s32 $0xC000, s5  }
0x10: {  	v0 =	vimm.f32 $0.0e+00;
	s16 =	sadd.s32 $0xE000, s5;
	s17 =	sadd.s32 $0x10000, s5;
	s18 =	sadd.s32 $0x12000, s5  }
.LBB2_1:
0x11: {  	s21 =	simm.s32 $0x0;
	s23 =	simm.s32 $0x200  }
.LBB2_2:
0x12: {  	p0 =	sne.s32 s23, $0x7E00;
	[tilespmem:s21+$0x5070] =	vst v0  }
0x13: {  	[tilespmem:s21+$0x5000] =	vst v0  }
0x14: {  	[tilespmem:s21+$0x5010] =	vst v0  }
.Ltmp0:
0x15: {  	[tilespmem:s21+$0x5020] =	vst v0;
	(pc) =	sbr.rel @p0 .LBB2_2-.Ltmp0, $4  }
0x16: {  	[tilespmem:s21+$0x5030] =	vst v0  }
0x17: {  	[tilespmem:s21+$0x5040] =	vst v0  }
0x18: {  	[tilespmem:s21+$0x5050] =	vst v0  }
0x19: {  	[tilespmem:s21+$0x5060] =	vst v0;
	s21 =	sshra.s32 s23, $0x2;
	s23 =	sadd.s32 $0x200, s23  }
0x1a: {  	[tilespmem:s21+$0x5070] =	vst v0  }
0x1b: {  	[tilespmem:s21+$0x5000] =	vst v0  }
0x1c: {  	[tilespmem:s21+$0x5010] =	vst v0  }
0x1d: {  	[tilespmem:s21+$0x5020] =	vst v0  }
0x1e: {  	[tilespmem:s21+$0x5030] =	vst v0  }
0x1f: {  	[tilespmem:s21+$0x5040] =	vst v0  }
0x20: {  	[tilespmem:s21+$0x5050] =	vst v0  }
0x21: {  	[tilespmem:s21+$0x5060] =	vst v0  }
0x22: {  	[spmem:s5] =	stream.linear.scatter [tilespmem:s19], [sflag:$0x4], $0x2000, $0x38;
	[tilespmem:$0x1F000] =	vst v63  }
0x23: {  	_ =	swait.ge [sflag:s20], $0x2000  }
0x24: {  	[sflag:s20] =	ssyncset.done $0x0  }
0x25: {  	[sflag:s20] =	ssyncadd.s32 $0xFFFFE000  }
0x26: {  	[spmem:s10] =	stream.linear.scatter [tilespmem:s19], [sflag:$0x4], $0x2000, $0x38;
	[tilespmem:$0x1F000] =	vst v63  }
0x27: {  	_ =	swait.ge [sflag:s20], $0x2000  }
0x28: {  	[sflag:s20] =	ssyncset.done $0x0  }
0x29: {  	[sflag:s20] =	ssyncadd.s32 $0xFFFFE000  }
0x2a: {  	[spmem:s11] =	stream.linear.scatter [tilespmem:s19], [sflag:$0x4], $0x2000, $0x38;
	[tilespmem:$0x1F000] =	vst v63  }
0x2b: {  	_ =	swait.ge [sflag:s20], $0x2000  }
0x2c: {  	[sflag:s20] =	ssyncset.done $0x0  }
0x2d: {  	[sflag:s20] =	ssyncadd.s32 $0xFFFFE000  }
0x2e: {  	[spmem:s12] =	stream.linear.scatter [tilespmem:s19], [sflag:$0x4], $0x2000, $0x38;
	[tilespmem:$0x1F000] =	vst v63  }
0x2f: {  	_ =	swait.ge [sflag:s20], $0x2000  }
0x30: {  	[sflag:s20] =	ssyncset.done $0x0  }
0x31: {  	[sflag:s20] =	ssyncadd.s32 $0xFFFFE000  }
0x32: {  	[spmem:s13] =	stream.linear.scatter [tilespmem:s19], [sflag:$0x4], $0x2000, $0x38;
	[tilespmem:$0x1F000] =	vst v63  }
0x33: {  	_ =	swait.ge [sflag:s20], $0x2000  }
0x34: {  	[sflag:s20] =	ssyncset.done $0x0  }
0x35: {  	[sflag:s20] =	ssyncadd.s32 $0xFFFFE000  }
0x36: {  	[spmem:s14] =	stream.linear.scatter [tilespmem:s19], [sflag:$0x4], $0x2000, $0x38;
	[tilespmem:$0x1F000] =	vst v63  }
0x37: {  	_ =	swait.ge [sflag:s20], $0x2000  }
0x38: {  	[sflag:s20] =	ssyncset.done $0x0  }
0x39: {  	[sflag:s20] =	ssyncadd.s32 $0xFFFFE000  }
0x3a: {  	[spmem:s15] =	stream.linear.scatter [tilespmem:s19], [sflag:$0x4], $0x2000, $0x38;
	[tilespmem:$0x1F000] =	vst v63  }
0x3b: {  	_ =	swait.ge [sflag:s20], $0x2000  }
0x3c: {  	[sflag:s20] =	ssyncset.done $0x0  }
0x3d: {  	[sflag:s20] =	ssyncadd.s32 $0xFFFFE000  }
0x3e: {  	[spmem:s16] =	stream.linear.scatter [tilespmem:s19], [sflag:$0x4], $0x2000, $0x38;
	[tilespmem:$0x1F000] =	vst v63  }
0x3f: {  	_ =	swait.ge [sflag:s20], $0x2000  }
0x40: {  	[sflag:s20] =	ssyncset.done $0x0  }
0x41: {  	[sflag:s20] =	ssyncadd.s32 $0xFFFFE000  }
0x42: {  	[spmem:s17] =	stream.linear.scatter [tilespmem:s19], [sflag:$0x4], $0x2000, $0x38;
	[tilespmem:$0x1F000] =	vst v63  }
0x43: {  	_ =	swait.ge [sflag:s20], $0x2000  }
0x44: {  	[sflag:s20] =	ssyncset.done $0x0  }
0x45: {  	[sflag:s20] =	ssyncadd.s32 $0xFFFFE000  }
0x46: {  	[spmem:s18] =	stream.linear.scatter [tilespmem:s19], [sflag:$0x4], $0x2000, $0x38;
	[tilespmem:$0x1F000] =	vst v63  }
0x47: {  	_ =	swait.ge [sflag:s20], $0x2000  }
0x48: {  	[sflag:s20] =	ssyncset.done $0x0  }
0x49: {  	s31 =	simm.s32 $0x0;
	[sflag:s20] =	ssyncadd.s32 $0xFFFFE000  }
0x4a: {  	[tilespmem:s31], [sflag:$0x4] =	stream.linear.gather [hbm4b:s6+s31], $0x2580, $0x38;
	[tilespmem:$0x1F000] =	vst v63  }
0x4b: {  	_ =	swait.ge [sflag:s20], $0x2580  }
0x4c: {  	[sflag:s20] =	ssyncset.done $0x0  }
0x4d: {  	s1 =	simm.s32 $0x2800;
	[sflag:s20] =	ssyncadd.s32 $0xFFFFDA80  }
0x4e: {  	[tilespmem:s1], [sflag:$0x4] =	stream.linear.gather [hbm4b:s7+s31], $0x2580, $0x38;
	[tilespmem:$0x1F000] =	vst v63  }
0x4f: {  	_ =	swait.ge [sflag:s20], $0x2580  }
0x50: {  	[sflag:s20] =	ssyncset.done $0x0  }
0x51: {  	[sflag:s20] =	ssyncadd.s32 $0xFFFFDA80  }
0x52: {  	[bflag:$0x0] =	sbarrier.arrive $0xFFFF  }
0x53: {  	[tilespmem:s19], [sflag:$0x1] =	stream.indirect.gather [hbm4b:s4+s22], $0x80, s31, s22, $0xb8;
	[tilespmem:$0x1F000] =	vst v63  }
0x54: {  	s23 =	simm.s32 $0x80  }
0x55: {  	[tilespmem:s24], [sflag:$0x2] =	stream.indirect.gather [hbm4b:s4+s22], $0x80, s23, s22, $0xb8;
	[tilespmem:$0x1F000] =	vst v63  }
0x56: {  	s30 =	simm.s32 $0x100  }
0x57: {  	[tilespmem:s25], [sflag:$0x3] =	stream.indirect.gather [hbm4b:s4+s22], $0x80, s30, s22, $0xb8;
	[tilespmem:$0x1F000] =	vst v63  }
0x58: {  	_ =	swait.ge [sflag:s26], $0x2000  }
0x59: {  	[sflag:s26] =	ssyncset.done $0x0  }
0x5a: {  	s31 =	simm.s32 $0x2800;
	[sflag:s26] =	ssyncadd.s32 $0xFFFFE000  }
0x5b: {  	[spmem:s2] =	stream.indirect.scatter.add.f32 [tilespmem:s19], [sflag:$0x4], $0x80, s31, s22, $0xb8;
	[tilespmem:$0x1F000] =	vst v63  }
0x5c: {  	_ =	swait.ge [sflag:s20], $0x2000  }
0x5d: {  	[sflag:s20] =	ssyncset.done $0x0  }
0x5e: {  	s1 =	simm.s32 $0x180;
	[sflag:s20] =	ssyncadd.s32 $0xFFFFE000  }
0x5f: {  	[tilespmem:s19], [sflag:$0x1] =	stream.indirect.gather [hbm4b:s4+s22], $0x80, s1, s22, $0xb8;
	[tilespmem:$0x1F000] =	vst v63  }
0x60: {  	_ =	swait.ge [sflag:s28], $0x2000  }
0x61: {  	[sflag:s28] =	ssyncset.done $0x0  }
0x62: {  	s23 =	simm.s32 $0x2880;
	[sflag:s28] =	ssyncadd.s32 $0xFFFFE000  }
0x63: {  	[spmem:s2] =	stream.indirect.scatter.add.f32 [tilespmem:s24], [sflag:$0x4], $0x80, s23, s22, $0xb8;
	[tilespmem:$0x1F000] =	vst v63  }
0x64: {  	_ =	swait.ge [sflag:s20], $0x2000  }
0x65: {  	[sflag:s20] =	ssyncset.done $0x0  }
0x66: {  	s30 =	simm.s32 $0x200;
	[sflag:s20] =	ssyncadd.s32 $0xFFFFE000  }
0x67: {  	[tilespmem:s24], [sflag:$0x2] =	stream.indirect.gather [hbm4b:s4+s22], $0x80, s30, s22, $0xb8;
	[tilespmem:$0x1F000] =	vst v63  }
0x68: {  	_ =	swait.ge [sflag:s29], $0x2000  }
0x69: {  	[sflag:s29] =	ssyncset.done $0x0  }
0x6a: {  	s31 =	simm.s32 $0x2900;
	[sflag:s29] =	ssyncadd.s32 $0xFFFFE000  }
0x6b: {  	[spmem:s2] =	stream.indirect.scatter.add.f32 [tilespmem:s25], [sflag:$0x4], $0x80, s31, s22, $0xb8;
	[tilespmem:$0x1F000] =	vst v63  }
0x6c: {  	_ =	swait.ge [sflag:s20], $0x2000  }
0x6d: {  	s21 =	simm.s32 $0x180;
	s23 =	simm.s32 $0xC00;
	[sflag:s20] =	ssyncset.done $0x0  }
.LBB2_4:
0x6e: {  	s30 =	sadd.s32 $0x100, s21  }
0x6f: {  	[sflag:s20] =	ssyncadd.s32 $0xFFFFE000;
	s31 =	smov.u32 s23;
	s1 =	sadd.s32 $0x600, s23  }
0x70: {  	[tilespmem:s25], [sflag:$0x3] =	stream.indirect.gather [hbm4b:s4+s22], $0x80, s30, s22, $0xb8;
	[tilespmem:$0x1F000] =	vst v63  }
0x71: {  	p0 =	sne.s32 s23, $0x8A00;
	_ =	swait.ge [sflag:s26], $0x2000  }
0x72: {  	[sflag:s26] =	ssyncset.done $0x0  }
0x73: {  	s23 =	sadd.s32 $0x2800, s21;
	[sflag:s26] =	ssyncadd.s32 $0xFFFFE000  }
0x74: {  	[spmem:s2] =	stream.indirect.scatter.add.f32 [tilespmem:s19], [sflag:$0x4], $0x80, s23, s22, $0xb8;
	[tilespmem:$0x1F000] =	vst v63  }
0x75: {  	_ =	swait.ge [sflag:s20], $0x2000  }
0x76: {  	[sflag:s20] =	ssyncset.done $0x0  }
0x77: {  	s23 =	sadd.s32 $0x180, s21;
	[sflag:s20] =	ssyncadd.s32 $0xFFFFE000  }
0x78: {  	[tilespmem:s19], [sflag:$0x1] =	stream.indirect.gather [hbm4b:s4+s22], $0x80, s23, s22, $0xb8;
	[tilespmem:$0x1F000] =	vst v63  }
0x79: {  	_ =	swait.ge [sflag:s28], $0x2000  }
0x7a: {  	[sflag:s28] =	ssyncset.done $0x0  }
0x7b: {  	s23 =	sadd.s32 $0x2880, s21;
	[sflag:s28] =	ssyncadd.s32 $0xFFFFE000  }
0x7c: {  	[spmem:s2] =	stream.indirect.scatter.add.f32 [tilespmem:s24], [sflag:$0x4], $0x80, s23, s22, $0xb8;
	[tilespmem:$0x1F000] =	vst v63  }
0x7d: {  	_ =	swait.ge [sflag:s20], $0x2000  }
0x7e: {  	[sflag:s20] =	ssyncset.done $0x0  }
0x7f: {  	s23 =	sadd.s32 $0x200, s21;
	[sflag:s20] =	ssyncadd.s32 $0xFFFFE000  }
0x80: {  	[tilespmem:s24], [sflag:$0x2] =	stream.indirect.gather [hbm4b:s4+s22], $0x80, s23, s22, $0xb8;
	[tilespmem:$0x1F000] =	vst v63  }
0x81: {  	_ =	swait.ge [sflag:s29], $0x2000  }
.Ltmp1:
0x82: {  	[sflag:s29] =	ssyncset.done $0x0;
	(pc) =	sbr.rel @p0 .LBB2_4-.Ltmp1, $4  }
0x83: {  	s21 =	sadd.s32 $0x2900, s21;
	[sflag:s29] =	ssyncadd.s32 $0xFFFFE000  }
0x84: {  	[spmem:s2] =	stream.indirect.scatter.add.f32 [tilespmem:s25], [sflag:$0x4], $0x80, s21, s22, $0xb8;
	[tilespmem:$0x1F000] =	vst v63  }
0x85: {  	_ =	swait.ge [sflag:s20], $0x2000  }
0x86: {  	s23 =	smov.u32 s1;
	s21 =	sshra.s32 s31, $0x2;
	[sflag:s20] =	ssyncset.done $0x0  }
0x87: {  	s1 =	sadd.s32 $0x100, s21;
	[sflag:s20] =	ssyncadd.s32 $0xFFFFE000  }
0x88: {  	[tilespmem:s25], [sflag:$0x3] =	stream.indirect.gather [hbm4b:s4+s22], $0x80, s1, s22, $0xb8;
	[tilespmem:$0x1F000] =	vst v63  }
0x89: {  	_ =	swait.ge [sflag:s26], $0x2000  }
0x8a: {  	[sflag:s26] =	ssyncset.done $0x0  }
0x8b: {  	s23 =	sadd.s32 $0x2800, s21;
	[sflag:s26] =	ssyncadd.s32 $0xFFFFE000  }
0x8c: {  	[spmem:s2] =	stream.indirect.scatter.add.f32 [tilespmem:s19], [sflag:$0x4], $0x80, s23, s22, $0xb8;
	[tilespmem:$0x1F000] =	vst v63  }
0x8d: {  	_ =	swait.ge [sflag:s20], $0x2000  }
0x8e: {  	[sflag:s20] =	ssyncset.done $0x0  }
0x8f: {  	s30 =	sadd.s32 $0x180, s21;
	[sflag:s20] =	ssyncadd.s32 $0xFFFFE000  }
0x90: {  	[tilespmem:s19], [sflag:$0x1] =	stream.indirect.gather [hbm4b:s4+s22], $0x80, s30, s22, $0xb8;
	[tilespmem:$0x1F000] =	vst v63  }
0x91: {  	_ =	swait.ge [sflag:s28], $0x2000  }
0x92: {  	[sflag:s28] =	ssyncset.done $0x0  }
0x93: {  	s31 =	sadd.s32 $0x2880, s21;
	[sflag:s28] =	ssyncadd.s32 $0xFFFFE000  }
0x94: {  	[spmem:s2] =	stream.indirect.scatter.add.f32 [tilespmem:s24], [sflag:$0x4], $0x80, s31, s22, $0xb8;
	[tilespmem:$0x1F000] =	vst v63  }
0x95: {  	_ =	swait.ge [sflag:s20], $0x2000  }
0x96: {  	[sflag:s20] =	ssyncset.done $0x0  }
0x97: {  	s23 =	sadd.s32 $0x200, s21;
	[sflag:s20] =	ssyncadd.s32 $0xFFFFE000  }
0x98: {  	[tilespmem:s24], [sflag:$0x2] =	stream.indirect.gather [hbm4b:s4+s22], $0x80, s23, s22, $0xb8;
	[tilespmem:$0x1F000] =	vst v63  }
0x99: {  	_ =	swait.ge [sflag:s29], $0x2000  }
0x9a: {  	[sflag:s29] =	ssyncset.done $0x0  }
0x9b: {  	s30 =	sadd.s32 $0x2900, s21;
	[sflag:s29] =	ssyncadd.s32 $0xFFFFE000  }
0x9c: {  	[spmem:s2] =	stream.indirect.scatter.add.f32 [tilespmem:s25], [sflag:$0x4], $0x80, s30, s22, $0xb8;
	[tilespmem:$0x1F000] =	vst v63  }
0x9d: {  	_ =	swait.ge [sflag:s20], $0x2000  }
0x9e: {  	[sflag:s20] =	ssyncset.done $0x0  }
0x9f: {  	s31 =	simm.s32 $0x2500;
	[sflag:s20] =	ssyncadd.s32 $0xFFFFE000  }
0xa0: {  	[tilespmem:s25], [sflag:$0x3] =	stream.indirect.gather [hbm4b:s4+s22], $0x80, s31, s22, $0xb8;
	[tilespmem:$0x1F000] =	vst v63  }
0xa1: {  	_ =	swait.ge [sflag:s26], $0x2000  }
0xa2: {  	[sflag:s26] =	ssyncset.done $0x0  }
0xa3: {  	s21 =	simm.s32 $0x4C00;
	[sflag:s26] =	ssyncadd.s32 $0xFFFFE000  }
0xa4: {  	[spmem:s2] =	stream.indirect.scatter.add.f32 [tilespmem:s19], [sflag:$0x4], $0x80, s21, s22, $0xb8;
	[tilespmem:$0x1F000] =	vst v63  }
0xa5: {  	_ =	swait.ge [sflag:s20], $0x2000  }
0xa6: {  	[sflag:s20] =	ssyncset.done $0x0  }
0xa7: {  	[sflag:s20] =	ssyncadd.s32 $0xFFFFE000  }
0xa8: {  	_ =	swait.ge [sflag:s28], $0x2000  }
0xa9: {  	[sflag:s28] =	ssyncset.done $0x0  }
0xaa: {  	s23 =	simm.s32 $0x4C80;
	[sflag:s28] =	ssyncadd.s32 $0xFFFFE000  }
0xab: {  	[spmem:s2] =	stream.indirect.scatter.add.f32 [tilespmem:s24], [sflag:$0x4], $0x80, s23, s22, $0xb8;
	[tilespmem:$0x1F000] =	vst v63  }
0xac: {  	_ =	swait.ge [sflag:s20], $0x2000  }
0xad: {  	[sflag:s20] =	ssyncset.done $0x0  }
0xae: {  	[sflag:s20] =	ssyncadd.s32 $0xFFFFE000  }
0xaf: {  	_ =	swait.ge [sflag:s29], $0x2000  }
0xb0: {  	[sflag:s29] =	ssyncset.done $0x0  }
0xb1: {  	[sflag:s29] =	ssyncadd.s32 $0xFFFFE000  }
0xb2: {  	[spmem:s2] =	stream.indirect.scatter.add.f32 [tilespmem:s25], [sflag:$0x4], $0x80, s0, s22, $0xb8;
	[tilespmem:$0x1F000] =	vst v63  }
0xb3: {  	s30 =	stileid.u32;
	_ =	swait.ge [sflag:s20], $0x2000  }
0xb4: {  	s3 =	sadd.s32 $0x1, s3;
	s1 =	sshll.u32 s30, $0x6;
	[sflag:s20] =	ssyncset.done $0x0  }
0xb5: {  	p0 =	sne.s32 s3, s9;
	s1 =	sor.u32 $0x1C04, s1;
	[sflag:s20] =	ssyncadd.s32 $0xFFFFE000  }
.Ltmp2:
0xb6: {  	s31 =	sshrl.u32 s5, $0x3;
	[bflag:$0x0] =	sbarrier.arrive $0xFFFF;
	(pc) =	sbr.rel @p0 .LBB2_1-.Ltmp2, $4  }
0xb7: {  	[hbm:s8], [sflag:s1] =	dma.local [spmem:s31], $0x2800  }
0xb8: {  	_ =	swait.ge [sflag:s20], $0x2800  }
0xb9: {  	[sflag:s20] =	ssyncset.done $0x0  }
0xba: {  	[sflag:s20] =	ssyncadd.s32 $0xFFFFD800  }
0xbb: {  	_ =	sfence.sel $0x180000  }
0xbc: {  	[bflag:$0x0] =	sbarrier.arrive $0xFFFF  }
0xbd: {  	_ =	strace $0x9000004A  }
0xbe: {  	s0 =	stileid.u32;
	[bflag:$0x2] =	sbarrier.arrive $0xFFFF  }
0xbf: {  	p0 =	sne.s32 s0, $0x0;
	s0 =	rddreg [dreg:$0x2]  }
0xc0: {  	s0 =	sadd.s32 @!p0 $0x100000, s0  }
0xc1: {  	[sflag:s0] =	ssyncadd.tile.s32 @!p0 $0x1;
	_ =	shalt  }
.Lfunc_end2:
_tile_overlayer_lowered:
.L_overlay_start_2:
0xc2: {  	(tag) =	ssettag $0x2  }
0xc3: {  	s0 =	rddreg [dreg:$0x0];
	s2 =	stileid.u32  }
0xc4: {  	s1 =	rddreg [dreg:$0x1];
	p0 =	sne.s32 s2, $0x0  }
0xc5: {  	s3 =	rddreg [dreg:$0x2];
	[bflag:$0x3] =	sbarrier.arrive $0xFFFF;
	s2 =	simm.s32 @!p0 $0x1C04  }
0xc6: {  	[timem:s3], [sflag:s2] =	dma.local @!p0 [hbm:s0], s1  }
0xc7: {  	s0 =	simm.s32 @!p0 $0x4  }
0xc8: {  	_ =	swait.ge @!p0 [sflag:s0], s1  }
0xc9: {  	s1 =	ssub.s32 @!p0 $0x0, s1;
	[sflag:s0] =	ssyncset.done @!p0 $0x0  }
0xca: {  	[sflag:s0] =	ssyncadd.s32 @!p0 s1  }
0xcb: {  	[bflag:$0x3] =	sbarrier.arrive $0xFFFF  }
0xcc: {  	_ =	shalt  }

// kernel: kernel.16.cloned.1.call-start
scs
__scs_entry_jumppad:
0x0: {  	(pc) =	sbr.rel $0x88, $3  }
0x1: {  	(tag) =	ssettag $0x0;
	lr =	simm.s32 $0x1  }
0x2: {  	[smem:$0x3F98] =	sst lr;
	_ =	strace $0xD0000000  }
0x3: {  	_ = 	snop  }
0x4: {  	_ = 	snop  }
0x5: {  	_ = 	snop  }
0x6: {  	_ = 	snop  }
0x7: {  	_ = 	snop  }
__scs_overlays_trampoline_lowered:
0x8: {  	[smem:$0x3FA7] =	sst s0  }
0x9: {  	[smem:$0x3FA8] =	sst s1  }
0xa: {  	[smem:$0x3FA9] =	sst s2  }
0xb: {  	[smem:$0x3FAA] =	sst s3  }
0xc: {  	[smem:$0x3FAB] =	sst s4  }
0xd: {  	[smem:$0x3FAC] =	sst s5  }
0xe: {  	[smem:$0x3FAD] =	sst s6  }
0xf: {  	[smem:$0x3FAE] =	sst s7  }
0x10: {  	[smem:$0x3FAF] =	sst s8  }
0x11: {  	[smem:$0x3FB0] =	sst s9;
	s0 =	simm.s32 @!p0 $0x0  }
0x12: {  	s1 =	sld [smem:$0x3F96];
	s0 =	simm.s32 @p0 $0x1  }
0x13: {  	[smem:$0x3FB1] =	sst s0;
	s0 =	simm.s32 @!p1 $0x0  }
0x14: {  	s2 =	sld [smem:$0x3F95];
	s0 =	simm.s32 @p1 $0x1  }
0x15: {  	[smem:$0x3FB2] =	sst s0;
	s0 =	simm.s32 @!p2 $0x0  }
0x16: {  	s3 =	sld [smem:$0x3FDB];
	s0 =	simm.s32 @p2 $0x1  }
0x17: {  	s4 =	simm.s32 $0x1BF5;
	[smem:$0x3FB4] =	sst s0  }
0x18: {  	s0 =	sld [smem:$0x3F97];
	_ =	swait.ge [sflag:s4], $0x0  }
0x19: {  	s7 =	sld [smem:$0x3F98]  }
0x1a: {  	s8 =	sadd.s32 $0xFFFFE003, lr  }
0x1b: {  	s9 =	sadd.s32 $0xFFFFFEF7, lr;
	s5 =	simm.s32 $0xFFFFFFFF;
	p2 =	slt.u32 s8, $0xFFFFF086  }
0x1c: {  	p1 =	slt.u32 s9, $0xF7A;
	s5 =	simm.s32 @!p2 $0x0  }
0x1d: {  	s5 =	simm.s32 @p1 $0x1;
	p0 =	seq.s32 s7, s2  }
0x1e: {  	s7 =	smul.u32 @!p0 $0xF7A, s2;
	p2 =	seq.s32 @!p0 s5, $0x0  }
0x1f: {  	s9 =	smul.u32 $0xF7A, s1;
	s8 =	simm.s32 @!p0 $0x1BF5;
	p2 =	por !p2, p0  }
0x20: {  	[sflag:s8] =	ssyncset.s32 @!p0 $0xFFFFF086;
	s6 =	sadd.s32 @!p0 s3, s7;
	s7 =	simm.s32 @!p0 $0x108  }
0x21: {  	s3 =	sadd.s32 s3, s9;
	s6 =	sadd.s32 @!p0 $0x88, s6;
	s7 =	simm.s32 @p2 $0x1082  }
0x22: {  	[simem:s7], [sflag:s8] =	dma.local @!p0 [hbm:s6], $0xF7A  }
0x23: {  	s9 =	sor.u32 $0xD0000000, s2;
	s6 =	simm.s32 $0x108;
	_ =	swait.ge @!p0 [sflag:s8], $0x0  }
0x24: {  	s3 =	sadd.s32 $0x88, s3;
	s6 =	simm.s32 @!p1 $0x1082;
	[sflag:s4] =	ssyncset.s32 $0xFFFFF086  }
0x25: {  	[simem:s6], [sflag:s4] =	dma.local [hbm:s3], $0xF7A  }
0x26: {  	[smem:$0x3F98] =	sst s1;
	(tag) =	ssettag s2;
	_ =	strace s9  }
0x27: {  	s1 =	sld [smem:$0x3FA8]  }
0x28: {  	s2 =	sld [smem:$0x3FA9]  }
0x29: {  	s4 =	sld [smem:$0x3FAB]  }
0x2a: {  	p0 =	seq.s32 s5, $0x0;
	s5 =	sld [smem:$0x3FAC]  }
0x2b: {  	s6 =	sld [smem:$0x3FAD]  }
0x2c: {  	s7 =	sld [smem:$0x3FAE]  }
0x2d: {  	s3 =	simm.s32 $0x108;
	s8 =	sld [smem:$0x3FAF]  }
0x2e: {  	s3 =	simm.s32 @!p0 $0x1082;
	s9 =	sld [smem:$0x3FB0]  }
0x2f: {  	lr =	sadd.s32 s0, s3;
	s0 =	sld [smem:$0x3FA7]  }
0x30: {  	s3 =	sld [smem:$0x3FAA]  }
0x31: {  	[smem:$0x3FB3] =	sst s10  }
0x32: {  	s10 =	sld [smem:$0x3FB1];
	_ =	sdelay $0x3  }
0x33: {  	p0 =	seq.s32 s10, $0x1;
	s10 =	sld [smem:$0x3FB3];
	_ =	sdelay $0x3  }
0x34: {  	[smem:$0x3FB3] =	sst s10  }
0x35: {  	s10 =	sld [smem:$0x3FB2];
	_ =	sdelay $0x3  }
0x36: {  	p1 =	seq.s32 s10, $0x1;
	s10 =	sld [smem:$0x3FB3];
	_ =	sdelay $0x3  }
0x37: {  	[smem:$0x3FB3] =	sst s10  }
0x38: {  	s10 =	sld [smem:$0x3FB4]  }
0x39: {  	_ = 	snop;
	(pc) =	sbr.ind lr, $3  }
0x3a: {  	_ = 	snop  }
0x3b: {  	_ = 	snop  }
0x3c: {  	p2 =	seq.s32 s10, $0x1;
	s10 =	sld [smem:$0x3FB3]  }
0x3d: {  	_ =	shalt  }
0x3e: {  	_ =	shalt  }
0x3f: {  	_ =	shalt  }
0x40: {  	_ =	shalt  }
0x41: {  	_ =	shalt  }
0x42: {  	_ =	shalt  }
0x43: {  	_ =	shalt  }
0x44: {  	_ =	shalt  }
0x45: {  	_ =	shalt  }
0x46: {  	_ =	shalt  }
0x47: {  	_ =	shalt  }
0x48: {  	_ =	shalt  }
0x49: {  	_ =	shalt  }
0x4a: {  	_ =	shalt  }
0x4b: {  	_ =	shalt  }
0x4c: {  	_ =	shalt  }
0x4d: {  	_ =	shalt  }
0x4e: {  	_ =	shalt  }
0x4f: {  	_ =	shalt  }
0x50: {  	_ =	shalt  }
0x51: {  	_ =	shalt  }
0x52: {  	_ =	shalt  }
0x53: {  	_ =	shalt  }
0x54: {  	_ =	shalt  }
0x55: {  	_ =	shalt  }
0x56: {  	_ =	shalt  }
0x57: {  	_ =	shalt  }
0x58: {  	_ =	shalt  }
0x59: {  	_ =	shalt  }
0x5a: {  	_ =	shalt  }
0x5b: {  	_ =	shalt  }
0x5c: {  	_ =	shalt  }
0x5d: {  	_ =	shalt  }
0x5e: {  	_ =	shalt  }
0x5f: {  	_ =	shalt  }
0x60: {  	_ =	shalt  }
0x61: {  	_ =	shalt  }
0x62: {  	_ =	shalt  }
0x63: {  	_ =	shalt  }
0x64: {  	_ =	shalt  }
0x65: {  	_ =	shalt  }
0x66: {  	_ =	shalt  }
0x67: {  	_ =	shalt  }
0x68: {  	_ =	shalt  }
0x69: {  	_ =	shalt  }
0x6a: {  	_ =	shalt  }
0x6b: {  	_ =	shalt  }
0x6c: {  	_ =	shalt  }
0x6d: {  	_ =	shalt  }
0x6e: {  	_ =	shalt  }
0x6f: {  	_ =	shalt  }
0x70: {  	_ =	shalt  }
0x71: {  	_ =	shalt  }
0x72: {  	_ =	shalt  }
0x73: {  	_ =	shalt  }
0x74: {  	_ =	shalt  }
0x75: {  	_ =	shalt  }
0x76: {  	_ =	shalt  }
0x77: {  	_ =	shalt  }
0x78: {  	_ =	shalt  }
0x79: {  	_ =	shalt  }
0x7a: {  	_ =	shalt  }
0x7b: {  	_ =	shalt  }
0x7c: {  	_ =	shalt  }
0x7d: {  	_ =	shalt  }
0x7e: {  	_ =	shalt  }
0x7f: {  	_ =	shalt  }
0x80: {  	_ =	shalt  }
0x81: {  	_ =	shalt  }
0x82: {  	_ =	shalt  }
0x83: {  	_ =	shalt  }
0x84: {  	_ =	shalt  }
0x85: {  	_ =	shalt  }
0x86: {  	_ =	shalt  }
0x87: {  	_ =	shalt  }
.Lfunc_end0:
.L_simem_size_0:
called_computation.2_lowered:
.L_overlay_start_0:
0x88: {  	s2 =	sld [smem:$0x3FD9]  }
0x89: {  	s3 =	sld [smem:$0x3FFE];
	_ =	sdelay $0x1  }
0x8a: {  	s1 =	srdreg.scid  }
0x8b: {  	s0 =	sand.u32 $0x1, s1  }
0x8c: {  	s16 =	sshll.u32 s0, $0xA;
	s2 =	sadd.s32 s3, s2  }
0x8d: {  	s2 =	sadd.s32 s2, s16  }
0x8e: {  	[smem:$0x3FBF] =	sst s2  }
0x8f: {  	_ = 	snop  }
0x90: {  	(tm) =	ssettm $0x1  }
0x91: {  	s17 =	sld [smem:$0x3FFB];
	_ =	sdelay $0x3  }
0x92: {  	_ =	strace s17  }
0x93: {  	s2 =	sld [smem:$0x3FFC];
	_ =	sdelay $0x3  }
0x94: {  	_ =	strace s2  }
0x95: {  	s2 =	sld [smem:$0x3FFD];
	_ =	sdelay $0x3  }
0x96: {  	_ =	strace s2  }
0x97: {  	_ =	strace $0x8FFFFFFF  }
0x98: {  	s18 =	sld [smem:$0x3FDB];
	_ =	sdelay $0x1  }
0x99: {  	s19 =	simm.s32 $_scs_section_size  }
0x9a: {  	s4 =	simm.s32 $_size__tile_overlayer_lowered;
	s5 =	simm.s32 $_tile_overlayer_lowered  }
0x9b: {  	s22 =	simm.s32 $0x1BFF;
	s21 =	sshll.u32 s5, $0x1;
	s2 =	sadd.s32 s19, s18  }
0x9c: {  	s6 =	simm.s32 $0x0;
	s20 =	sshll.u32 s4, $0x1;
	s4 =	sadd.s32 s21, s2  }
0x9d: {  	[timem:s6], [sflag:s22] =	dma.local [hbm:s4], s20  }
0x9e: {  	_ =	swait.ge [sflag:s22], s20  }
0x9f: {  	s3 =	ssub.s32 $0x0, s20;
	[sflag:s22] =	ssyncset.done $0x0  }
0xa0: {  	[sflag:s22] =	ssyncadd.s32 s3;
	_ =	sdelay $0x1  }
0xa1: {  	s23 =	simm.s32 $0x1B8B  }
0xa2: {  	_ =	swait.ge [sflag:s23], $0x1  }
0xa3: {  	[sflag:s23] =	ssyncset.done $0x0  }
0xa4: {  	s25 =	simm.s32 $0x1B8E;
	s24 =	sld [smem:$0x3FFE];
	[sflag:s23] =	ssyncadd.s32 $0xFFFFFFFF  }
0xa5: {  	s26 =	simm.s32 $execute0_lowered;
	[smem:$0x3FD2] =	sst s25  }
0xa6: {  	s4 =	sshll.u32 s26, $0x1;
	_ =	strace $0x8000004C;
	[dreg:$0x1] =	wrdreg $0xFFFFFFFF  }
0xa7: {  	s28 =	simm.s32 $_size_execute0_lowered;
	s2 =	sadd.s32 s2, s4;
	[dreg:$0x0] =	wrdreg $0x0  }
0xa8: {  	s4 =	sshll.u32 s28, $0x1;
	[dreg:$0x2] =	wrdreg s2  }
0xa9: {  	[dreg:$0x3] =	wrdreg s4  }
0xaa: {  	[dreg:$0x4] =	wrdreg $0xC0  }
0xab: {  	_ =	task [dreg:s6], $0x5FFFF  }
0xac: {  	[dreg:$0x1] =	wrdreg $0xFFFFFFFF  }
0xad: {  	[dreg:$0x0] =	wrdreg $0x60  }
0xae: {  	[dreg:$0x2] =	wrdreg s24  }
0xaf: {  	[dreg:$0x3] =	wrdreg $0xB0000  }
0xb0: {  	[dreg:$0x4] =	wrdreg $0x9  }
0xb1: {  	_ =	task.clear_ibuf [dreg:s6], $0x5FFFF;
	_ =	strace $0x9000004C  }
0xb2: {  	s29 =	simm.s32 $0x9;
	_ =	strace $0x8000004E  }
0xb3: {  	_ =	swait.ge [sflag:s29], $0x1  }
0xb4: {  	[sflag:s29] =	ssyncadd.s32 $0xFFFFFFFF  }
0xb5: {  	_ =	strace $0x9000004E  }
0xb6: {  	_ =	sfence  }
0xb7: {  	s30 =	sld [smem:$0x0];
	_ =	sdelay $0x2  }
0xb8: {  	s31 =	sshll.u32 s1, $0xD;
	s1 =	sshrl.u32 s1, $0x2  }
0xb9: {  	s3 =	sand.u32 $0x4000, s31;
	s1 =	sadd.s32 s1, s30  }
0xba: {  	s0 =	sor.u32 s3, s0;
	s1 =	sshll.u32 s1, $0x11  }
0xbb: {  	s0 =	sor.u32 s1, s0  }
0xbc: {  	s0 =	sadd.s32 $0x8F2B, s0  }
0xbd: {  	[sflag:s0] =	ssyncadd.remote.s32 $0x1  }
0xbe: {  	_ =	sfence.sel $0xFFFF  }
0xbf: {  	[dreg:$0x0] =	wrdreg $0xFFFFFFFF;
	(pc) =	sbr.abs _section_cstart, $3  }
0xc0: {  	[dreg:$0x1] =	wrdreg $0xFFFFFFFF  }
0xc1: {  	_ =	task.clear_ibuf [dreg:s6], $0x2FFFF;
	_ =	strace $0x9FFFFFFF  }
0xc2: {  	(tm) =	ssettm $0x7FFFFFFF  }
0xc3: {  	_ =	shalt  }
tec
execute0_lowered:
.L_overlay_start_1:
0x0: {  	(tag) =	ssettag $0x1  }
0x1: {  	s0 =	srdreg.scid  }
0x2: {  	s4 =	stileid.u32;
	s5 =	rddreg [dreg:$0x0]  }
0x3: {  	s2 =	rddreg [dreg:$0x1];
	s3 =	simm.s32 $0x0;
	s19 =	simm.s32 $0x5000  }
0x4: {  	s20 =	simm.s32 $0x4;
	s22 =	simm.s32 $0x40;
	s24 =	simm.s32 $0x7000  }
0x5: {  	s25 =	simm.s32 $0x9000;
	s26 =	simm.s32 $0x1;
	s28 =	simm.s32 $0x2  }
0x6: {  	s29 =	simm.s32 $0x3;
	s0 =	sand.u32 $0x1, s0;
	s7 =	smul.u32 $0x2800, s4  }
0x7: {  	[smem:$0x7FF] =	sst s3;
	s8 =	smul.u32 $0x50000, s4;
	s1 =	sshll.u32 s0, $0x4  }
0x8: {  	s6 =	smul.u32 $0x28000, s0;
	_ =	strace $0x8000004D;
	s1 =	sor.u32 s4, s1  }
0x9: {  	s0 =	ssub.s32 $0x2, s0;
	s4 =	sadd.s32 $0x17000, s5;
	s1 =	smul.u32 $0x500, s1  }
0xa: {  	s31 =	sshrl.u32 s0, $0x1;
	s8 =	sshrl.u32 s8, $0x2;
	s6 =	sadd.s32 s7, s6  }
0xb: {  	s0 =	ssub.s32 s0, s31;
	s9 =	sadd.s32 s6, s5;
	s1 =	sadd.s32 s1, s5  }
0xc: {  	s5 =	sadd.s32 s8, s2;
	s8 =	sadd.s32 $0x3F000, s9;
	s9 =	smax.u32 s0, $0x1  }
0xd: {  	s0 =	simm.s32 $0x4D00;
	s6 =	sadd.s32 $0xD000, s1;
	s7 =	sadd.s32 $0x2600, s1  }
0xe: {  	s10 =	sadd.s32 $0x2000, s5;
	s11 =	sadd.s32 $0x4000, s5;
	s12 =	sadd.s32 $0x6000, s5  }
0xf: {  	s13 =	sadd.s32 $0x8000, s5;
	s14 =	sadd.s32 $0xA000, s5;
	s15 =	sadd.s32 $0xC000, s5  }
0x10: {  	v0 =	vimm.f32 $0.0e+00;
	s16 =	sadd.s32 $0xE000, s5;
	s17 =	sadd.s32 $0x10000, s5;
	s18 =	sadd.s32 $0x12000, s5  }
.LBB2_1:
0x11: {  	s21 =	simm.s32 $0x0;
	s23 =	simm.s32 $0x200  }
.LBB2_2:
0x12: {  	p0 =	sne.s32 s23, $0x7E00;
	[tilespmem:s21+$0x5070] =	vst v0  }
0x13: {  	[tilespmem:s21+$0x5000] =	vst v0  }
0x14: {  	[tilespmem:s21+$0x5010] =	vst v0  }
.Ltmp0:
0x15: {  	[tilespmem:s21+$0x5020] =	vst v0;
	(pc) =	sbr.rel @p0 .LBB2_2-.Ltmp0, $4  }
0x16: {  	[tilespmem:s21+$0x5030] =	vst v0  }
0x17: {  	[tilespmem:s21+$0x5040] =	vst v0  }
0x18: {  	[tilespmem:s21+$0x5050] =	vst v0  }
0x19: {  	[tilespmem:s21+$0x5060] =	vst v0;
	s21 =	sshra.s32 s23, $0x2;
	s23 =	sadd.s32 $0x200, s23  }
0x1a: {  	[tilespmem:s21+$0x5070] =	vst v0  }
0x1b: {  	[tilespmem:s21+$0x5000] =	vst v0  }
0x1c: {  	[tilespmem:s21+$0x5010] =	vst v0  }
0x1d: {  	[tilespmem:s21+$0x5020] =	vst v0  }
0x1e: {  	[tilespmem:s21+$0x5030] =	vst v0  }
0x1f: {  	[tilespmem:s21+$0x5040] =	vst v0  }
0x20: {  	[tilespmem:s21+$0x5050] =	vst v0  }
0x21: {  	[tilespmem:s21+$0x5060] =	vst v0  }
0x22: {  	[spmem:s5] =	stream.linear.scatter [tilespmem:s19], [sflag:$0x4], $0x2000, $0x38;
	[tilespmem:$0x1F000] =	vst v63  }
0x23: {  	_ =	swait.ge [sflag:s20], $0x2000  }
0x24: {  	[sflag:s20] =	ssyncset.done $0x0  }
0x25: {  	[sflag:s20] =	ssyncadd.s32 $0xFFFFE000  }
0x26: {  	[spmem:s10] =	stream.linear.scatter [tilespmem:s19], [sflag:$0x4], $0x2000, $0x38;
	[tilespmem:$0x1F000] =	vst v63  }
0x27: {  	_ =	swait.ge [sflag:s20], $0x2000  }
0x28: {  	[sflag:s20] =	ssyncset.done $0x0  }
0x29: {  	[sflag:s20] =	ssyncadd.s32 $0xFFFFE000  }
0x2a: {  	[spmem:s11] =	stream.linear.scatter [tilespmem:s19], [sflag:$0x4], $0x2000, $0x38;
	[tilespmem:$0x1F000] =	vst v63  }
0x2b: {  	_ =	swait.ge [sflag:s20], $0x2000  }
0x2c: {  	[sflag:s20] =	ssyncset.done $0x0  }
0x2d: {  	[sflag:s20] =	ssyncadd.s32 $0xFFFFE000  }
0x2e: {  	[spmem:s12] =	stream.linear.scatter [tilespmem:s19], [sflag:$0x4], $0x2000, $0x38;
	[tilespmem:$0x1F000] =	vst v63  }
0x2f: {  	_ =	swait.ge [sflag:s20], $0x2000  }
0x30: {  	[sflag:s20] =	ssyncset.done $0x0  }
0x31: {  	[sflag:s20] =	ssyncadd.s32 $0xFFFFE000  }
0x32: {  	[spmem:s13] =	stream.linear.scatter [tilespmem:s19], [sflag:$0x4], $0x2000, $0x38;
	[tilespmem:$0x1F000] =	vst v63  }
0x33: {  	_ =	swait.ge [sflag:s20], $0x2000  }
0x34: {  	[sflag:s20] =	ssyncset.done $0x0  }
0x35: {  	[sflag:s20] =	ssyncadd.s32 $0xFFFFE000  }
0x36: {  	[spmem:s14] =	stream.linear.scatter [tilespmem:s19], [sflag:$0x4], $0x2000, $0x38;
	[tilespmem:$0x1F000] =	vst v63  }
0x37: {  	_ =	swait.ge [sflag:s20], $0x2000  }
0x38: {  	[sflag:s20] =	ssyncset.done $0x0  }
0x39: {  	[sflag:s20] =	ssyncadd.s32 $0xFFFFE000  }
0x3a: {  	[spmem:s15] =	stream.linear.scatter [tilespmem:s19], [sflag:$0x4], $0x2000, $0x38;
	[tilespmem:$0x1F000] =	vst v63  }
0x3b: {  	_ =	swait.ge [sflag:s20], $0x2000  }
0x3c: {  	[sflag:s20] =	ssyncset.done $0x0  }
0x3d: {  	[sflag:s20] =	ssyncadd.s32 $0xFFFFE000  }
0x3e: {  	[spmem:s16] =	stream.linear.scatter [tilespmem:s19], [sflag:$0x4], $0x2000, $0x38;
	[tilespmem:$0x1F000] =	vst v63  }
0x3f: {  	_ =	swait.ge [sflag:s20], $0x2000  }
0x40: {  	[sflag:s20] =	ssyncset.done $0x0  }
0x41: {  	[sflag:s20] =	ssyncadd.s32 $0xFFFFE000  }
0x42: {  	[spmem:s17] =	stream.linear.scatter [tilespmem:s19], [sflag:$0x4], $0x2000, $0x38;
	[tilespmem:$0x1F000] =	vst v63  }
0x43: {  	_ =	swait.ge [sflag:s20], $0x2000  }
0x44: {  	[sflag:s20] =	ssyncset.done $0x0  }
0x45: {  	[sflag:s20] =	ssyncadd.s32 $0xFFFFE000  }
0x46: {  	[spmem:s18] =	stream.linear.scatter [tilespmem:s19], [sflag:$0x4], $0x2000, $0x38;
	[tilespmem:$0x1F000] =	vst v63  }
0x47: {  	_ =	swait.ge [sflag:s20], $0x2000  }
0x48: {  	[sflag:s20] =	ssyncset.done $0x0  }
0x49: {  	s31 =	simm.s32 $0x0;
	[sflag:s20] =	ssyncadd.s32 $0xFFFFE000  }
0x4a: {  	[tilespmem:s31], [sflag:$0x4] =	stream.linear.gather [hbm4b:s6+s31], $0x2580, $0x38;
	[tilespmem:$0x1F000] =	vst v63  }
0x4b: {  	_ =	swait.ge [sflag:s20], $0x2580  }
0x4c: {  	[sflag:s20] =	ssyncset.done $0x0  }
0x4d: {  	s1 =	simm.s32 $0x2800;
	[sflag:s20] =	ssyncadd.s32 $0xFFFFDA80  }
0x4e: {  	[tilespmem:s1], [sflag:$0x4] =	stream.linear.gather [hbm4b:s7+s31], $0x2580, $0x38;
	[tilespmem:$0x1F000] =	vst v63  }
0x4f: {  	_ =	swait.ge [sflag:s20], $0x2580  }
0x50: {  	[sflag:s20] =	ssyncset.done $0x0  }
0x51: {  	[sflag:s20] =	ssyncadd.s32 $0xFFFFDA80  }
0x52: {  	[bflag:$0x0] =	sbarrier.arrive $0xFFFF  }
0x53: {  	[tilespmem:s19], [sflag:$0x1] =	stream.indirect.gather [hbm4b:s4+s22], $0x80, s31, s22, $0xb8;
	[tilespmem:$0x1F000] =	vst v63  }
0x54: {  	s23 =	simm.s32 $0x80  }
0x55: {  	[tilespmem:s24], [sflag:$0x2] =	stream.indirect.gather [hbm4b:s4+s22], $0x80, s23, s22, $0xb8;
	[tilespmem:$0x1F000] =	vst v63  }
0x56: {  	s30 =	simm.s32 $0x100  }
0x57: {  	[tilespmem:s25], [sflag:$0x3] =	stream.indirect.gather [hbm4b:s4+s22], $0x80, s30, s22, $0xb8;
	[tilespmem:$0x1F000] =	vst v63  }
0x58: {  	_ =	swait.ge [sflag:s26], $0x2000  }
0x59: {  	[sflag:s26] =	ssyncset.done $0x0  }
0x5a: {  	s31 =	simm.s32 $0x2800;
	[sflag:s26] =	ssyncadd.s32 $0xFFFFE000  }
0x5b: {  	[spmem:s2] =	stream.indirect.scatter.add.f32 [tilespmem:s19], [sflag:$0x4], $0x80, s31, s22, $0xb8;
	[tilespmem:$0x1F000] =	vst v63  }
0x5c: {  	_ =	swait.ge [sflag:s20], $0x2000  }
0x5d: {  	[sflag:s20] =	ssyncset.done $0x0  }
0x5e: {  	s1 =	simm.s32 $0x180;
	[sflag:s20] =	ssyncadd.s32 $0xFFFFE000  }
0x5f: {  	[tilespmem:s19], [sflag:$0x1] =	stream.indirect.gather [hbm4b:s4+s22], $0x80, s1, s22, $0xb8;
	[tilespmem:$0x1F000] =	vst v63  }
0x60: {  	_ =	swait.ge [sflag:s28], $0x2000  }
0x61: {  	[sflag:s28] =	ssyncset.done $0x0  }
0x62: {  	s23 =	simm.s32 $0x2880;
	[sflag:s28] =	ssyncadd.s32 $0xFFFFE000  }
0x63: {  	[spmem:s2] =	stream.indirect.scatter.add.f32 [tilespmem:s24], [sflag:$0x4], $0x80, s23, s22, $0xb8;
	[tilespmem:$0x1F000] =	vst v63  }
0x64: {  	_ =	swait.ge [sflag:s20], $0x2000  }
0x65: {  	[sflag:s20] =	ssyncset.done $0x0  }
0x66: {  	s30 =	simm.s32 $0x200;
	[sflag:s20] =	ssyncadd.s32 $0xFFFFE000  }
0x67: {  	[tilespmem:s24], [sflag:$0x2] =	stream.indirect.gather [hbm4b:s4+s22], $0x80, s30, s22, $0xb8;
	[tilespmem:$0x1F000] =	vst v63  }
0x68: {  	_ =	swait.ge [sflag:s29], $0x2000  }
0x69: {  	[sflag:s29] =	ssyncset.done $0x0  }
0x6a: {  	s31 =	simm.s32 $0x2900;
	[sflag:s29] =	ssyncadd.s32 $0xFFFFE000  }
0x6b: {  	[spmem:s2] =	stream.indirect.scatter.add.f32 [tilespmem:s25], [sflag:$0x4], $0x80, s31, s22, $0xb8;
	[tilespmem:$0x1F000] =	vst v63  }
0x6c: {  	_ =	swait.ge [sflag:s20], $0x2000  }
0x6d: {  	s21 =	simm.s32 $0x180;
	s23 =	simm.s32 $0xC00;
	[sflag:s20] =	ssyncset.done $0x0  }
.LBB2_4:
0x6e: {  	s30 =	sadd.s32 $0x100, s21  }
0x6f: {  	[sflag:s20] =	ssyncadd.s32 $0xFFFFE000;
	s31 =	smov.u32 s23;
	s1 =	sadd.s32 $0x600, s23  }
0x70: {  	[tilespmem:s25], [sflag:$0x3] =	stream.indirect.gather [hbm4b:s4+s22], $0x80, s30, s22, $0xb8;
	[tilespmem:$0x1F000] =	vst v63  }
0x71: {  	p0 =	sne.s32 s23, $0x8A00;
	_ =	swait.ge [sflag:s26], $0x2000  }
0x72: {  	[sflag:s26] =	ssyncset.done $0x0  }
0x73: {  	s23 =	sadd.s32 $0x2800, s21;
	[sflag:s26] =	ssyncadd.s32 $0xFFFFE000  }
0x74: {  	[spmem:s2] =	stream.indirect.scatter.add.f32 [tilespmem:s19], [sflag:$0x4], $0x80, s23, s22, $0xb8;
	[tilespmem:$0x1F000] =	vst v63  }
0x75: {  	_ =	swait.ge [sflag:s20], $0x2000  }
0x76: {  	[sflag:s20] =	ssyncset.done $0x0  }
0x77: {  	s23 =	sadd.s32 $0x180, s21;
	[sflag:s20] =	ssyncadd.s32 $0xFFFFE000  }
0x78: {  	[tilespmem:s19], [sflag:$0x1] =	stream.indirect.gather [hbm4b:s4+s22], $0x80, s23, s22, $0xb8;
	[tilespmem:$0x1F000] =	vst v63  }
0x79: {  	_ =	swait.ge [sflag:s28], $0x2000  }
0x7a: {  	[sflag:s28] =	ssyncset.done $0x0  }
0x7b: {  	s23 =	sadd.s32 $0x2880, s21;
	[sflag:s28] =	ssyncadd.s32 $0xFFFFE000  }
0x7c: {  	[spmem:s2] =	stream.indirect.scatter.add.f32 [tilespmem:s24], [sflag:$0x4], $0x80, s23, s22, $0xb8;
	[tilespmem:$0x1F000] =	vst v63  }
0x7d: {  	_ =	swait.ge [sflag:s20], $0x2000  }
0x7e: {  	[sflag:s20] =	ssyncset.done $0x0  }
0x7f: {  	s23 =	sadd.s32 $0x200, s21;
	[sflag:s20] =	ssyncadd.s32 $0xFFFFE000  }
0x80: {  	[tilespmem:s24], [sflag:$0x2] =	stream.indirect.gather [hbm4b:s4+s22], $0x80, s23, s22, $0xb8;
	[tilespmem:$0x1F000] =	vst v63  }
0x81: {  	_ =	swait.ge [sflag:s29], $0x2000  }
.Ltmp1:
0x82: {  	[sflag:s29] =	ssyncset.done $0x0;
	(pc) =	sbr.rel @p0 .LBB2_4-.Ltmp1, $4  }
0x83: {  	s21 =	sadd.s32 $0x2900, s21;
	[sflag:s29] =	ssyncadd.s32 $0xFFFFE000  }
0x84: {  	[spmem:s2] =	stream.indirect.scatter.add.f32 [tilespmem:s25], [sflag:$0x4], $0x80, s21, s22, $0xb8;
	[tilespmem:$0x1F000] =	vst v63  }
0x85: {  	_ =	swait.ge [sflag:s20], $0x2000  }
0x86: {  	s23 =	smov.u32 s1;
	s21 =	sshra.s32 s31, $0x2;
	[sflag:s20] =	ssyncset.done $0x0  }
0x87: {  	s1 =	sadd.s32 $0x100, s21;
	[sflag:s20] =	ssyncadd.s32 $0xFFFFE000  }
0x88: {  	[tilespmem:s25], [sflag:$0x3] =	stream.indirect.gather [hbm4b:s4+s22], $0x80, s1, s22, $0xb8;
	[tilespmem:$0x1F000] =	vst v63  }
0x89: {  	_ =	swait.ge [sflag:s26], $0x2000  }
0x8a: {  	[sflag:s26] =	ssyncset.done $0x0  }
0x8b: {  	s23 =	sadd.s32 $0x2800, s21;
	[sflag:s26] =	ssyncadd.s32 $0xFFFFE000  }
0x8c: {  	[spmem:s2] =	stream.indirect.scatter.add.f32 [tilespmem:s19], [sflag:$0x4], $0x80, s23, s22, $0xb8;
	[tilespmem:$0x1F000] =	vst v63  }
0x8d: {  	_ =	swait.ge [sflag:s20], $0x2000  }
0x8e: {  	[sflag:s20] =	ssyncset.done $0x0  }
0x8f: {  	s30 =	sadd.s32 $0x180, s21;
	[sflag:s20] =	ssyncadd.s32 $0xFFFFE000  }
0x90: {  	[tilespmem:s19], [sflag:$0x1] =	stream.indirect.gather [hbm4b:s4+s22], $0x80, s30, s22, $0xb8;
	[tilespmem:$0x1F000] =	vst v63  }
0x91: {  	_ =	swait.ge [sflag:s28], $0x2000  }
0x92: {  	[sflag:s28] =	ssyncset.done $0x0  }
0x93: {  	s31 =	sadd.s32 $0x2880, s21;
	[sflag:s28] =	ssyncadd.s32 $0xFFFFE000  }
0x94: {  	[spmem:s2] =	stream.indirect.scatter.add.f32 [tilespmem:s24], [sflag:$0x4], $0x80, s31, s22, $0xb8;
	[tilespmem:$0x1F000] =	vst v63  }
0x95: {  	_ =	swait.ge [sflag:s20], $0x2000  }
0x96: {  	[sflag:s20] =	ssyncset.done $0x0  }
0x97: {  	s23 =	sadd.s32 $0x200, s21;
	[sflag:s20] =	ssyncadd.s32 $0xFFFFE000  }
0x98: {  	[tilespmem:s24], [sflag:$0x2] =	stream.indirect.gather [hbm4b:s4+s22], $0x80, s23, s22, $0xb8;
	[tilespmem:$0x1F000] =	vst v63  }
0x99: {  	_ =	swait.ge [sflag:s29], $0x2000  }
0x9a: {  	[sflag:s29] =	ssyncset.done $0x0  }
0x9b: {  	s30 =	sadd.s32 $0x2900, s21;
	[sflag:s29] =	ssyncadd.s32 $0xFFFFE000  }
0x9c: {  	[spmem:s2] =	stream.indirect.scatter.add.f32 [tilespmem:s25], [sflag:$0x4], $0x80, s30, s22, $0xb8;
	[tilespmem:$0x1F000] =	vst v63  }
0x9d: {  	_ =	swait.ge [sflag:s20], $0x2000  }
0x9e: {  	[sflag:s20] =	ssyncset.done $0x0  }
0x9f: {  	s31 =	simm.s32 $0x2500;
	[sflag:s20] =	ssyncadd.s32 $0xFFFFE000  }
0xa0: {  	[tilespmem:s25], [sflag:$0x3] =	stream.indirect.gather [hbm4b:s4+s22], $0x80, s31, s22, $0xb8;
	[tilespmem:$0x1F000] =	vst v63  }
0xa1: {  	_ =	swait.ge [sflag:s26], $0x2000  }
0xa2: {  	[sflag:s26] =	ssyncset.done $0x0  }
0xa3: {  	s21 =	simm.s32 $0x4C00;
	[sflag:s26] =	ssyncadd.s32 $0xFFFFE000  }
0xa4: {  	[spmem:s2] =	stream.indirect.scatter.add.f32 [tilespmem:s19], [sflag:$0x4], $0x80, s21, s22, $0xb8;
	[tilespmem:$0x1F000] =	vst v63  }
0xa5: {  	_ =	swait.ge [sflag:s20], $0x2000  }
0xa6: {  	[sflag:s20] =	ssyncset.done $0x0  }
0xa7: {  	[sflag:s20] =	ssyncadd.s32 $0xFFFFE000  }
0xa8: {  	_ =	swait.ge [sflag:s28], $0x2000  }
0xa9: {  	[sflag:s28] =	ssyncset.done $0x0  }
0xaa: {  	s23 =	simm.s32 $0x4C80;
	[sflag:s28] =	ssyncadd.s32 $0xFFFFE000  }
0xab: {  	[spmem:s2] =	stream.indirect.scatter.add.f32 [tilespmem:s24], [sflag:$0x4], $0x80, s23, s22, $0xb8;
	[tilespmem:$0x1F000] =	vst v63  }
0xac: {  	_ =	swait.ge [sflag:s20], $0x2000  }
0xad: {  	[sflag:s20] =	ssyncset.done $0x0  }
0xae: {  	[sflag:s20] =	ssyncadd.s32 $0xFFFFE000  }
0xaf: {  	_ =	swait.ge [sflag:s29], $0x2000  }
0xb0: {  	[sflag:s29] =	ssyncset.done $0x0  }
0xb1: {  	[sflag:s29] =	ssyncadd.s32 $0xFFFFE000  }
0xb2: {  	[spmem:s2] =	stream.indirect.scatter.add.f32 [tilespmem:s25], [sflag:$0x4], $0x80, s0, s22, $0xb8;
	[tilespmem:$0x1F000] =	vst v63  }
0xb3: {  	s30 =	stileid.u32;
	_ =	swait.ge [sflag:s20], $0x2000  }
0xb4: {  	s3 =	sadd.s32 $0x1, s3;
	s1 =	sshll.u32 s30, $0x6;
	[sflag:s20] =	ssyncset.done $0x0  }
0xb5: {  	p0 =	sne.s32 s3, s9;
	s1 =	sor.u32 $0x1C04, s1;
	[sflag:s20] =	ssyncadd.s32 $0xFFFFE000  }
.Ltmp2:
0xb6: {  	s31 =	sshrl.u32 s5, $0x3;
	[bflag:$0x0] =	sbarrier.arrive $0xFFFF;
	(pc) =	sbr.rel @p0 .LBB2_1-.Ltmp2, $4  }
0xb7: {  	[hbm:s8], [sflag:s1] =	dma.local [spmem:s31], $0x2800  }
0xb8: {  	_ =	swait.ge [sflag:s20], $0x2800  }
0xb9: {  	[sflag:s20] =	ssyncset.done $0x0  }
0xba: {  	[sflag:s20] =	ssyncadd.s32 $0xFFFFD800  }
0xbb: {  	_ =	sfence.sel $0x180000  }
0xbc: {  	[bflag:$0x0] =	sbarrier.arrive $0xFFFF  }
0xbd: {  	_ =	strace $0x9000004D  }
0xbe: {  	s0 =	stileid.u32;
	[bflag:$0x2] =	sbarrier.arrive $0xFFFF  }
0xbf: {  	p0 =	sne.s32 s0, $0x0;
	s0 =	rddreg [dreg:$0x2]  }
0xc0: {  	s0 =	sadd.s32 @!p0 $0x100000, s0  }
0xc1: {  	[sflag:s0] =	ssyncadd.tile.s32 @!p0 $0x1;
	_ =	shalt  }
.Lfunc_end2:
_tile_overlayer_lowered:
.L_overlay_start_2:
0xc2: {  	(tag) =	ssettag $0x2  }
0xc3: {  	s0 =	rddreg [dreg:$0x0];
	s2 =	stileid.u32  }
0xc4: {  	s1 =	rddreg [dreg:$0x1];
	p0 =	sne.s32 s2, $0x0  }
0xc5: {  	s3 =	rddreg [dreg:$0x2];
	[bflag:$0x3] =	sbarrier.arrive $0xFFFF;
	s2 =	simm.s32 @!p0 $0x1C04  }
0xc6: {  	[timem:s3], [sflag:s2] =	dma.local @!p0 [hbm:s0], s1  }
0xc7: {  	s0 =	simm.s32 @!p0 $0x4  }
0xc8: {  	_ =	swait.ge @!p0 [sflag:s0], s1  }
0xc9: {  	s1 =	ssub.s32 @!p0 $0x0, s1;
	[sflag:s0] =	ssyncset.done @!p0 $0x0  }
0xca: {  	[sflag:s0] =	ssyncadd.s32 @!p0 s1  }
0xcb: {  	[bflag:$0x3] =	sbarrier.arrive $0xFFFF  }
0xcc: {  	_ =	shalt  }

// kernel: kernel.19.cloned.1.call-start
scs
__scs_entry_jumppad:
0x0: {  	(pc) =	sbr.rel $0x88, $3  }
0x1: {  	(tag) =	ssettag $0x0;
	lr =	simm.s32 $0x1  }
0x2: {  	[smem:$0x3F98] =	sst lr;
	_ =	strace $0xD0000000  }
0x3: {  	_ = 	snop  }
0x4: {  	_ = 	snop  }
0x5: {  	_ = 	snop  }
0x6: {  	_ = 	snop  }
0x7: {  	_ = 	snop  }
__scs_overlays_trampoline_lowered:
0x8: {  	[smem:$0x3FA7] =	sst s0  }
0x9: {  	[smem:$0x3FA8] =	sst s1  }
0xa: {  	[smem:$0x3FA9] =	sst s2  }
0xb: {  	[smem:$0x3FAA] =	sst s3  }
0xc: {  	[smem:$0x3FAB] =	sst s4  }
0xd: {  	[smem:$0x3FAC] =	sst s5  }
0xe: {  	[smem:$0x3FAD] =	sst s6  }
0xf: {  	[smem:$0x3FAE] =	sst s7  }
0x10: {  	[smem:$0x3FAF] =	sst s8  }
0x11: {  	[smem:$0x3FB0] =	sst s9;
	s0 =	simm.s32 @!p0 $0x0  }
0x12: {  	s1 =	sld [smem:$0x3F96];
	s0 =	simm.s32 @p0 $0x1  }
0x13: {  	[smem:$0x3FB1] =	sst s0;
	s0 =	simm.s32 @!p1 $0x0  }
0x14: {  	s2 =	sld [smem:$0x3F95];
	s0 =	simm.s32 @p1 $0x1  }
0x15: {  	[smem:$0x3FB2] =	sst s0;
	s0 =	simm.s32 @!p2 $0x0  }
0x16: {  	s3 =	sld [smem:$0x3FDB];
	s0 =	simm.s32 @p2 $0x1  }
0x17: {  	s4 =	simm.s32 $0x1BF5;
	[smem:$0x3FB4] =	sst s0  }
0x18: {  	s0 =	sld [smem:$0x3F97];
	_ =	swait.ge [sflag:s4], $0x0  }
0x19: {  	s7 =	sld [smem:$0x3F98]  }
0x1a: {  	s8 =	sadd.s32 $0xFFFFE003, lr  }
0x1b: {  	s9 =	sadd.s32 $0xFFFFFEF7, lr;
	s5 =	simm.s32 $0xFFFFFFFF;
	p2 =	slt.u32 s8, $0xFFFFF086  }
0x1c: {  	p1 =	slt.u32 s9, $0xF7A;
	s5 =	simm.s32 @!p2 $0x0  }
0x1d: {  	s5 =	simm.s32 @p1 $0x1;
	p0 =	seq.s32 s7, s2  }
0x1e: {  	s7 =	smul.u32 @!p0 $0xF7A, s2;
	p2 =	seq.s32 @!p0 s5, $0x0  }
0x1f: {  	s9 =	smul.u32 $0xF7A, s1;
	s8 =	simm.s32 @!p0 $0x1BF5;
	p2 =	por !p2, p0  }
0x20: {  	[sflag:s8] =	ssyncset.s32 @!p0 $0xFFFFF086;
	s6 =	sadd.s32 @!p0 s3, s7;
	s7 =	simm.s32 @!p0 $0x108  }
0x21: {  	s3 =	sadd.s32 s3, s9;
	s6 =	sadd.s32 @!p0 $0x88, s6;
	s7 =	simm.s32 @p2 $0x1082  }
0x22: {  	[simem:s7], [sflag:s8] =	dma.local @!p0 [hbm:s6], $0xF7A  }
0x23: {  	s9 =	sor.u32 $0xD0000000, s2;
	s6 =	simm.s32 $0x108;
	_ =	swait.ge @!p0 [sflag:s8], $0x0  }
0x24: {  	s3 =	sadd.s32 $0x88, s3;
	s6 =	simm.s32 @!p1 $0x1082;
	[sflag:s4] =	ssyncset.s32 $0xFFFFF086  }
0x25: {  	[simem:s6], [sflag:s4] =	dma.local [hbm:s3], $0xF7A  }
0x26: {  	[smem:$0x3F98] =	sst s1;
	(tag) =	ssettag s2;
	_ =	strace s9  }
0x27: {  	s1 =	sld [smem:$0x3FA8]  }
0x28: {  	s2 =	sld [smem:$0x3FA9]  }
0x29: {  	s4 =	sld [smem:$0x3FAB]  }
0x2a: {  	p0 =	seq.s32 s5, $0x0;
	s5 =	sld [smem:$0x3FAC]  }
0x2b: {  	s6 =	sld [smem:$0x3FAD]  }
0x2c: {  	s7 =	sld [smem:$0x3FAE]  }
0x2d: {  	s3 =	simm.s32 $0x108;
	s8 =	sld [smem:$0x3FAF]  }
0x2e: {  	s3 =	simm.s32 @!p0 $0x1082;
	s9 =	sld [smem:$0x3FB0]  }
0x2f: {  	lr =	sadd.s32 s0, s3;
	s0 =	sld [smem:$0x3FA7]  }
0x30: {  	s3 =	sld [smem:$0x3FAA]  }
0x31: {  	[smem:$0x3FB3] =	sst s10  }
0x32: {  	s10 =	sld [smem:$0x3FB1];
	_ =	sdelay $0x3  }
0x33: {  	p0 =	seq.s32 s10, $0x1;
	s10 =	sld [smem:$0x3FB3];
	_ =	sdelay $0x3  }
0x34: {  	[smem:$0x3FB3] =	sst s10  }
0x35: {  	s10 =	sld [smem:$0x3FB2];
	_ =	sdelay $0x3  }
0x36: {  	p1 =	seq.s32 s10, $0x1;
	s10 =	sld [smem:$0x3FB3];
	_ =	sdelay $0x3  }
0x37: {  	[smem:$0x3FB3] =	sst s10  }
0x38: {  	s10 =	sld [smem:$0x3FB4]  }
0x39: {  	_ = 	snop;
	(pc) =	sbr.ind lr, $3  }
0x3a: {  	_ = 	snop  }
0x3b: {  	_ = 	snop  }
0x3c: {  	p2 =	seq.s32 s10, $0x1;
	s10 =	sld [smem:$0x3FB3]  }
0x3d: {  	_ =	shalt  }
0x3e: {  	_ =	shalt  }
0x3f: {  	_ =	shalt  }
0x40: {  	_ =	shalt  }
0x41: {  	_ =	shalt  }
0x42: {  	_ =	shalt  }
0x43: {  	_ =	shalt  }
0x44: {  	_ =	shalt  }
0x45: {  	_ =	shalt  }
0x46: {  	_ =	shalt  }
0x47: {  	_ =	shalt  }
0x48: {  	_ =	shalt  }
0x49: {  	_ =	shalt  }
0x4a: {  	_ =	shalt  }
0x4b: {  	_ =	shalt  }
0x4c: {  	_ =	shalt  }
0x4d: {  	_ =	shalt  }
0x4e: {  	_ =	shalt  }
0x4f: {  	_ =	shalt  }
0x50: {  	_ =	shalt  }
0x51: {  	_ =	shalt  }
0x52: {  	_ =	shalt  }
0x53: {  	_ =	shalt  }
0x54: {  	_ =	shalt  }
0x55: {  	_ =	shalt  }
0x56: {  	_ =	shalt  }
0x57: {  	_ =	shalt  }
0x58: {  	_ =	shalt  }
0x59: {  	_ =	shalt  }
0x5a: {  	_ =	shalt  }
0x5b: {  	_ =	shalt  }
0x5c: {  	_ =	shalt  }
0x5d: {  	_ =	shalt  }
0x5e: {  	_ =	shalt  }
0x5f: {  	_ =	shalt  }
0x60: {  	_ =	shalt  }
0x61: {  	_ =	shalt  }
0x62: {  	_ =	shalt  }
0x63: {  	_ =	shalt  }
0x64: {  	_ =	shalt  }
0x65: {  	_ =	shalt  }
0x66: {  	_ =	shalt  }
0x67: {  	_ =	shalt  }
0x68: {  	_ =	shalt  }
0x69: {  	_ =	shalt  }
0x6a: {  	_ =	shalt  }
0x6b: {  	_ =	shalt  }
0x6c: {  	_ =	shalt  }
0x6d: {  	_ =	shalt  }
0x6e: {  	_ =	shalt  }
0x6f: {  	_ =	shalt  }
0x70: {  	_ =	shalt  }
0x71: {  	_ =	shalt  }
0x72: {  	_ =	shalt  }
0x73: {  	_ =	shalt  }
0x74: {  	_ =	shalt  }
0x75: {  	_ =	shalt  }
0x76: {  	_ =	shalt  }
0x77: {  	_ =	shalt  }
0x78: {  	_ =	shalt  }
0x79: {  	_ =	shalt  }
0x7a: {  	_ =	shalt  }
0x7b: {  	_ =	shalt  }
0x7c: {  	_ =	shalt  }
0x7d: {  	_ =	shalt  }
0x7e: {  	_ =	shalt  }
0x7f: {  	_ =	shalt  }
0x80: {  	_ =	shalt  }
0x81: {  	_ =	shalt  }
0x82: {  	_ =	shalt  }
0x83: {  	_ =	shalt  }
0x84: {  	_ =	shalt  }
0x85: {  	_ =	shalt  }
0x86: {  	_ =	shalt  }
0x87: {  	_ =	shalt  }
.Lfunc_end0:
.L_simem_size_0:
called_computation.3_lowered:
.L_overlay_start_0:
0x88: {  	s2 =	sld [smem:$0x3FD9]  }
0x89: {  	s3 =	sld [smem:$0x3FFE];
	_ =	sdelay $0x1  }
0x8a: {  	s1 =	srdreg.scid  }
0x8b: {  	s0 =	sand.u32 $0x1, s1  }
0x8c: {  	s16 =	sshll.u32 s0, $0xA;
	s2 =	sadd.s32 s3, s2  }
0x8d: {  	s2 =	sadd.s32 s2, s16  }
0x8e: {  	[smem:$0x3FBF] =	sst s2  }
0x8f: {  	_ = 	snop  }
0x90: {  	(tm) =	ssettm $0x1  }
0x91: {  	s17 =	sld [smem:$0x3FFB];
	_ =	sdelay $0x3  }
0x92: {  	_ =	strace s17  }
0x93: {  	s2 =	sld [smem:$0x3FFC];
	_ =	sdelay $0x3  }
0x94: {  	_ =	strace s2  }
0x95: {  	s2 =	sld [smem:$0x3FFD];
	_ =	sdelay $0x3  }
0x96: {  	_ =	strace s2  }
0x97: {  	_ =	strace $0x8FFFFFFF  }
0x98: {  	s18 =	sld [smem:$0x3FDB];
	_ =	sdelay $0x1  }
0x99: {  	s19 =	simm.s32 $_scs_section_size  }
0x9a: {  	s4 =	simm.s32 $_size__tile_overlayer_lowered;
	s5 =	simm.s32 $_tile_overlayer_lowered  }
0x9b: {  	s22 =	simm.s32 $0x1BFF;
	s21 =	sshll.u32 s5, $0x1;
	s2 =	sadd.s32 s19, s18  }
0x9c: {  	s6 =	simm.s32 $0x0;
	s20 =	sshll.u32 s4, $0x1;
	s4 =	sadd.s32 s21, s2  }
0x9d: {  	[timem:s6], [sflag:s22] =	dma.local [hbm:s4], s20  }
0x9e: {  	_ =	swait.ge [sflag:s22], s20  }
0x9f: {  	s3 =	ssub.s32 $0x0, s20;
	[sflag:s22] =	ssyncset.done $0x0  }
0xa0: {  	[sflag:s22] =	ssyncadd.s32 s3;
	_ =	sdelay $0x1  }
0xa1: {  	s23 =	simm.s32 $0x1B8B  }
0xa2: {  	_ =	swait.ge [sflag:s23], $0x1  }
0xa3: {  	[sflag:s23] =	ssyncset.done $0x0  }
0xa4: {  	s25 =	simm.s32 $0x1B8E;
	s24 =	sld [smem:$0x3FFE];
	[sflag:s23] =	ssyncadd.s32 $0xFFFFFFFF  }
0xa5: {  	s26 =	simm.s32 $execute0_lowered;
	[smem:$0x3FD2] =	sst s25  }
0xa6: {  	s4 =	sshll.u32 s26, $0x1;
	_ =	strace $0x8000004F;
	[dreg:$0x1] =	wrdreg $0xFFFFFFFF  }
0xa7: {  	s28 =	simm.s32 $_size_execute0_lowered;
	s2 =	sadd.s32 s2, s4;
	[dreg:$0x0] =	wrdreg $0x0  }
0xa8: {  	s4 =	sshll.u32 s28, $0x1;
	[dreg:$0x2] =	wrdreg s2  }
0xa9: {  	[dreg:$0x3] =	wrdreg s4  }
0xaa: {  	[dreg:$0x4] =	wrdreg $0xC0  }
0xab: {  	_ =	task [dreg:s6], $0x5FFFF  }
0xac: {  	[dreg:$0x1] =	wrdreg $0xFFFFFFFF  }
0xad: {  	[dreg:$0x0] =	wrdreg $0x60  }
0xae: {  	[dreg:$0x2] =	wrdreg s24  }
0xaf: {  	[dreg:$0x3] =	wrdreg $0xB0000  }
0xb0: {  	[dreg:$0x4] =	wrdreg $0x9  }
0xb1: {  	_ =	task.clear_ibuf [dreg:s6], $0x5FFFF;
	_ =	strace $0x9000004F  }
0xb2: {  	s29 =	simm.s32 $0x9;
	_ =	strace $0x80000051  }
0xb3: {  	_ =	swait.ge [sflag:s29], $0x1  }
0xb4: {  	[sflag:s29] =	ssyncadd.s32 $0xFFFFFFFF  }
0xb5: {  	_ =	strace $0x90000051  }
0xb6: {  	_ =	sfence  }
0xb7: {  	s30 =	sld [smem:$0x0];
	_ =	sdelay $0x2  }
0xb8: {  	s31 =	sshll.u32 s1, $0xD;
	s1 =	sshrl.u32 s1, $0x2  }
0xb9: {  	s3 =	sand.u32 $0x4000, s31;
	s1 =	sadd.s32 s1, s30  }
0xba: {  	s0 =	sor.u32 s3, s0;
	s1 =	sshll.u32 s1, $0x11  }
0xbb: {  	s0 =	sor.u32 s1, s0  }
0xbc: {  	s0 =	sadd.s32 $0x8F2B, s0  }
0xbd: {  	[sflag:s0] =	ssyncadd.remote.s32 $0x1  }
0xbe: {  	_ =	sfence.sel $0xFFFF  }
0xbf: {  	[dreg:$0x0] =	wrdreg $0xFFFFFFFF;
	(pc) =	sbr.abs _section_cstart, $3  }
0xc0: {  	[dreg:$0x1] =	wrdreg $0xFFFFFFFF  }
0xc1: {  	_ =	task.clear_ibuf [dreg:s6], $0x2FFFF;
	_ =	strace $0x9FFFFFFF  }
0xc2: {  	(tm) =	ssettm $0x7FFFFFFF  }
0xc3: {  	_ =	shalt  }
tec
execute0_lowered:
.L_overlay_start_1:
0x0: {  	(tag) =	ssettag $0x1  }
0x1: {  	s0 =	srdreg.scid  }
0x2: {  	s4 =	stileid.u32;
	s5 =	rddreg [dreg:$0x0]  }
0x3: {  	s2 =	rddreg [dreg:$0x1];
	s3 =	simm.s32 $0x0;
	s19 =	simm.s32 $0x5000  }
0x4: {  	s20 =	simm.s32 $0x4;
	s22 =	simm.s32 $0x40;
	s24 =	simm.s32 $0x7000  }
0x5: {  	s25 =	simm.s32 $0x9000;
	s26 =	simm.s32 $0x1;
	s28 =	simm.s32 $0x2  }
0x6: {  	s29 =	simm.s32 $0x3;
	s0 =	sand.u32 $0x1, s0;
	s7 =	smul.u32 $0x2800, s4  }
0x7: {  	[smem:$0x7FF] =	sst s3;
	s8 =	smul.u32 $0x50000, s4;
	s1 =	sshll.u32 s0, $0x4  }
0x8: {  	s6 =	smul.u32 $0x28000, s0;
	_ =	strace $0x80000050;
	s1 =	sor.u32 s4, s1  }
0x9: {  	s0 =	ssub.s32 $0x2, s0;
	s4 =	sadd.s32 $0x17000, s5;
	s1 =	smul.u32 $0x500, s1  }
0xa: {  	s31 =	sshrl.u32 s0, $0x1;
	s8 =	sshrl.u32 s8, $0x2;
	s6 =	sadd.s32 s7, s6  }
0xb: {  	s0 =	ssub.s32 s0, s31;
	s9 =	sadd.s32 s6, s5;
	s1 =	sadd.s32 s1, s5  }
0xc: {  	s5 =	sadd.s32 s8, s2;
	s8 =	sadd.s32 $0x3F000, s9;
	s9 =	smax.u32 s0, $0x1  }
0xd: {  	s0 =	simm.s32 $0x4D00;
	s6 =	sadd.s32 $0xD000, s1;
	s7 =	sadd.s32 $0x2600, s1  }
0xe: {  	s10 =	sadd.s32 $0x2000, s5;
	s11 =	sadd.s32 $0x4000, s5;
	s12 =	sadd.s32 $0x6000, s5  }
0xf: {  	s13 =	sadd.s32 $0x8000, s5;
	s14 =	sadd.s32 $0xA000, s5;
	s15 =	sadd.s32 $0xC000, s5  }
0x10: {  	v0 =	vimm.f32 $0.0e+00;
	s16 =	sadd.s32 $0xE000, s5;
	s17 =	sadd.s32 $0x10000, s5;
	s18 =	sadd.s32 $0x12000, s5  }
.LBB2_1:
0x11: {  	s21 =	simm.s32 $0x0;
	s23 =	simm.s32 $0x200  }
.LBB2_2:
0x12: {  	p0 =	sne.s32 s23, $0x7E00;
	[tilespmem:s21+$0x5070] =	vst v0  }
0x13: {  	[tilespmem:s21+$0x5000] =	vst v0  }
0x14: {  	[tilespmem:s21+$0x5010] =	vst v0  }
.Ltmp0:
0x15: {  	[tilespmem:s21+$0x5020] =	vst v0;
	(pc) =	sbr.rel @p0 .LBB2_2-.Ltmp0, $4  }
0x16: {  	[tilespmem:s21+$0x5030] =	vst v0  }
0x17: {  	[tilespmem:s21+$0x5040] =	vst v0  }
0x18: {  	[tilespmem:s21+$0x5050] =	vst v0  }
0x19: {  	[tilespmem:s21+$0x5060] =	vst v0;
	s21 =	sshra.s32 s23, $0x2;
	s23 =	sadd.s32 $0x200, s23  }
0x1a: {  	[tilespmem:s21+$0x5070] =	vst v0  }
0x1b: {  	[tilespmem:s21+$0x5000] =	vst v0  }
0x1c: {  	[tilespmem:s21+$0x5010] =	vst v0  }
0x1d: {  	[tilespmem:s21+$0x5020] =	vst v0  }
0x1e: {  	[tilespmem:s21+$0x5030] =	vst v0  }
0x1f: {  	[tilespmem:s21+$0x5040] =	vst v0  }
0x20: {  	[tilespmem:s21+$0x5050] =	vst v0  }
0x21: {  	[tilespmem:s21+$0x5060] =	vst v0  }
0x22: {  	[spmem:s5] =	stream.linear.scatter [tilespmem:s19], [sflag:$0x4], $0x2000, $0x38;
	[tilespmem:$0x1F000] =	vst v63  }
0x23: {  	_ =	swait.ge [sflag:s20], $0x2000  }
0x24: {  	[sflag:s20] =	ssyncset.done $0x0  }
0x25: {  	[sflag:s20] =	ssyncadd.s32 $0xFFFFE000  }
0x26: {  	[spmem:s10] =	stream.linear.scatter [tilespmem:s19], [sflag:$0x4], $0x2000, $0x38;
	[tilespmem:$0x1F000] =	vst v63  }
0x27: {  	_ =	swait.ge [sflag:s20], $0x2000  }
0x28: {  	[sflag:s20] =	ssyncset.done $0x0  }
0x29: {  	[sflag:s20] =	ssyncadd.s32 $0xFFFFE000  }
0x2a: {  	[spmem:s11] =	stream.linear.scatter [tilespmem:s19], [sflag:$0x4], $0x2000, $0x38;
	[tilespmem:$0x1F000] =	vst v63  }
0x2b: {  	_ =	swait.ge [sflag:s20], $0x2000  }
0x2c: {  	[sflag:s20] =	ssyncset.done $0x0  }
0x2d: {  	[sflag:s20] =	ssyncadd.s32 $0xFFFFE000  }
0x2e: {  	[spmem:s12] =	stream.linear.scatter [tilespmem:s19], [sflag:$0x4], $0x2000, $0x38;
	[tilespmem:$0x1F000] =	vst v63  }
0x2f: {  	_ =	swait.ge [sflag:s20], $0x2000  }
0x30: {  	[sflag:s20] =	ssyncset.done $0x0  }
0x31: {  	[sflag:s20] =	ssyncadd.s32 $0xFFFFE000  }
0x32: {  	[spmem:s13] =	stream.linear.scatter [tilespmem:s19], [sflag:$0x4], $0x2000, $0x38;
	[tilespmem:$0x1F000] =	vst v63  }
0x33: {  	_ =	swait.ge [sflag:s20], $0x2000  }
0x34: {  	[sflag:s20] =	ssyncset.done $0x0  }
0x35: {  	[sflag:s20] =	ssyncadd.s32 $0xFFFFE000  }
0x36: {  	[spmem:s14] =	stream.linear.scatter [tilespmem:s19], [sflag:$0x4], $0x2000, $0x38;
	[tilespmem:$0x1F000] =	vst v63  }
0x37: {  	_ =	swait.ge [sflag:s20], $0x2000  }
0x38: {  	[sflag:s20] =	ssyncset.done $0x0  }
0x39: {  	[sflag:s20] =	ssyncadd.s32 $0xFFFFE000  }
0x3a: {  	[spmem:s15] =	stream.linear.scatter [tilespmem:s19], [sflag:$0x4], $0x2000, $0x38;
	[tilespmem:$0x1F000] =	vst v63  }
0x3b: {  	_ =	swait.ge [sflag:s20], $0x2000  }
0x3c: {  	[sflag:s20] =	ssyncset.done $0x0  }
0x3d: {  	[sflag:s20] =	ssyncadd.s32 $0xFFFFE000  }
0x3e: {  	[spmem:s16] =	stream.linear.scatter [tilespmem:s19], [sflag:$0x4], $0x2000, $0x38;
	[tilespmem:$0x1F000] =	vst v63  }
0x3f: {  	_ =	swait.ge [sflag:s20], $0x2000  }
0x40: {  	[sflag:s20] =	ssyncset.done $0x0  }
0x41: {  	[sflag:s20] =	ssyncadd.s32 $0xFFFFE000  }
0x42: {  	[spmem:s17] =	stream.linear.scatter [tilespmem:s19], [sflag:$0x4], $0x2000, $0x38;
	[tilespmem:$0x1F000] =	vst v63  }
0x43: {  	_ =	swait.ge [sflag:s20], $0x2000  }
0x44: {  	[sflag:s20] =	ssyncset.done $0x0  }
0x45: {  	[sflag:s20] =	ssyncadd.s32 $0xFFFFE000  }
0x46: {  	[spmem:s18] =	stream.linear.scatter [tilespmem:s19], [sflag:$0x4], $0x2000, $0x38;
	[tilespmem:$0x1F000] =	vst v63  }
0x47: {  	_ =	swait.ge [sflag:s20], $0x2000  }
0x48: {  	[sflag:s20] =	ssyncset.done $0x0  }
0x49: {  	s31 =	simm.s32 $0x0;
	[sflag:s20] =	ssyncadd.s32 $0xFFFFE000  }
0x4a: {  	[tilespmem:s31], [sflag:$0x4] =	stream.linear.gather [hbm4b:s6+s31], $0x2580, $0x38;
	[tilespmem:$0x1F000] =	vst v63  }
0x4b: {  	_ =	swait.ge [sflag:s20], $0x2580  }
0x4c: {  	[sflag:s20] =	ssyncset.done $0x0  }
0x4d: {  	s1 =	simm.s32 $0x2800;
	[sflag:s20] =	ssyncadd.s32 $0xFFFFDA80  }
0x4e: {  	[tilespmem:s1], [sflag:$0x4] =	stream.linear.gather [hbm4b:s7+s31], $0x2580, $0x38;
	[tilespmem:$0x1F000] =	vst v63  }
0x4f: {  	_ =	swait.ge [sflag:s20], $0x2580  }
0x50: {  	[sflag:s20] =	ssyncset.done $0x0  }
0x51: {  	[sflag:s20] =	ssyncadd.s32 $0xFFFFDA80  }
0x52: {  	[bflag:$0x0] =	sbarrier.arrive $0xFFFF  }
0x53: {  	[tilespmem:s19], [sflag:$0x1] =	stream.indirect.gather [hbm4b:s4+s22], $0x80, s31, s22, $0xb8;
	[tilespmem:$0x1F000] =	vst v63  }
0x54: {  	s23 =	simm.s32 $0x80  }
0x55: {  	[tilespmem:s24], [sflag:$0x2] =	stream.indirect.gather [hbm4b:s4+s22], $0x80, s23, s22, $0xb8;
	[tilespmem:$0x1F000] =	vst v63  }
0x56: {  	s30 =	simm.s32 $0x100  }
0x57: {  	[tilespmem:s25], [sflag:$0x3] =	stream.indirect.gather [hbm4b:s4+s22], $0x80, s30, s22, $0xb8;
	[tilespmem:$0x1F000] =	vst v63  }
0x58: {  	_ =	swait.ge [sflag:s26], $0x2000  }
0x59: {  	[sflag:s26] =	ssyncset.done $0x0  }
0x5a: {  	s31 =	simm.s32 $0x2800;
	[sflag:s26] =	ssyncadd.s32 $0xFFFFE000  }
0x5b: {  	[spmem:s2] =	stream.indirect.scatter.add.f32 [tilespmem:s19], [sflag:$0x4], $0x80, s31, s22, $0xb8;
	[tilespmem:$0x1F000] =	vst v63  }
0x5c: {  	_ =	swait.ge [sflag:s20], $0x2000  }
0x5d: {  	[sflag:s20] =	ssyncset.done $0x0  }
0x5e: {  	s1 =	simm.s32 $0x180;
	[sflag:s20] =	ssyncadd.s32 $0xFFFFE000  }
0x5f: {  	[tilespmem:s19], [sflag:$0x1] =	stream.indirect.gather [hbm4b:s4+s22], $0x80, s1, s22, $0xb8;
	[tilespmem:$0x1F000] =	vst v63  }
0x60: {  	_ =	swait.ge [sflag:s28], $0x2000  }
0x61: {  	[sflag:s28] =	ssyncset.done $0x0  }
0x62: {  	s23 =	simm.s32 $0x2880;
	[sflag:s28] =	ssyncadd.s32 $0xFFFFE000  }
0x63: {  	[spmem:s2] =	stream.indirect.scatter.add.f32 [tilespmem:s24], [sflag:$0x4], $0x80, s23, s22, $0xb8;
	[tilespmem:$0x1F000] =	vst v63  }
0x64: {  	_ =	swait.ge [sflag:s20], $0x2000  }
0x65: {  	[sflag:s20] =	ssyncset.done $0x0  }
0x66: {  	s30 =	simm.s32 $0x200;
	[sflag:s20] =	ssyncadd.s32 $0xFFFFE000  }
0x67: {  	[tilespmem:s24], [sflag:$0x2] =	stream.indirect.gather [hbm4b:s4+s22], $0x80, s30, s22, $0xb8;
	[tilespmem:$0x1F000] =	vst v63  }
0x68: {  	_ =	swait.ge [sflag:s29], $0x2000  }
0x69: {  	[sflag:s29] =	ssyncset.done $0x0  }
0x6a: {  	s31 =	simm.s32 $0x2900;
	[sflag:s29] =	ssyncadd.s32 $0xFFFFE000  }
0x6b: {  	[spmem:s2] =	stream.indirect.scatter.add.f32 [tilespmem:s25], [sflag:$0x4], $0x80, s31, s22, $0xb8;
	[tilespmem:$0x1F000] =	vst v63  }
0x6c: {  	_ =	swait.ge [sflag:s20], $0x2000  }
0x6d: {  	s21 =	simm.s32 $0x180;
	s23 =	simm.s32 $0xC00;
	[sflag:s20] =	ssyncset.done $0x0  }
.LBB2_4:
0x6e: {  	s30 =	sadd.s32 $0x100, s21  }
0x6f: {  	[sflag:s20] =	ssyncadd.s32 $0xFFFFE000;
	s31 =	smov.u32 s23;
	s1 =	sadd.s32 $0x600, s23  }
0x70: {  	[tilespmem:s25], [sflag:$0x3] =	stream.indirect.gather [hbm4b:s4+s22], $0x80, s30, s22, $0xb8;
	[tilespmem:$0x1F000] =	vst v63  }
0x71: {  	p0 =	sne.s32 s23, $0x8A00;
	_ =	swait.ge [sflag:s26], $0x2000  }
0x72: {  	[sflag:s26] =	ssyncset.done $0x0  }
0x73: {  	s23 =	sadd.s32 $0x2800, s21;
	[sflag:s26] =	ssyncadd.s32 $0xFFFFE000  }
0x74: {  	[spmem:s2] =	stream.indirect.scatter.add.f32 [tilespmem:s19], [sflag:$0x4], $0x80, s23, s22, $0xb8;
	[tilespmem:$0x1F000] =	vst v63  }
0x75: {  	_ =	swait.ge [sflag:s20], $0x2000  }
0x76: {  	[sflag:s20] =	ssyncset.done $0x0  }
0x77: {  	s23 =	sadd.s32 $0x180, s21;
	[sflag:s20] =	ssyncadd.s32 $0xFFFFE000  }
0x78: {  	[tilespmem:s19], [sflag:$0x1] =	stream.indirect.gather [hbm4b:s4+s22], $0x80, s23, s22, $0xb8;
	[tilespmem:$0x1F000] =	vst v63  }
0x79: {  	_ =	swait.ge [sflag:s28], $0x2000  }
0x7a: {  	[sflag:s28] =	ssyncset.done $0x0  }
0x7b: {  	s23 =	sadd.s32 $0x2880, s21;
	[sflag:s28] =	ssyncadd.s32 $0xFFFFE000  }
0x7c: {  	[spmem:s2] =	stream.indirect.scatter.add.f32 [tilespmem:s24], [sflag:$0x4], $0x80, s23, s22, $0xb8;
	[tilespmem:$0x1F000] =	vst v63  }
0x7d: {  	_ =	swait.ge [sflag:s20], $0x2000  }
0x7e: {  	[sflag:s20] =	ssyncset.done $0x0  }
0x7f: {  	s23 =	sadd.s32 $0x200, s21;
	[sflag:s20] =	ssyncadd.s32 $0xFFFFE000  }
0x80: {  	[tilespmem:s24], [sflag:$0x2] =	stream.indirect.gather [hbm4b:s4+s22], $0x80, s23, s22, $0xb8;
	[tilespmem:$0x1F000] =	vst v63  }
0x81: {  	_ =	swait.ge [sflag:s29], $0x2000  }
.Ltmp1:
0x82: {  	[sflag:s29] =	ssyncset.done $0x0;
	(pc) =	sbr.rel @p0 .LBB2_4-.Ltmp1, $4  }
0x83: {  	s21 =	sadd.s32 $0x2900, s21;
	[sflag:s29] =	ssyncadd.s32 $0xFFFFE000  }
0x84: {  	[spmem:s2] =	stream.indirect.scatter.add.f32 [tilespmem:s25], [sflag:$0x4], $0x80, s21, s22, $0xb8;
	[tilespmem:$0x1F000] =	vst v63  }
0x85: {  	_ =	swait.ge [sflag:s20], $0x2000  }
0x86: {  	s23 =	smov.u32 s1;
	s21 =	sshra.s32 s31, $0x2;
	[sflag:s20] =	ssyncset.done $0x0  }
0x87: {  	s1 =	sadd.s32 $0x100, s21;
	[sflag:s20] =	ssyncadd.s32 $0xFFFFE000  }
0x88: {  	[tilespmem:s25], [sflag:$0x3] =	stream.indirect.gather [hbm4b:s4+s22], $0x80, s1, s22, $0xb8;
	[tilespmem:$0x1F000] =	vst v63  }
0x89: {  	_ =	swait.ge [sflag:s26], $0x2000  }
0x8a: {  	[sflag:s26] =	ssyncset.done $0x0  }
0x8b: {  	s23 =	sadd.s32 $0x2800, s21;
	[sflag:s26] =	ssyncadd.s32 $0xFFFFE000  }
0x8c: {  	[spmem:s2] =	stream.indirect.scatter.add.f32 [tilespmem:s19], [sflag:$0x4], $0x80, s23, s22, $0xb8;
	[tilespmem:$0x1F000] =	vst v63  }
0x8d: {  	_ =	swait.ge [sflag:s20], $0x2000  }
0x8e: {  	[sflag:s20] =	ssyncset.done $0x0  }
0x8f: {  	s30 =	sadd.s32 $0x180, s21;
	[sflag:s20] =	ssyncadd.s32 $0xFFFFE000  }
0x90: {  	[tilespmem:s19], [sflag:$0x1] =	stream.indirect.gather [hbm4b:s4+s22], $0x80, s30, s22, $0xb8;
	[tilespmem:$0x1F000] =	vst v63  }
0x91: {  	_ =	swait.ge [sflag:s28], $0x2000  }
0x92: {  	[sflag:s28] =	ssyncset.done $0x0  }
0x93: {  	s31 =	sadd.s32 $0x2880, s21;
	[sflag:s28] =	ssyncadd.s32 $0xFFFFE000  }
0x94: {  	[spmem:s2] =	stream.indirect.scatter.add.f32 [tilespmem:s24], [sflag:$0x4], $0x80, s31, s22, $0xb8;
	[tilespmem:$0x1F000] =	vst v63  }
0x95: {  	_ =	swait.ge [sflag:s20], $0x2000  }
0x96: {  	[sflag:s20] =	ssyncset.done $0x0  }
0x97: {  	s23 =	sadd.s32 $0x200, s21;
	[sflag:s20] =	ssyncadd.s32 $0xFFFFE000  }
0x98: {  	[tilespmem:s24], [sflag:$0x2] =	stream.indirect.gather [hbm4b:s4+s22], $0x80, s23, s22, $0xb8;
	[tilespmem:$0x1F000] =	vst v63  }
0x99: {  	_ =	swait.ge [sflag:s29], $0x2000  }
0x9a: {  	[sflag:s29] =	ssyncset.done $0x0  }
0x9b: {  	s30 =	sadd.s32 $0x2900, s21;
	[sflag:s29] =	ssyncadd.s32 $0xFFFFE000  }
0x9c: {  	[spmem:s2] =	stream.indirect.scatter.add.f32 [tilespmem:s25], [sflag:$0x4], $0x80, s30, s22, $0xb8;
	[tilespmem:$0x1F000] =	vst v63  }
0x9d: {  	_ =	swait.ge [sflag:s20], $0x2000  }
0x9e: {  	[sflag:s20] =	ssyncset.done $0x0  }
0x9f: {  	s31 =	simm.s32 $0x2500;
	[sflag:s20] =	ssyncadd.s32 $0xFFFFE000  }
0xa0: {  	[tilespmem:s25], [sflag:$0x3] =	stream.indirect.gather [hbm4b:s4+s22], $0x80, s31, s22, $0xb8;
	[tilespmem:$0x1F000] =	vst v63  }
0xa1: {  	_ =	swait.ge [sflag:s26], $0x2000  }
0xa2: {  	[sflag:s26] =	ssyncset.done $0x0  }
0xa3: {  	s21 =	simm.s32 $0x4C00;
	[sflag:s26] =	ssyncadd.s32 $0xFFFFE000  }
0xa4: {  	[spmem:s2] =	stream.indirect.scatter.add.f32 [tilespmem:s19], [sflag:$0x4], $0x80, s21, s22, $0xb8;
	[tilespmem:$0x1F000] =	vst v63  }
0xa5: {  	_ =	swait.ge [sflag:s20], $0x2000  }
0xa6: {  	[sflag:s20] =	ssyncset.done $0x0  }
0xa7: {  	[sflag:s20] =	ssyncadd.s32 $0xFFFFE000  }
0xa8: {  	_ =	swait.ge [sflag:s28], $0x2000  }
0xa9: {  	[sflag:s28] =	ssyncset.done $0x0  }
0xaa: {  	s23 =	simm.s32 $0x4C80;
	[sflag:s28] =	ssyncadd.s32 $0xFFFFE000  }
0xab: {  	[spmem:s2] =	stream.indirect.scatter.add.f32 [tilespmem:s24], [sflag:$0x4], $0x80, s23, s22, $0xb8;
	[tilespmem:$0x1F000] =	vst v63  }
0xac: {  	_ =	swait.ge [sflag:s20], $0x2000  }
0xad: {  	[sflag:s20] =	ssyncset.done $0x0  }
0xae: {  	[sflag:s20] =	ssyncadd.s32 $0xFFFFE000  }
0xaf: {  	_ =	swait.ge [sflag:s29], $0x2000  }
0xb0: {  	[sflag:s29] =	ssyncset.done $0x0  }
0xb1: {  	[sflag:s29] =	ssyncadd.s32 $0xFFFFE000  }
0xb2: {  	[spmem:s2] =	stream.indirect.scatter.add.f32 [tilespmem:s25], [sflag:$0x4], $0x80, s0, s22, $0xb8;
	[tilespmem:$0x1F000] =	vst v63  }
0xb3: {  	s30 =	stileid.u32;
	_ =	swait.ge [sflag:s20], $0x2000  }
0xb4: {  	s3 =	sadd.s32 $0x1, s3;
	s1 =	sshll.u32 s30, $0x6;
	[sflag:s20] =	ssyncset.done $0x0  }
0xb5: {  	p0 =	sne.s32 s3, s9;
	s1 =	sor.u32 $0x1C04, s1;
	[sflag:s20] =	ssyncadd.s32 $0xFFFFE000  }
.Ltmp2:
0xb6: {  	s31 =	sshrl.u32 s5, $0x3;
	[bflag:$0x0] =	sbarrier.arrive $0xFFFF;
	(pc) =	sbr.rel @p0 .LBB2_1-.Ltmp2, $4  }
0xb7: {  	[hbm:s8], [sflag:s1] =	dma.local [spmem:s31], $0x2800  }
0xb8: {  	_ =	swait.ge [sflag:s20], $0x2800  }
0xb9: {  	[sflag:s20] =	ssyncset.done $0x0  }
0xba: {  	[sflag:s20] =	ssyncadd.s32 $0xFFFFD800  }
0xbb: {  	_ =	sfence.sel $0x180000  }
0xbc: {  	[bflag:$0x0] =	sbarrier.arrive $0xFFFF  }
0xbd: {  	_ =	strace $0x90000050  }
0xbe: {  	s0 =	stileid.u32;
	[bflag:$0x2] =	sbarrier.arrive $0xFFFF  }
0xbf: {  	p0 =	sne.s32 s0, $0x0;
	s0 =	rddreg [dreg:$0x2]  }
0xc0: {  	s0 =	sadd.s32 @!p0 $0x100000, s0  }
0xc1: {  	[sflag:s0] =	ssyncadd.tile.s32 @!p0 $0x1;
	_ =	shalt  }
.Lfunc_end2:
_tile_overlayer_lowered:
.L_overlay_start_2:
0xc2: {  	(tag) =	ssettag $0x2  }
0xc3: {  	s0 =	rddreg [dreg:$0x0];
	s2 =	stileid.u32  }
0xc4: {  	s1 =	rddreg [dreg:$0x1];
	p0 =	sne.s32 s2, $0x0  }
0xc5: {  	s3 =	rddreg [dreg:$0x2];
	[bflag:$0x3] =	sbarrier.arrive $0xFFFF;
	s2 =	simm.s32 @!p0 $0x1C04  }
0xc6: {  	[timem:s3], [sflag:s2] =	dma.local @!p0 [hbm:s0], s1  }
0xc7: {  	s0 =	simm.s32 @!p0 $0x4  }
0xc8: {  	_ =	swait.ge @!p0 [sflag:s0], s1  }
0xc9: {  	s1 =	ssub.s32 @!p0 $0x0, s1;
	[sflag:s0] =	ssyncset.done @!p0 $0x0  }
0xca: {  	[sflag:s0] =	ssyncadd.s32 @!p0 s1  }
0xcb: {  	[bflag:$0x3] =	sbarrier.arrive $0xFFFF  }
0xcc: {  	_ =	shalt  }

</sc_bundles>
